<compile_context>
chip_gen: v7x
topology: tpu7x:2x2x1
jax: 0.10.2.dev20260603
libtpu: 0.0.44.dev20260713+nightly
codegen_flags: <defaults>
</compile_context>

<pallas_src>
import functools

import jax
import jax.numpy as jnp
from jax import lax
from jax.experimental import pallas as pl
from jax.experimental.pallas import tpu as pltpu
from jax.experimental.pallas import tpu_sc as plsc

N = 10000
E = 320000
D = 128
L = 14

NCORE = 2
NSUB = 16
LANES = 16
NW = NCORE * NSUB

EPT = E // NW
K = 128
NCH = EPT // K
REM = EPT - NCH * K

RC = 64
NRC = N // RC
RREM = N - NRC * RC

_sc_mesh = plsc.VectorSubcoreMesh(core_axis_name="c", subcore_axis_name="s")


@functools.partial(
    pl.kernel,
    out_type=jax.ShapeDtypeStruct((NCORE, N, D), jnp.float32),
    mesh=_sc_mesh,
    scratch_types=[
        pltpu.VMEM((K,), jnp.int32),
        pltpu.VMEM((K,), jnp.int32),
        pltpu.VMEM((K, D), jnp.float32),
        pltpu.VMEM((K,), jnp.int32),
        pltpu.VMEM((K,), jnp.int32),
        pltpu.VMEM((K, D), jnp.float32),
        pltpu.VMEM((REM,), jnp.int32),
        pltpu.VMEM((REM,), jnp.int32),
        pltpu.VMEM((REM, D), jnp.float32),
        pltpu.VMEM((RC, D), jnp.float32),
        pltpu.VMEM_SHARED((N, D), jnp.float32),
        pltpu.SemaphoreType.DMA,
        pltpu.SemaphoreType.DMA,
        pltpu.SemaphoreType.DMA,
        pltpu.SemaphoreType.DMA,
        pltpu.SemaphoreType.DMA,
        pltpu.SemaphoreType.DMA,
    ],
)
def _sc_segsum(src, dst, h, out, src_v0, dst_v0, rows0, src_v1, dst_v1,
               rows1, srcr_v, dstr_v, rowsr, stage, agg, sem0, sem1,
               isems0, isemd0, isems1, isemd1):
    c = lax.axis_index("c")
    s = lax.axis_index("s")

    @pl.loop(0, RC)
    def _zrow(i):
        for k in range(D // LANES):
            stage[i, pl.ds(k * LANES, LANES)] = jnp.zeros((LANES,),
                                                          jnp.float32)

    @pl.loop(0, (NRC + NSUB - 1) // NSUB)
    def _zchunk(m):
        jj = m * NSUB + s

        @pl.when(jj < NRC)
        def _():
            pltpu.sync_copy(stage, agg.at[pl.ds(jj * RC, RC)])

    @pl.when(s == NRC % NSUB)
    def _():
        pltpu.sync_copy(stage.at[pl.ds(0, RREM)],
                        agg.at[pl.ds(NRC * RC, RREM)])

    plsc.subcore_barrier()

    ebase = (c * NSUB + s) * EPT
    bufs = ((src_v0, dst_v0, rows0, sem0, isems0, isemd0),
            (src_v1, dst_v1, rows1, sem1, isems1, isemd1))

    def _fire_idx(j, buf):
        sv, dv, rw, sm, isms, ismd = buf
        pltpu.async_copy(src.at[pl.ds(ebase + j * K, K)], sv, isms)
        pltpu.async_copy(dst.at[pl.ds(ebase + j * K, K)], dv, ismd)

    def _wait_idx(j, buf):
        sv, dv, rw, sm, isms, ismd = buf
        pltpu.make_async_copy(src.at[pl.ds(ebase + j * K, K)], sv,
                              isms).wait()
        pltpu.make_async_copy(dst.at[pl.ds(ebase + j * K, K)], dv,
                              ismd).wait()

    def _fire_gather(buf):
        sv, dv, rw, sm, isms, ismd = buf
        pltpu.async_copy(h.at[sv], rw, sm)

    def _scatter(buf):
        sv, dv, rw, sm, isms, ismd = buf
        pltpu.make_async_copy(h.at[sv], rw, sm).wait()
        pltpu.sync_copy(rw, agg.at[dv], add=True)

    _fire_idx(0, bufs[0])
    _wait_idx(0, bufs[0])
    _fire_gather(bufs[0])
    _fire_idx(1, bufs[1])

    @pl.loop(0, NCH // 2 - 1)
    def _chunk(m):
        j = 2 * m
        _wait_idx(j + 1, bufs[1])
        _fire_gather(bufs[1])
        _scatter(bufs[0])
        _fire_idx(j + 2, bufs[0])
        _wait_idx(j + 2, bufs[0])
        _fire_gather(bufs[0])
        _scatter(bufs[1])
        _fire_idx(j + 3, bufs[1])

    _wait_idx(NCH - 1, bufs[1])
    _fire_gather(bufs[1])
    _scatter(bufs[0])
    _scatter(bufs[1])

    base = ebase + NCH * K
    pltpu.sync_copy(src.at[pl.ds(base, REM)], srcr_v)
    pltpu.sync_copy(dst.at[pl.ds(base, REM)], dstr_v)
    pltpu.async_copy(h.at[srcr_v], rowsr, sem0).wait()
    pltpu.sync_copy(rowsr, agg.at[dstr_v], add=True)

    plsc.subcore_barrier()

    @pl.loop(0, (NRC + NSUB - 1) // NSUB)
    def _wchunk(m):
        jj = m * NSUB + s

        @pl.when(jj < NRC)
        def _():
            pltpu.sync_copy(agg.at[pl.ds(jj * RC, RC)], stage)
            pltpu.sync_copy(stage, out.at[c, pl.ds(jj * RC, RC), :])

    @pl.when(s == NRC % NSUB)
    def _():
        pltpu.sync_copy(agg.at[pl.ds(NRC * RC, RREM)],
                        stage.at[pl.ds(0, RREM)])
        pltpu.sync_copy(stage.at[pl.ds(0, RREM)],
                        out.at[c, pl.ds(NRC * RC, RREM), :])


RT = 2000

_bs2 = pl.BlockSpec((RT, D), lambda r: (r, 0))
_bs3 = pl.BlockSpec((NCORE, RT, D), lambda r: (0, r, 0))
_bsw = pl.BlockSpec((D, D), lambda r: (0, 0))
_bsb = pl.BlockSpec((1, D), lambda r: (0, 0))
_out2 = jax.ShapeDtypeStruct((N, D), jnp.float32)


def _mm_body(x_ref, w_ref, h_ref):
    h_ref[...] = jnp.dot(x_ref[...], w_ref[...],
                         preferred_element_type=jnp.float32)


_mm = pl.pallas_call(
    _mm_body, grid=(N // RT,), in_specs=[_bs2, _bsw], out_specs=_bs2,
    out_shape=_out2)


def _epilogue(aggp_ref, h_ref, deg_ref, b_ref):
    agg = aggp_ref[0] + aggp_ref[1] + h_ref[...]
    deg = deg_ref[0, :, 0] + deg_ref[1, :, 0] + 1.0
    return jnp.maximum(agg * (1.0 / deg)[:, None] + b_ref[0], 0.0)


def _layer_a_body(aggp_ref, h_ref, deg_ref, b_ref, w_ref, hout_ref):
    y = _epilogue(aggp_ref, h_ref, deg_ref, b_ref)
    hout_ref[...] = jnp.dot(y, w_ref[...], preferred_element_type=jnp.float32)


_layer_a = pl.pallas_call(
    _layer_a_body, grid=(N // RT,),
    in_specs=[_bs3, _bs2, _bs3, _bsb, _bsw], out_specs=_bs2,
    out_shape=_out2)


def _layer_b_body(aggp_ref, h_ref, deg_ref, b_ref, w_ref, temp_ref,
                  hout_ref, x_ref):
    y = _epilogue(aggp_ref, h_ref, deg_ref, b_ref) + temp_ref[...]
    x_ref[...] = y
    hout_ref[...] = jnp.dot(y, w_ref[...], preferred_element_type=jnp.float32)


_layer_b = pl.pallas_call(
    _layer_b_body, grid=(N // RT,),
    in_specs=[_bs3, _bs2, _bs3, _bsb, _bsw, _bs2],
    out_specs=(_bs2, _bs2), out_shape=(_out2, _out2))


def kernel(mesh, shape_features, W, b):
    src = mesh[0]
    dst = mesh[1]

    deg2 = _sc_segsum(src, dst, jnp.ones((N, D), jnp.float32))

    x = shape_features
    h = _mm(x, W[0])
    w_odd = W[1::2]
    w_next = jnp.concatenate([W[2::2], W[:1]])
    b_even = b[0::2]
    b_odd = b[1::2]

    def step(carry, xs):
        h, temp = carry
        w_o, w_n, b_e, b_o = xs
        aggp = _sc_segsum(src, dst, h)
        h = _layer_a(aggp, h, deg2, b_e[None], w_o)
        aggp = _sc_segsum(src, dst, h)
        h, temp = _layer_b(aggp, h, deg2, b_o[None], w_n, temp)
        return (h, temp), None

    (_, x), _ = lax.scan(step, (h, x), (w_odd, w_next, b_even, b_odd))
    return x

# --- scband reference (transcript-rebuilt; emitter-appended) ---
"""Pipeline reference for scband-gres-net-71528385347982 (READ-ONLY COPY).

The authoritative reference and input builder live on the scoring server;
editing this copy changes nothing except your own understanding.
"""

import jax, jax.numpy as jnp
import numpy as np

N = 10000
E = 320000
D = 128
L = 14


def setup_inputs(seed: int = 0) -> dict:
    key = jax.random.key(seed)
    k1, k2, k3 = jax.random.split(key, 3)
    mesh = jax.random.randint(k1, (2, E), 0, N, dtype=jnp.int32)
    shape_features = jax.random.normal(k2, (N, D), dtype=jnp.float32)
    W = jax.random.normal(k3, (L, D, D), dtype=jnp.float32) * 0.05
    b = jnp.zeros((L, D), dtype=jnp.float32)
    return {"mesh": mesh, "shape_features": shape_features, "W": W, "b": b}


def _gcn_layer(x, src, dst, deg_inv, W, b):
    # GraphConvolution (Kipf-style with self loops): A_hat @ x @ W + b
    h = x @ W
    agg = jax.ops.segment_sum(h[src], dst, num_segments=N)
    return (agg + h) * deg_inv + b


def reference(mesh, shape_features, W, b):
    src = mesh[0]
    dst = mesh[1]
    deg = jax.ops.segment_sum(jnp.ones((E,), jnp.float32), dst, num_segments=N) + 1.0
    deg_inv = (1.0 / deg)[:, None]
    x = shape_features
    for i in range(0, L, 2):
        temp = x
        x = jax.nn.relu(_gcn_layer(x, src, dst, deg_inv, W[i], b[i]))
        x = jax.nn.relu(_gcn_layer(x, src, dst, deg_inv, W[i + 1], b[i + 1]))
        x = x + temp
    return x

if __name__ == "__main__":
    import jax
    _d = setup_inputs()
    print(jax.jit(kernel)(*tuple(_d.values())))

</pallas_src>

<mosaic_0001>
#map = affine_map<(d0, d1) -> (0)>
#map1 = affine_map<(d0, d1) -> (0, 0)>
#map2 = affine_map<(d0, d1) -> (0, 0, 0)>
module attributes {stable_mosaic.version = 14 : i64} {
  func.func @_sc_segsum(%arg0: i32, %arg1: i32, %arg2: memref<320000xi32, #tpu.memory_space<hbm>>, %arg3: memref<320000xi32, #tpu.memory_space<hbm>>, %arg4: memref<10000x128xf32, #tpu.memory_space<hbm>>, %arg5: memref<2x10000x128xf32, #tpu.memory_space<hbm>>, %arg6: memref<128xi32, #tpu.memory_space<vmem>>, %arg7: memref<128xi32, #tpu.memory_space<vmem>>, %arg8: memref<128x128xf32, #tpu.memory_space<vmem>>, %arg9: memref<128xi32, #tpu.memory_space<vmem>>, %arg10: memref<128xi32, #tpu.memory_space<vmem>>, %arg11: memref<128x128xf32, #tpu.memory_space<vmem>>, %arg12: memref<16xi32, #tpu.memory_space<vmem>>, %arg13: memref<16xi32, #tpu.memory_space<vmem>>, %arg14: memref<16x128xf32, #tpu.memory_space<vmem>>, %arg15: memref<64x128xf32, #tpu.memory_space<vmem>>, %arg16: memref<10000x128xf32, #tpu.memory_space<vmem_shared>>, %arg17: memref<!tpu.dma_semaphore, #tpu.memory_space<semaphore_mem>>, %arg18: memref<!tpu.dma_semaphore, #tpu.memory_space<semaphore_mem>>, %arg19: memref<!tpu.dma_semaphore, #tpu.memory_space<semaphore_mem>>, %arg20: memref<!tpu.dma_semaphore, #tpu.memory_space<semaphore_mem>>, %arg21: memref<!tpu.dma_semaphore, #tpu.memory_space<semaphore_mem>>, %arg22: memref<!tpu.dma_semaphore, #tpu.memory_space<semaphore_mem>>) attributes {dimension_semantics = [#tpu.dimension_semantics<core_parallel>, #tpu.dimension_semantics<subcore_parallel>], iteration_bounds = array<i64: 2, 16>, scalar_prefetch = 0 : i64, scratch_operands = 17 : i64, tpu.core_type = #tpu.core_type<sc_vector_subcore>, window_params = [{transform_indices = #map}, {transform_indices = #map}, {transform_indices = #map1}, {transform_indices = #map2}]} {
    %scan3A = arith.constant 0 : i32
    %scan3A_0 = arith.constant 64 : i32
    %scan3A_1 = arith.addi %scan3A, %scan3A_0 : i32
    %scan3A_2 = arith.constant 1 : i32
    scf.for %scan3A_80 = %scan3A to %scan3A_1 step %scan3A_2  : i32 {
      %mul3A_81 = arith.constant 1 : i32
      %mul3A_82 = arith.muli %scan3A_80, %mul3A_81 : i32
      %add3A_83 = arith.constant 0 : i32
      %add3A_84 = arith.addi %add3A_83, %mul3A_82 : i32
      %broadcast_in_dim3A = arith.constant 0.000000e+00 : f32
      %broadcast_in_dim3A_85 = vector.broadcast %broadcast_in_dim3A : f32 to vector<16xf32>
      %swap3A = arith.index_cast %add3A_84 : i32 to index
      %swap3A_86 = arith.constant 0 : index
      %swap3A_87 = tpu.vector_load %arg15[%swap3A, %swap3A_86] {strides = array<i32>} : memref<64x128xf32, #tpu.memory_space<vmem>>, vector<1x16xf32>,
      %swap3A_88 = vector.shape_cast %swap3A_87 : vector<1x16xf32> to vector<16xf32>
      %swap3A_89 = vector.shape_cast %broadcast_in_dim3A_85 : vector<16xf32> to vector<1x16xf32>
      tpu.vector_store %arg15[%swap3A, %swap3A_86], %swap3A_89 {strides = array<i32>} : memref<64x128xf32, #tpu.memory_space<vmem>>, vector<1x16xf32>,
      %broadcast_in_dim3A_90 = arith.constant 0.000000e+00 : f32
      %broadcast_in_dim3A_91 = vector.broadcast %broadcast_in_dim3A_90 : f32 to vector<16xf32>
      %swap3A_92 = arith.index_cast %add3A_84 : i32 to index
      %swap3A_93 = arith.constant 16 : index
      %swap3A_94 = tpu.vector_load %arg15[%swap3A_92, %swap3A_93] {strides = array<i32>} : memref<64x128xf32, #tpu.memory_space<vmem>>, vector<1x16xf32>,
      %swap3A_95 = vector.shape_cast %swap3A_94 : vector<1x16xf32> to vector<16xf32>
      %swap3A_96 = vector.shape_cast %broadcast_in_dim3A_91 : vector<16xf32> to vector<1x16xf32>
      tpu.vector_store %arg15[%swap3A_92, %swap3A_93], %swap3A_96 {strides = array<i32>} : memref<64x128xf32, #tpu.memory_space<vmem>>, vector<1x16xf32>,
      %broadcast_in_dim3A_97 = arith.constant 0.000000e+00 : f32
      %broadcast_in_dim3A_98 = vector.broadcast %broadcast_in_dim3A_97 : f32 to vector<16xf32>
      %swap3A_99 = arith.index_cast %add3A_84 : i32 to index
      %swap3A_100 = arith.constant 32 : index
      %swap3A_101 = tpu.vector_load %arg15[%swap3A_99, %swap3A_100] {strides = array<i32>} : memref<64x128xf32, #tpu.memory_space<vmem>>, vector<1x16xf32>,
      %swap3A_102 = vector.shape_cast %swap3A_101 : vector<1x16xf32> to vector<16xf32>
      %swap3A_103 = vector.shape_cast %broadcast_in_dim3A_98 : vector<16xf32> to vector<1x16xf32>
      tpu.vector_store %arg15[%swap3A_99, %swap3A_100], %swap3A_103 {strides = array<i32>} : memref<64x128xf32, #tpu.memory_space<vmem>>, vector<1x16xf32>,
      %broadcast_in_dim3A_104 = arith.constant 0.000000e+00 : f32
      %broadcast_in_dim3A_105 = vector.broadcast %broadcast_in_dim3A_104 : f32 to vector<16xf32>
      %swap3A_106 = arith.index_cast %add3A_84 : i32 to index
      %swap3A_107 = arith.constant 48 : index
      %swap3A_108 = tpu.vector_load %arg15[%swap3A_106, %swap3A_107] {strides = array<i32>} : memref<64x128xf32, #tpu.memory_space<vmem>>, vector<1x16xf32>,
      %swap3A_109 = vector.shape_cast %swap3A_108 : vector<1x16xf32> to vector<16xf32>
      %swap3A_110 = vector.shape_cast %broadcast_in_dim3A_105 : vector<16xf32> to vector<1x16xf32>
      tpu.vector_store %arg15[%swap3A_106, %swap3A_107], %swap3A_110 {strides = array<i32>} : memref<64x128xf32, #tpu.memory_space<vmem>>, vector<1x16xf32>,
      %broadcast_in_dim3A_111 = arith.constant 0.000000e+00 : f32
      %broadcast_in_dim3A_112 = vector.broadcast %broadcast_in_dim3A_111 : f32 to vector<16xf32>
      %swap3A_113 = arith.index_cast %add3A_84 : i32 to index
      %swap3A_114 = arith.constant 64 : index
      %swap3A_115 = tpu.vector_load %arg15[%swap3A_113, %swap3A_114] {strides = array<i32>} : memref<64x128xf32, #tpu.memory_space<vmem>>, vector<1x16xf32>,
      %swap3A_116 = vector.shape_cast %swap3A_115 : vector<1x16xf32> to vector<16xf32>
      %swap3A_117 = vector.shape_cast %broadcast_in_dim3A_112 : vector<16xf32> to vector<1x16xf32>
      tpu.vector_store %arg15[%swap3A_113, %swap3A_114], %swap3A_117 {strides = array<i32>} : memref<64x128xf32, #tpu.memory_space<vmem>>, vector<1x16xf32>,
      %broadcast_in_dim3A_118 = arith.constant 0.000000e+00 : f32
      %broadcast_in_dim3A_119 = vector.broadcast %broadcast_in_dim3A_118 : f32 to vector<16xf32>
      %swap3A_120 = arith.index_cast %add3A_84 : i32 to index
      %swap3A_121 = arith.constant 80 : index
      %swap3A_122 = tpu.vector_load %arg15[%swap3A_120, %swap3A_121] {strides = array<i32>} : memref<64x128xf32, #tpu.memory_space<vmem>>, vector<1x16xf32>,
      %swap3A_123 = vector.shape_cast %swap3A_122 : vector<1x16xf32> to vector<16xf32>
      %swap3A_124 = vector.shape_cast %broadcast_in_dim3A_119 : vector<16xf32> to vector<1x16xf32>
      tpu.vector_store %arg15[%swap3A_120, %swap3A_121], %swap3A_124 {strides = array<i32>} : memref<64x128xf32, #tpu.memory_space<vmem>>, vector<1x16xf32>,
      %broadcast_in_dim3A_125 = arith.constant 0.000000e+00 : f32
      %broadcast_in_dim3A_126 = vector.broadcast %broadcast_in_dim3A_125 : f32 to vector<16xf32>
      %swap3A_127 = arith.index_cast %add3A_84 : i32 to index
      %swap3A_128 = arith.constant 96 : index
      %swap3A_129 = tpu.vector_load %arg15[%swap3A_127, %swap3A_128] {strides = array<i32>} : memref<64x128xf32, #tpu.memory_space<vmem>>, vector<1x16xf32>,
      %swap3A_130 = vector.shape_cast %swap3A_129 : vector<1x16xf32> to vector<16xf32>
      %swap3A_131 = vector.shape_cast %broadcast_in_dim3A_126 : vector<16xf32> to vector<1x16xf32>
      tpu.vector_store %arg15[%swap3A_127, %swap3A_128], %swap3A_131 {strides = array<i32>} : memref<64x128xf32, #tpu.memory_space<vmem>>, vector<1x16xf32>,
      %broadcast_in_dim3A_132 = arith.constant 0.000000e+00 : f32
      %broadcast_in_dim3A_133 = vector.broadcast %broadcast_in_dim3A_132 : f32 to vector<16xf32>
      %swap3A_134 = arith.index_cast %add3A_84 : i32 to index
      %swap3A_135 = arith.constant 112 : index
      %swap3A_136 = tpu.vector_load %arg15[%swap3A_134, %swap3A_135] {strides = array<i32>} : memref<64x128xf32, #tpu.memory_space<vmem>>, vector<1x16xf32>,
      %swap3A_137 = vector.shape_cast %swap3A_136 : vector<1x16xf32> to vector<16xf32>
      %swap3A_138 = vector.shape_cast %broadcast_in_dim3A_133 : vector<16xf32> to vector<1x16xf32>
      tpu.vector_store %arg15[%swap3A_134, %swap3A_135], %swap3A_138 {strides = array<i32>} : memref<64x128xf32, #tpu.memory_space<vmem>>, vector<1x16xf32>,
    }
    %scan3A_3 = arith.constant 64 : i32
    %scan3A_4 = arith.constant 0 : i32
    %scan3A_5 = arith.constant 10 : i32
    %scan3A_6 = arith.addi %scan3A_4, %scan3A_5 : i32
    %scan3A_7 = arith.constant 1 : i32
    scf.for %scan3A_80 = %scan3A_4 to %scan3A_6 step %scan3A_7  : i32 {
      %mul3A_81 = arith.constant 1 : i32
      %mul3A_82 = arith.muli %scan3A_80, %mul3A_81 : i32
      %add3A_83 = arith.constant 0 : i32
      %add3A_84 = arith.addi %add3A_83, %mul3A_82 : i32
      %mul3A_85 = arith.constant 16 : i32
      %mul3A_86 = arith.muli %add3A_84, %mul3A_85 : i32
      %add3A_87 = arith.addi %mul3A_86, %arg1 : i32
      %lt3A = arith.constant 156 : i32
      %lt3A_88 = arith.cmpi slt, %add3A_87, %lt3A : i32
      %convert_element_type3A_89 = arith.extui %lt3A_88 : i1 to i32
      %cond3A_90 = arith.constant 0 : i32
      %cond3A_91 = arith.cmpi ne, %convert_element_type3A_89, %cond3A_90 : i32
      scf.if %cond3A_91 {
        %mul3A_92 = arith.constant 64 : i32
        %mul3A_93 = arith.muli %add3A_87, %mul3A_92 : i32
        "tpu.region"() ({
          %run_scoped3A = tpu.sem_alloc : memref<!tpu.dma_semaphore, #tpu.memory_space<semaphore_mem>>
          %dma_start3A_94 = arith.constant 0 : i32
          %dma_start3A_95 = tpu.memref_slice %arg16[%mul3A_93, %dma_start3A_94] : memref<10000x128xf32, #tpu.memory_space<vmem_shared>> -> memref<64x128xf32, #tpu.memory_space<vmem_shared>>
          %dma_start3A_96 = arith.constant 0 : i32
          %dma_start3A_97 = tpu.memref_slice %arg16[%mul3A_93, %dma_start3A_96] : memref<10000x128xf32, #tpu.memory_space<vmem_shared>> -> memref<64x128xf32, #tpu.memory_space<vmem_shared>>
          tpu.enqueue_dma source(%arg15 : memref<64x128xf32, #tpu.memory_space<vmem>>) target(%dma_start3A_97 : memref<64x128xf32, #tpu.memory_space<vmem_shared>>) target_semaphore(%run_scoped3A : memref<!tpu.dma_semaphore, #tpu.memory_space<semaphore_mem>>)
          %dma_wait3A_98 = arith.constant 0 : i32
          %dma_wait3A_99 = tpu.memref_slice %arg16[%mul3A_93, %dma_wait3A_98] : memref<10000x128xf32, #tpu.memory_space<vmem_shared>> -> memref<64x128xf32, #tpu.memory_space<vmem_shared>>
          %dma_wait3A_100 = arith.constant 0 : i32
          %dma_wait3A_101 = tpu.memref_slice %arg16[%mul3A_93, %dma_wait3A_100] : memref<10000x128xf32, #tpu.memory_space<vmem_shared>> -> memref<64x128xf32, #tpu.memory_space<vmem_shared>>
          tpu.wait_dma2 semaphore(%run_scoped3A : memref<!tpu.dma_semaphore, #tpu.memory_space<semaphore_mem>>) src(%arg15 : memref<64x128xf32, #tpu.memory_space<vmem>>) dst(%dma_wait3A_101 : memref<64x128xf32, #tpu.memory_space<vmem_shared>>)
          tpu.yield
        }) : () -> ()
      } else {
      }
    }
    %scan3A_8 = arith.constant 10 : i32
    %eq3A = arith.constant 12 : i32
    %eq3A_9 = arith.cmpi eq, %arg1, %eq3A : i32
    %convert_element_type3A = arith.extui %eq3A_9 : i1 to i32
    %cond3A = arith.constant 0 : i32
    %cond3A_10 = arith.cmpi ne, %convert_element_type3A, %cond3A : i32
    scf.if %cond3A_10 {
      "tpu.region"() ({
        %run_scoped3A = tpu.sem_alloc : memref<!tpu.dma_semaphore, #tpu.memory_space<semaphore_mem>>
        %dma_start3A_80 = arith.constant 0 : i32
        %dma_start3A_81 = arith.constant 0 : i32
        %dma_start3A_82 = tpu.memref_slice %arg15[%dma_start3A_80, %dma_start3A_81] : memref<64x128xf32, #tpu.memory_space<vmem>> -> memref<16x128xf32, #tpu.memory_space<vmem>>
        %dma_start3A_83 = arith.constant 9984 : i32
        %dma_start3A_84 = arith.constant 0 : i32
        %dma_start3A_85 = tpu.memref_slice %arg16[%dma_start3A_83, %dma_start3A_84] : memref<10000x128xf32, #tpu.memory_space<vmem_shared>> -> memref<16x128xf32, #tpu.memory_space<vmem_shared>>
        %dma_start3A_86 = arith.constant 9984 : i32
        %dma_start3A_87 = arith.constant 0 : i32
        %dma_start3A_88 = tpu.memref_slice %arg16[%dma_start3A_86, %dma_start3A_87] : memref<10000x128xf32, #tpu.memory_space<vmem_shared>> -> memref<16x128xf32, #tpu.memory_space<vmem_shared>>
        %dma_start3A_89 = arith.constant 0 : i32
        %dma_start3A_90 = arith.constant 0 : i32
        %dma_start3A_91 = tpu.memref_slice %arg15[%dma_start3A_89, %dma_start3A_90] : memref<64x128xf32, #tpu.memory_space<vmem>> -> memref<16x128xf32, #tpu.memory_space<vmem>>
        tpu.enqueue_dma source(%dma_start3A_91 : memref<16x128xf32, #tpu.memory_space<vmem>>) target(%dma_start3A_88 : memref<16x128xf32, #tpu.memory_space<vmem_shared>>) target_semaphore(%run_scoped3A : memref<!tpu.dma_semaphore, #tpu.memory_space<semaphore_mem>>)
        %dma_wait3A_92 = arith.constant 0 : i32
        %dma_wait3A_93 = arith.constant 0 : i32
        %dma_wait3A_94 = tpu.memref_slice %arg15[%dma_wait3A_92, %dma_wait3A_93] : memref<64x128xf32, #tpu.memory_space<vmem>> -> memref<16x128xf32, #tpu.memory_space<vmem>>
        %dma_wait3A_95 = arith.constant 9984 : i32
        %dma_wait3A_96 = arith.constant 0 : i32
        %dma_wait3A_97 = tpu.memref_slice %arg16[%dma_wait3A_95, %dma_wait3A_96] : memref<10000x128xf32, #tpu.memory_space<vmem_shared>> -> memref<16x128xf32, #tpu.memory_space<vmem_shared>>
        %dma_wait3A_98 = arith.constant 9984 : i32
        %dma_wait3A_99 = arith.constant 0 : i32
        %dma_wait3A_100 = tpu.memref_slice %arg16[%dma_wait3A_98, %dma_wait3A_99] : memref<10000x128xf32, #tpu.memory_space<vmem_shared>> -> memref<16x128xf32, #tpu.memory_space<vmem_shared>>
        %dma_wait3A_101 = arith.constant 0 : i32
        %dma_wait3A_102 = arith.constant 0 : i32
        %dma_wait3A_103 = tpu.memref_slice %arg15[%dma_wait3A_101, %dma_wait3A_102] : memref<64x128xf32, #tpu.memory_space<vmem>> -> memref<16x128xf32, #tpu.memory_space<vmem>>
        tpu.wait_dma2 semaphore(%run_scoped3A : memref<!tpu.dma_semaphore, #tpu.memory_space<semaphore_mem>>) src(%dma_wait3A_103 : memref<16x128xf32, #tpu.memory_space<vmem>>) dst(%dma_wait3A_100 : memref<16x128xf32, #tpu.memory_space<vmem_shared>>)
        tpu.yield
      }) : () -> ()
    } else {
    }
    %barrier3A = arith.constant 0 : index
    tpu.barrier barrier_id(%barrier3A)
    %mul3A = arith.constant 16 : i32
    %mul3A_11 = arith.muli %arg0, %mul3A : i32
    %add3A = arith.addi %mul3A_11, %arg1 : i32
    %mul3A_12 = arith.constant 10000 : i32
    %mul3A_13 = arith.muli %add3A, %mul3A_12 : i32
    %add3A_14 = arith.constant 0 : i32
    %add3A_15 = arith.addi %mul3A_13, %add3A_14 : i32
    %dma_start3A = tpu.memref_slice %arg2[%add3A_15] : memref<320000xi32, #tpu.memory_space<hbm>> -> memref<128xi32, #tpu.memory_space<hbm>>
    %dma_start3A_16 = tpu.memref_slice %arg2[%add3A_15] : memref<320000xi32, #tpu.memory_space<hbm>> -> memref<128xi32, #tpu.memory_space<hbm>>
    tpu.enqueue_dma source(%dma_start3A_16 : memref<128xi32, #tpu.memory_space<hbm>>) target(%arg6 : memref<128xi32, #tpu.memory_space<vmem>>) target_semaphore(%arg19 : memref<!tpu.dma_semaphore, #tpu.memory_space<semaphore_mem>>)
    %add3A_17 = arith.constant 0 : i32
    %add3A_18 = arith.addi %mul3A_13, %add3A_17 : i32
    %dma_start3A_19 = tpu.memref_slice %arg3[%add3A_18] : memref<320000xi32, #tpu.memory_space<hbm>> -> memref<128xi32, #tpu.memory_space<hbm>>
    %dma_start3A_20 = tpu.memref_slice %arg3[%add3A_18] : memref<320000xi32, #tpu.memory_space<hbm>> -> memref<128xi32, #tpu.memory_space<hbm>>
    tpu.enqueue_dma source(%dma_start3A_20 : memref<128xi32, #tpu.memory_space<hbm>>) target(%arg7 : memref<128xi32, #tpu.memory_space<vmem>>) target_semaphore(%arg20 : memref<!tpu.dma_semaphore, #tpu.memory_space<semaphore_mem>>)
    %add3A_21 = arith.constant 0 : i32
    %add3A_22 = arith.addi %mul3A_13, %add3A_21 : i32
    %dma_wait3A = tpu.memref_slice %arg2[%add3A_22] : memref<320000xi32, #tpu.memory_space<hbm>> -> memref<128xi32, #tpu.memory_space<hbm>>
    %dma_wait3A_23 = tpu.memref_slice %arg2[%add3A_22] : memref<320000xi32, #tpu.memory_space<hbm>> -> memref<128xi32, #tpu.memory_space<hbm>>
    tpu.wait_dma2 semaphore(%arg19 : memref<!tpu.dma_semaphore, #tpu.memory_space<semaphore_mem>>) src(%dma_wait3A_23 : memref<128xi32, #tpu.memory_space<hbm>>) dst(%arg6 : memref<128xi32, #tpu.memory_space<vmem>>)
    %add3A_24 = arith.constant 0 : i32
    %add3A_25 = arith.addi %mul3A_13, %add3A_24 : i32
    %dma_wait3A_26 = tpu.memref_slice %arg3[%add3A_25] : memref<320000xi32, #tpu.memory_space<hbm>> -> memref<128xi32, #tpu.memory_space<hbm>>
    %dma_wait3A_27 = tpu.memref_slice %arg3[%add3A_25] : memref<320000xi32, #tpu.memory_space<hbm>> -> memref<128xi32, #tpu.memory_space<hbm>>
    tpu.wait_dma2 semaphore(%arg20 : memref<!tpu.dma_semaphore, #tpu.memory_space<semaphore_mem>>) src(%dma_wait3A_27 : memref<128xi32, #tpu.memory_space<hbm>>) dst(%arg7 : memref<128xi32, #tpu.memory_space<vmem>>)
    %dma_start3A_28 = arith.constant 0 : i32
    %dma_start3A_29 = arith.constant 0 : i32
    %dma_start3A_30 = tpu.memref_slice %arg4[%dma_start3A_28, %dma_start3A_29] : memref<10000x128xf32, #tpu.memory_space<hbm>> -> memref<10000x128xf32, #tpu.memory_space<hbm>>
    tpu.enqueue_indirect_dma source(%dma_start3A_30 : memref<10000x128xf32, #tpu.memory_space<hbm>>) target(%arg8 : memref<128x128xf32, #tpu.memory_space<vmem>>) offsets(%arg6 : memref<128xi32, #tpu.memory_space<vmem>>) semaphore(%arg17 : memref<!tpu.dma_semaphore, #tpu.memory_space<semaphore_mem>>)
    %add3A_31 = arith.constant 128 : i32
    %add3A_32 = arith.addi %mul3A_13, %add3A_31 : i32
    %dma_start3A_33 = tpu.memref_slice %arg2[%add3A_32] : memref<320000xi32, #tpu.memory_space<hbm>> -> memref<128xi32, #tpu.memory_space<hbm>>
    %dma_start3A_34 = tpu.memref_slice %arg2[%add3A_32] : memref<320000xi32, #tpu.memory_space<hbm>> -> memref<128xi32, #tpu.memory_space<hbm>>
    tpu.enqueue_dma source(%dma_start3A_34 : memref<128xi32, #tpu.memory_space<hbm>>) target(%arg9 : memref<128xi32, #tpu.memory_space<vmem>>) target_semaphore(%arg21 : memref<!tpu.dma_semaphore, #tpu.memory_space<semaphore_mem>>)
    %add3A_35 = arith.constant 128 : i32
    %add3A_36 = arith.addi %mul3A_13, %add3A_35 : i32
    %dma_start3A_37 = tpu.memref_slice %arg3[%add3A_36] : memref<320000xi32, #tpu.memory_space<hbm>> -> memref<128xi32, #tpu.memory_space<hbm>>
    %dma_start3A_38 = tpu.memref_slice %arg3[%add3A_36] : memref<320000xi32, #tpu.memory_space<hbm>> -> memref<128xi32, #tpu.memory_space<hbm>>
    tpu.enqueue_dma source(%dma_start3A_38 : memref<128xi32, #tpu.memory_space<hbm>>) target(%arg10 : memref<128xi32, #tpu.memory_space<vmem>>) target_semaphore(%arg22 : memref<!tpu.dma_semaphore, #tpu.memory_space<semaphore_mem>>)
    %scan3A_39 = arith.constant 0 : i32
    %scan3A_40 = arith.constant 38 : i32
    %scan3A_41 = arith.addi %scan3A_39, %scan3A_40 : i32
    %scan3A_42 = arith.constant 1 : i32
    scf.for %scan3A_80 = %scan3A_39 to %scan3A_41 step %scan3A_42  : i32 {
      %mul3A_81 = arith.constant 1 : i32
      %mul3A_82 = arith.muli %scan3A_80, %mul3A_81 : i32
      %add3A_83 = arith.constant 0 : i32
      %add3A_84 = arith.addi %add3A_83, %mul3A_82 : i32
      %mul3A_85 = arith.constant 2 : i32
      %mul3A_86 = arith.muli %mul3A_85, %add3A_84 : i32
      %add3A_87 = arith.constant 1 : i32
      %add3A_88 = arith.addi %mul3A_86, %add3A_87 : i32
      %mul3A_89 = arith.constant 128 : i32
      %mul3A_90 = arith.muli %add3A_88, %mul3A_89 : i32
      %add3A_91 = arith.addi %mul3A_13, %mul3A_90 : i32
      %dma_wait3A_92 = tpu.memref_slice %arg2[%add3A_91] : memref<320000xi32, #tpu.memory_space<hbm>> -> memref<128xi32, #tpu.memory_space<hbm>>
      %dma_wait3A_93 = tpu.memref_slice %arg2[%add3A_91] : memref<320000xi32, #tpu.memory_space<hbm>> -> memref<128xi32, #tpu.memory_space<hbm>>
      tpu.wait_dma2 semaphore(%arg21 : memref<!tpu.dma_semaphore, #tpu.memory_space<semaphore_mem>>) src(%dma_wait3A_93 : memref<128xi32, #tpu.memory_space<hbm>>) dst(%arg9 : memref<128xi32, #tpu.memory_space<vmem>>)
      %mul3A_94 = arith.constant 128 : i32
      %mul3A_95 = arith.muli %add3A_88, %mul3A_94 : i32
      %add3A_96 = arith.addi %mul3A_13, %mul3A_95 : i32
      %dma_wait3A_97 = tpu.memref_slice %arg3[%add3A_96] : memref<320000xi32, #tpu.memory_space<hbm>> -> memref<128xi32, #tpu.memory_space<hbm>>
      %dma_wait3A_98 = tpu.memref_slice %arg3[%add3A_96] : memref<320000xi32, #tpu.memory_space<hbm>> -> memref<128xi32, #tpu.memory_space<hbm>>
      tpu.wait_dma2 semaphore(%arg22 : memref<!tpu.dma_semaphore, #tpu.memory_space<semaphore_mem>>) src(%dma_wait3A_98 : memref<128xi32, #tpu.memory_space<hbm>>) dst(%arg10 : memref<128xi32, #tpu.memory_space<vmem>>)
      %dma_start3A_99 = arith.constant 0 : i32
      %dma_start3A_100 = arith.constant 0 : i32
      %dma_start3A_101 = tpu.memref_slice %arg4[%dma_start3A_99, %dma_start3A_100] : memref<10000x128xf32, #tpu.memory_space<hbm>> -> memref<10000x128xf32, #tpu.memory_space<hbm>>
      tpu.enqueue_indirect_dma source(%dma_start3A_101 : memref<10000x128xf32, #tpu.memory_space<hbm>>) target(%arg11 : memref<128x128xf32, #tpu.memory_space<vmem>>) offsets(%arg9 : memref<128xi32, #tpu.memory_space<vmem>>) semaphore(%arg18 : memref<!tpu.dma_semaphore, #tpu.memory_space<semaphore_mem>>)
      %dma_wait3A_102 = arith.constant 0 : i32
      %dma_wait3A_103 = arith.constant 0 : i32
      %dma_wait3A_104 = tpu.memref_slice %arg4[%dma_wait3A_102, %dma_wait3A_103] : memref<10000x128xf32, #tpu.memory_space<hbm>> -> memref<10000x128xf32, #tpu.memory_space<hbm>>
      tpu.wait_indirect_dma semaphore(%arg17 : memref<!tpu.dma_semaphore, #tpu.memory_space<semaphore_mem>>) src(%dma_wait3A_104 : memref<10000x128xf32, #tpu.memory_space<hbm>>) dst(%arg8 : memref<128x128xf32, #tpu.memory_space<vmem>>)
      "tpu.region"() ({
        %run_scoped3A = tpu.sem_alloc : memref<!tpu.dma_semaphore, #tpu.memory_space<semaphore_mem>>
        %dma_start3A_147 = arith.constant 0 : i32
        %dma_start3A_148 = arith.constant 0 : i32
        %dma_start3A_149 = tpu.memref_slice %arg16[%dma_start3A_147, %dma_start3A_148] : memref<10000x128xf32, #tpu.memory_space<vmem_shared>> -> memref<10000x128xf32, #tpu.memory_space<vmem_shared>>
        tpu.enqueue_indirect_dma source(%arg8 : memref<128x128xf32, #tpu.memory_space<vmem>>) target(%dma_start3A_149 : memref<10000x128xf32, #tpu.memory_space<vmem_shared>>) offsets(%arg7 : memref<128xi32, #tpu.memory_space<vmem>>) semaphore(%run_scoped3A : memref<!tpu.dma_semaphore, #tpu.memory_space<semaphore_mem>>) {add = true}
        %dma_wait3A_150 = arith.constant 0 : i32
        %dma_wait3A_151 = arith.constant 0 : i32
        %dma_wait3A_152 = tpu.memref_slice %arg16[%dma_wait3A_150, %dma_wait3A_151] : memref<10000x128xf32, #tpu.memory_space<vmem_shared>> -> memref<10000x128xf32, #tpu.memory_space<vmem_shared>>
        tpu.wait_indirect_dma semaphore(%run_scoped3A : memref<!tpu.dma_semaphore, #tpu.memory_space<semaphore_mem>>) src(%arg8 : memref<128x128xf32, #tpu.memory_space<vmem>>) dst(%dma_wait3A_152 : memref<10000x128xf32, #tpu.memory_space<vmem_shared>>)
        tpu.yield
      }) : () -> ()
      %add3A_105 = arith.constant 2 : i32
      %add3A_106 = arith.addi %mul3A_86, %add3A_105 : i32
      %mul3A_107 = arith.constant 128 : i32
      %mul3A_108 = arith.muli %add3A_106, %mul3A_107 : i32
      %add3A_109 = arith.addi %mul3A_13, %mul3A_108 : i32
      %dma_start3A_110 = tpu.memref_slice %arg2[%add3A_109] : memref<320000xi32, #tpu.memory_space<hbm>> -> memref<128xi32, #tpu.memory_space<hbm>>
      %dma_start3A_111 = tpu.memref_slice %arg2[%add3A_109] : memref<320000xi32, #tpu.memory_space<hbm>> -> memref<128xi32, #tpu.memory_space<hbm>>
      tpu.enqueue_dma source(%dma_start3A_111 : memref<128xi32, #tpu.memory_space<hbm>>) target(%arg6 : memref<128xi32, #tpu.memory_space<vmem>>) target_semaphore(%arg19 : memref<!tpu.dma_semaphore, #tpu.memory_space<semaphore_mem>>)
      %mul3A_112 = arith.constant 128 : i32
      %mul3A_113 = arith.muli %add3A_106, %mul3A_112 : i32
      %add3A_114 = arith.addi %mul3A_13, %mul3A_113 : i32
      %dma_start3A_115 = tpu.memref_slice %arg3[%add3A_114] : memref<320000xi32, #tpu.memory_space<hbm>> -> memref<128xi32, #tpu.memory_space<hbm>>
      %dma_start3A_116 = tpu.memref_slice %arg3[%add3A_114] : memref<320000xi32, #tpu.memory_space<hbm>> -> memref<128xi32, #tpu.memory_space<hbm>>
      tpu.enqueue_dma source(%dma_start3A_116 : memref<128xi32, #tpu.memory_space<hbm>>) target(%arg7 : memref<128xi32, #tpu.memory_space<vmem>>) target_semaphore(%arg20 : memref<!tpu.dma_semaphore, #tpu.memory_space<semaphore_mem>>)
      %add3A_117 = arith.constant 2 : i32
      %add3A_118 = arith.addi %mul3A_86, %add3A_117 : i32
      %mul3A_119 = arith.constant 128 : i32
      %mul3A_120 = arith.muli %add3A_118, %mul3A_119 : i32
      %add3A_121 = arith.addi %mul3A_13, %mul3A_120 : i32
      %dma_wait3A_122 = tpu.memref_slice %arg2[%add3A_121] : memref<320000xi32, #tpu.memory_space<hbm>> -> memref<128xi32, #tpu.memory_space<hbm>>
      %dma_wait3A_123 = tpu.memref_slice %arg2[%add3A_121] : memref<320000xi32, #tpu.memory_space<hbm>> -> memref<128xi32, #tpu.memory_space<hbm>>
      tpu.wait_dma2 semaphore(%arg19 : memref<!tpu.dma_semaphore, #tpu.memory_space<semaphore_mem>>) src(%dma_wait3A_123 : memref<128xi32, #tpu.memory_space<hbm>>) dst(%arg6 : memref<128xi32, #tpu.memory_space<vmem>>)
      %mul3A_124 = arith.constant 128 : i32
      %mul3A_125 = arith.muli %add3A_118, %mul3A_124 : i32
      %add3A_126 = arith.addi %mul3A_13, %mul3A_125 : i32
      %dma_wait3A_127 = tpu.memref_slice %arg3[%add3A_126] : memref<320000xi32, #tpu.memory_space<hbm>> -> memref<128xi32, #tpu.memory_space<hbm>>
      %dma_wait3A_128 = tpu.memref_slice %arg3[%add3A_126] : memref<320000xi32, #tpu.memory_space<hbm>> -> memref<128xi32, #tpu.memory_space<hbm>>
      tpu.wait_dma2 semaphore(%arg20 : memref<!tpu.dma_semaphore, #tpu.memory_space<semaphore_mem>>) src(%dma_wait3A_128 : memref<128xi32, #tpu.memory_space<hbm>>) dst(%arg7 : memref<128xi32, #tpu.memory_space<vmem>>)
      %dma_start3A_129 = arith.constant 0 : i32
      %dma_start3A_130 = arith.constant 0 : i32
      %dma_start3A_131 = tpu.memref_slice %arg4[%dma_start3A_129, %dma_start3A_130] : memref<10000x128xf32, #tpu.memory_space<hbm>> -> memref<10000x128xf32, #tpu.memory_space<hbm>>
      tpu.enqueue_indirect_dma source(%dma_start3A_131 : memref<10000x128xf32, #tpu.memory_space<hbm>>) target(%arg8 : memref<128x128xf32, #tpu.memory_space<vmem>>) offsets(%arg6 : memref<128xi32, #tpu.memory_space<vmem>>) semaphore(%arg17 : memref<!tpu.dma_semaphore, #tpu.memory_space<semaphore_mem>>)
      %dma_wait3A_132 = arith.constant 0 : i32
      %dma_wait3A_133 = arith.constant 0 : i32
      %dma_wait3A_134 = tpu.memref_slice %arg4[%dma_wait3A_132, %dma_wait3A_133] : memref<10000x128xf32, #tpu.memory_space<hbm>> -> memref<10000x128xf32, #tpu.memory_space<hbm>>
      tpu.wait_indirect_dma semaphore(%arg18 : memref<!tpu.dma_semaphore, #tpu.memory_space<semaphore_mem>>) src(%dma_wait3A_134 : memref<10000x128xf32, #tpu.memory_space<hbm>>) dst(%arg11 : memref<128x128xf32, #tpu.memory_space<vmem>>)
      "tpu.region"() ({
        %run_scoped3A = tpu.sem_alloc : memref<!tpu.dma_semaphore, #tpu.memory_space<semaphore_mem>>
        %dma_start3A_147 = arith.constant 0 : i32
        %dma_start3A_148 = arith.constant 0 : i32
        %dma_start3A_149 = tpu.memref_slice %arg16[%dma_start3A_147, %dma_start3A_148] : memref<10000x128xf32, #tpu.memory_space<vmem_shared>> -> memref<10000x128xf32, #tpu.memory_space<vmem_shared>>
        tpu.enqueue_indirect_dma source(%arg11 : memref<128x128xf32, #tpu.memory_space<vmem>>) target(%dma_start3A_149 : memref<10000x128xf32, #tpu.memory_space<vmem_shared>>) offsets(%arg10 : memref<128xi32, #tpu.memory_space<vmem>>) semaphore(%run_scoped3A : memref<!tpu.dma_semaphore, #tpu.memory_space<semaphore_mem>>) {add = true}
        %dma_wait3A_150 = arith.constant 0 : i32
        %dma_wait3A_151 = arith.constant 0 : i32
        %dma_wait3A_152 = tpu.memref_slice %arg16[%dma_wait3A_150, %dma_wait3A_151] : memref<10000x128xf32, #tpu.memory_space<vmem_shared>> -> memref<10000x128xf32, #tpu.memory_space<vmem_shared>>
        tpu.wait_indirect_dma semaphore(%run_scoped3A : memref<!tpu.dma_semaphore, #tpu.memory_space<semaphore_mem>>) src(%arg11 : memref<128x128xf32, #tpu.memory_space<vmem>>) dst(%dma_wait3A_152 : memref<10000x128xf32, #tpu.memory_space<vmem_shared>>)
        tpu.yield
      }) : () -> ()
      %add3A_135 = arith.constant 3 : i32
      %add3A_136 = arith.addi %mul3A_86, %add3A_135 : i32
      %mul3A_137 = arith.constant 128 : i32
      %mul3A_138 = arith.muli %add3A_136, %mul3A_137 : i32
      %add3A_139 = arith.addi %mul3A_13, %mul3A_138 : i32
      %dma_start3A_140 = tpu.memref_slice %arg2[%add3A_139] : memref<320000xi32, #tpu.memory_space<hbm>> -> memref<128xi32, #tpu.memory_space<hbm>>
      %dma_start3A_141 = tpu.memref_slice %arg2[%add3A_139] : memref<320000xi32, #tpu.memory_space<hbm>> -> memref<128xi32, #tpu.memory_space<hbm>>
      tpu.enqueue_dma source(%dma_start3A_141 : memref<128xi32, #tpu.memory_space<hbm>>) target(%arg9 : memref<128xi32, #tpu.memory_space<vmem>>) target_semaphore(%arg21 : memref<!tpu.dma_semaphore, #tpu.memory_space<semaphore_mem>>)
      %mul3A_142 = arith.constant 128 : i32
      %mul3A_143 = arith.muli %add3A_136, %mul3A_142 : i32
      %add3A_144 = arith.addi %mul3A_13, %mul3A_143 : i32
      %dma_start3A_145 = tpu.memref_slice %arg3[%add3A_144] : memref<320000xi32, #tpu.memory_space<hbm>> -> memref<128xi32, #tpu.memory_space<hbm>>
      %dma_start3A_146 = tpu.memref_slice %arg3[%add3A_144] : memref<320000xi32, #tpu.memory_space<hbm>> -> memref<128xi32, #tpu.memory_space<hbm>>
      tpu.enqueue_dma source(%dma_start3A_146 : memref<128xi32, #tpu.memory_space<hbm>>) target(%arg10 : memref<128xi32, #tpu.memory_space<vmem>>) target_semaphore(%arg22 : memref<!tpu.dma_semaphore, #tpu.memory_space<semaphore_mem>>)
    }
    %scan3A_43 = arith.constant 38 : i32
    %add3A_44 = arith.constant 9856 : i32
    %add3A_45 = arith.addi %mul3A_13, %add3A_44 : i32
    %dma_wait3A_46 = tpu.memref_slice %arg2[%add3A_45] : memref<320000xi32, #tpu.memory_space<hbm>> -> memref<128xi32, #tpu.memory_space<hbm>>
    %dma_wait3A_47 = tpu.memref_slice %arg2[%add3A_45] : memref<320000xi32, #tpu.memory_space<hbm>> -> memref<128xi32, #tpu.memory_space<hbm>>
    tpu.wait_dma2 semaphore(%arg21 : memref<!tpu.dma_semaphore, #tpu.memory_space<semaphore_mem>>) src(%dma_wait3A_47 : memref<128xi32, #tpu.memory_space<hbm>>) dst(%arg9 : memref<128xi32, #tpu.memory_space<vmem>>)
    %add3A_48 = arith.constant 9856 : i32
    %add3A_49 = arith.addi %mul3A_13, %add3A_48 : i32
    %dma_wait3A_50 = tpu.memref_slice %arg3[%add3A_49] : memref<320000xi32, #tpu.memory_space<hbm>> -> memref<128xi32, #tpu.memory_space<hbm>>
    %dma_wait3A_51 = tpu.memref_slice %arg3[%add3A_49] : memref<320000xi32, #tpu.memory_space<hbm>> -> memref<128xi32, #tpu.memory_space<hbm>>
    tpu.wait_dma2 semaphore(%arg22 : memref<!tpu.dma_semaphore, #tpu.memory_space<semaphore_mem>>) src(%dma_wait3A_51 : memref<128xi32, #tpu.memory_space<hbm>>) dst(%arg10 : memref<128xi32, #tpu.memory_space<vmem>>)
    %dma_start3A_52 = arith.constant 0 : i32
    %dma_start3A_53 = arith.constant 0 : i32
    %dma_start3A_54 = tpu.memref_slice %arg4[%dma_start3A_52, %dma_start3A_53] : memref<10000x128xf32, #tpu.memory_space<hbm>> -> memref<10000x128xf32, #tpu.memory_space<hbm>>
    tpu.enqueue_indirect_dma source(%dma_start3A_54 : memref<10000x128xf32, #tpu.memory_space<hbm>>) target(%arg11 : memref<128x128xf32, #tpu.memory_space<vmem>>) offsets(%arg9 : memref<128xi32, #tpu.memory_space<vmem>>) semaphore(%arg18 : memref<!tpu.dma_semaphore, #tpu.memory_space<semaphore_mem>>)
    %dma_wait3A_55 = arith.constant 0 : i32
    %dma_wait3A_56 = arith.constant 0 : i32
    %dma_wait3A_57 = tpu.memref_slice %arg4[%dma_wait3A_55, %dma_wait3A_56] : memref<10000x128xf32, #tpu.memory_space<hbm>> -> memref<10000x128xf32, #tpu.memory_space<hbm>>
    tpu.wait_indirect_dma semaphore(%arg17 : memref<!tpu.dma_semaphore, #tpu.memory_space<semaphore_mem>>) src(%dma_wait3A_57 : memref<10000x128xf32, #tpu.memory_space<hbm>>) dst(%arg8 : memref<128x128xf32, #tpu.memory_space<vmem>>)
    "tpu.region"() ({
      %run_scoped3A = tpu.sem_alloc : memref<!tpu.dma_semaphore, #tpu.memory_space<semaphore_mem>>
      %dma_start3A_80 = arith.constant 0 : i32
      %dma_start3A_81 = arith.constant 0 : i32
      %dma_start3A_82 = tpu.memref_slice %arg16[%dma_start3A_80, %dma_start3A_81] : memref<10000x128xf32, #tpu.memory_space<vmem_shared>> -> memref<10000x128xf32, #tpu.memory_space<vmem_shared>>
      tpu.enqueue_indirect_dma source(%arg8 : memref<128x128xf32, #tpu.memory_space<vmem>>) target(%dma_start3A_82 : memref<10000x128xf32, #tpu.memory_space<vmem_shared>>) offsets(%arg7 : memref<128xi32, #tpu.memory_space<vmem>>) semaphore(%run_scoped3A : memref<!tpu.dma_semaphore, #tpu.memory_space<semaphore_mem>>) {add = true}
      %dma_wait3A_83 = arith.constant 0 : i32
      %dma_wait3A_84 = arith.constant 0 : i32
      %dma_wait3A_85 = tpu.memref_slice %arg16[%dma_wait3A_83, %dma_wait3A_84] : memref<10000x128xf32, #tpu.memory_space<vmem_shared>> -> memref<10000x128xf32, #tpu.memory_space<vmem_shared>>
      tpu.wait_indirect_dma semaphore(%run_scoped3A : memref<!tpu.dma_semaphore, #tpu.memory_space<semaphore_mem>>) src(%arg8 : memref<128x128xf32, #tpu.memory_space<vmem>>) dst(%dma_wait3A_85 : memref<10000x128xf32, #tpu.memory_space<vmem_shared>>)
      tpu.yield
    }) : () -> ()
    %dma_wait3A_58 = arith.constant 0 : i32
    %dma_wait3A_59 = arith.constant 0 : i32
    %dma_wait3A_60 = tpu.memref_slice %arg4[%dma_wait3A_58, %dma_wait3A_59] : memref<10000x128xf32, #tpu.memory_space<hbm>> -> memref<10000x128xf32, #tpu.memory_space<hbm>>
    tpu.wait_indirect_dma semaphore(%arg18 : memref<!tpu.dma_semaphore, #tpu.memory_space<semaphore_mem>>) src(%dma_wait3A_60 : memref<10000x128xf32, #tpu.memory_space<hbm>>) dst(%arg11 : memref<128x128xf32, #tpu.memory_space<vmem>>)
    "tpu.region"() ({
      %run_scoped3A = tpu.sem_alloc : memref<!tpu.dma_semaphore, #tpu.memory_space<semaphore_mem>>
      %dma_start3A_80 = arith.constant 0 : i32
      %dma_start3A_81 = arith.constant 0 : i32
      %dma_start3A_82 = tpu.memref_slice %arg16[%dma_start3A_80, %dma_start3A_81] : memref<10000x128xf32, #tpu.memory_space<vmem_shared>> -> memref<10000x128xf32, #tpu.memory_space<vmem_shared>>
      tpu.enqueue_indirect_dma source(%arg11 : memref<128x128xf32, #tpu.memory_space<vmem>>) target(%dma_start3A_82 : memref<10000x128xf32, #tpu.memory_space<vmem_shared>>) offsets(%arg10 : memref<128xi32, #tpu.memory_space<vmem>>) semaphore(%run_scoped3A : memref<!tpu.dma_semaphore, #tpu.memory_space<semaphore_mem>>) {add = true}
      %dma_wait3A_83 = arith.constant 0 : i32
      %dma_wait3A_84 = arith.constant 0 : i32
      %dma_wait3A_85 = tpu.memref_slice %arg16[%dma_wait3A_83, %dma_wait3A_84] : memref<10000x128xf32, #tpu.memory_space<vmem_shared>> -> memref<10000x128xf32, #tpu.memory_space<vmem_shared>>
      tpu.wait_indirect_dma semaphore(%run_scoped3A : memref<!tpu.dma_semaphore, #tpu.memory_space<semaphore_mem>>) src(%arg11 : memref<128x128xf32, #tpu.memory_space<vmem>>) dst(%dma_wait3A_85 : memref<10000x128xf32, #tpu.memory_space<vmem_shared>>)
      tpu.yield
    }) : () -> ()
    %add3A_61 = arith.constant 9984 : i32
    %add3A_62 = arith.addi %mul3A_13, %add3A_61 : i32
    "tpu.region"() ({
      %run_scoped3A = tpu.sem_alloc : memref<!tpu.dma_semaphore, #tpu.memory_space<semaphore_mem>>
      %dma_start3A_80 = tpu.memref_slice %arg2[%add3A_62] : memref<320000xi32, #tpu.memory_space<hbm>> -> memref<16xi32, #tpu.memory_space<hbm>>
      %dma_start3A_81 = tpu.memref_slice %arg2[%add3A_62] : memref<320000xi32, #tpu.memory_space<hbm>> -> memref<16xi32, #tpu.memory_space<hbm>>
      tpu.enqueue_dma source(%dma_start3A_81 : memref<16xi32, #tpu.memory_space<hbm>>) target(%arg12 : memref<16xi32, #tpu.memory_space<vmem>>) target_semaphore(%run_scoped3A : memref<!tpu.dma_semaphore, #tpu.memory_space<semaphore_mem>>)
      %dma_wait3A_82 = tpu.memref_slice %arg2[%add3A_62] : memref<320000xi32, #tpu.memory_space<hbm>> -> memref<16xi32, #tpu.memory_space<hbm>>
      %dma_wait3A_83 = tpu.memref_slice %arg2[%add3A_62] : memref<320000xi32, #tpu.memory_space<hbm>> -> memref<16xi32, #tpu.memory_space<hbm>>
      tpu.wait_dma2 semaphore(%run_scoped3A : memref<!tpu.dma_semaphore, #tpu.memory_space<semaphore_mem>>) src(%dma_wait3A_83 : memref<16xi32, #tpu.memory_space<hbm>>) dst(%arg12 : memref<16xi32, #tpu.memory_space<vmem>>)
      tpu.yield
    }) : () -> ()
    "tpu.region"() ({
      %run_scoped3A = tpu.sem_alloc : memref<!tpu.dma_semaphore, #tpu.memory_space<semaphore_mem>>
      %dma_start3A_80 = tpu.memref_slice %arg3[%add3A_62] : memref<320000xi32, #tpu.memory_space<hbm>> -> memref<16xi32, #tpu.memory_space<hbm>>
      %dma_start3A_81 = tpu.memref_slice %arg3[%add3A_62] : memref<320000xi32, #tpu.memory_space<hbm>> -> memref<16xi32, #tpu.memory_space<hbm>>
      tpu.enqueue_dma source(%dma_start3A_81 : memref<16xi32, #tpu.memory_space<hbm>>) target(%arg13 : memref<16xi32, #tpu.memory_space<vmem>>) target_semaphore(%run_scoped3A : memref<!tpu.dma_semaphore, #tpu.memory_space<semaphore_mem>>)
      %dma_wait3A_82 = tpu.memref_slice %arg3[%add3A_62] : memref<320000xi32, #tpu.memory_space<hbm>> -> memref<16xi32, #tpu.memory_space<hbm>>
      %dma_wait3A_83 = tpu.memref_slice %arg3[%add3A_62] : memref<320000xi32, #tpu.memory_space<hbm>> -> memref<16xi32, #tpu.memory_space<hbm>>
      tpu.wait_dma2 semaphore(%run_scoped3A : memref<!tpu.dma_semaphore, #tpu.memory_space<semaphore_mem>>) src(%dma_wait3A_83 : memref<16xi32, #tpu.memory_space<hbm>>) dst(%arg13 : memref<16xi32, #tpu.memory_space<vmem>>)
      tpu.yield
    }) : () -> ()
    %dma_start3A_63 = arith.constant 0 : i32
    %dma_start3A_64 = arith.constant 0 : i32
    %dma_start3A_65 = tpu.memref_slice %arg4[%dma_start3A_63, %dma_start3A_64] : memref<10000x128xf32, #tpu.memory_space<hbm>> -> memref<10000x128xf32, #tpu.memory_space<hbm>>
    tpu.enqueue_indirect_dma source(%dma_start3A_65 : memref<10000x128xf32, #tpu.memory_space<hbm>>) target(%arg14 : memref<16x128xf32, #tpu.memory_space<vmem>>) offsets(%arg12 : memref<16xi32, #tpu.memory_space<vmem>>) semaphore(%arg17 : memref<!tpu.dma_semaphore, #tpu.memory_space<semaphore_mem>>)
    %dma_wait3A_66 = arith.constant 0 : i32
    %dma_wait3A_67 = arith.constant 0 : i32
    %dma_wait3A_68 = tpu.memref_slice %arg4[%dma_wait3A_66, %dma_wait3A_67] : memref<10000x128xf32, #tpu.memory_space<hbm>> -> memref<10000x128xf32, #tpu.memory_space<hbm>>
    tpu.wait_indirect_dma semaphore(%arg17 : memref<!tpu.dma_semaphore, #tpu.memory_space<semaphore_mem>>) src(%dma_wait3A_68 : memref<10000x128xf32, #tpu.memory_space<hbm>>) dst(%arg14 : memref<16x128xf32, #tpu.memory_space<vmem>>)
    "tpu.region"() ({
      %run_scoped3A = tpu.sem_alloc : memref<!tpu.dma_semaphore, #tpu.memory_space<semaphore_mem>>
      %dma_start3A_80 = arith.constant 0 : i32
      %dma_start3A_81 = arith.constant 0 : i32
      %dma_start3A_82 = tpu.memref_slice %arg16[%dma_start3A_80, %dma_start3A_81] : memref<10000x128xf32, #tpu.memory_space<vmem_shared>> -> memref<10000x128xf32, #tpu.memory_space<vmem_shared>>
      tpu.enqueue_indirect_dma source(%arg14 : memref<16x128xf32, #tpu.memory_space<vmem>>) target(%dma_start3A_82 : memref<10000x128xf32, #tpu.memory_space<vmem_shared>>) offsets(%arg13 : memref<16xi32, #tpu.memory_space<vmem>>) semaphore(%run_scoped3A : memref<!tpu.dma_semaphore, #tpu.memory_space<semaphore_mem>>) {add = true}
      %dma_wait3A_83 = arith.constant 0 : i32
      %dma_wait3A_84 = arith.constant 0 : i32
      %dma_wait3A_85 = tpu.memref_slice %arg16[%dma_wait3A_83, %dma_wait3A_84] : memref<10000x128xf32, #tpu.memory_space<vmem_shared>> -> memref<10000x128xf32, #tpu.memory_space<vmem_shared>>
      tpu.wait_indirect_dma semaphore(%run_scoped3A : memref<!tpu.dma_semaphore, #tpu.memory_space<semaphore_mem>>) src(%arg14 : memref<16x128xf32, #tpu.memory_space<vmem>>) dst(%dma_wait3A_85 : memref<10000x128xf32, #tpu.memory_space<vmem_shared>>)
      tpu.yield
    }) : () -> ()
    %barrier3A_69 = arith.constant 0 : index
    tpu.barrier barrier_id(%barrier3A_69)
    %scan3A_70 = arith.constant 0 : i32
    %scan3A_71 = arith.constant 10 : i32
    %scan3A_72 = arith.addi %scan3A_70, %scan3A_71 : i32
    %scan3A_73 = arith.constant 1 : i32
    scf.for %scan3A_80 = %scan3A_70 to %scan3A_72 step %scan3A_73  : i32 {
      %mul3A_81 = arith.constant 1 : i32
      %mul3A_82 = arith.muli %scan3A_80, %mul3A_81 : i32
      %add3A_83 = arith.constant 0 : i32
      %add3A_84 = arith.addi %add3A_83, %mul3A_82 : i32
      %mul3A_85 = arith.constant 16 : i32
      %mul3A_86 = arith.muli %add3A_84, %mul3A_85 : i32
      %add3A_87 = arith.addi %mul3A_86, %arg1 : i32
      %lt3A = arith.constant 156 : i32
      %lt3A_88 = arith.cmpi slt, %add3A_87, %lt3A : i32
      %convert_element_type3A_89 = arith.extui %lt3A_88 : i1 to i32
      %cond3A_90 = arith.constant 0 : i32
      %cond3A_91 = arith.cmpi ne, %convert_element_type3A_89, %cond3A_90 : i32
      scf.if %cond3A_91 {
        %mul3A_92 = arith.constant 64 : i32
        %mul3A_93 = arith.muli %add3A_87, %mul3A_92 : i32
        "tpu.region"() ({
          %run_scoped3A = tpu.sem_alloc : memref<!tpu.dma_semaphore, #tpu.memory_space<semaphore_mem>>
          %dma_start3A_96 = arith.constant 0 : i32
          %dma_start3A_97 = tpu.memref_slice %arg16[%mul3A_93, %dma_start3A_96] : memref<10000x128xf32, #tpu.memory_space<vmem_shared>> -> memref<64x128xf32, #tpu.memory_space<vmem_shared>>
          %dma_start3A_98 = arith.constant 0 : i32
          %dma_start3A_99 = tpu.memref_slice %arg16[%mul3A_93, %dma_start3A_98] : memref<10000x128xf32, #tpu.memory_space<vmem_shared>> -> memref<64x128xf32, #tpu.memory_space<vmem_shared>>
          tpu.enqueue_dma source(%dma_start3A_99 : memref<64x128xf32, #tpu.memory_space<vmem_shared>>) target(%arg15 : memref<64x128xf32, #tpu.memory_space<vmem>>) target_semaphore(%run_scoped3A : memref<!tpu.dma_semaphore, #tpu.memory_space<semaphore_mem>>)
          %dma_wait3A_100 = arith.constant 0 : i32
          %dma_wait3A_101 = tpu.memref_slice %arg16[%mul3A_93, %dma_wait3A_100] : memref<10000x128xf32, #tpu.memory_space<vmem_shared>> -> memref<64x128xf32, #tpu.memory_space<vmem_shared>>
          %dma_wait3A_102 = arith.constant 0 : i32
          %dma_wait3A_103 = tpu.memref_slice %arg16[%mul3A_93, %dma_wait3A_102] : memref<10000x128xf32, #tpu.memory_space<vmem_shared>> -> memref<64x128xf32, #tpu.memory_space<vmem_shared>>
          tpu.wait_dma2 semaphore(%run_scoped3A : memref<!tpu.dma_semaphore, #tpu.memory_space<semaphore_mem>>) src(%dma_wait3A_103 : memref<64x128xf32, #tpu.memory_space<vmem_shared>>) dst(%arg15 : memref<64x128xf32, #tpu.memory_space<vmem>>)
          tpu.yield
        }) : () -> ()
        %mul3A_94 = arith.constant 64 : i32
        %mul3A_95 = arith.muli %add3A_87, %mul3A_94 : i32
        "tpu.region"() ({
          %run_scoped3A = tpu.sem_alloc : memref<!tpu.dma_semaphore, #tpu.memory_space<semaphore_mem>>
          %dma_start3A_96 = arith.constant 0 : i32
          %dma_start3A_97 = tpu.memref_slice %arg5[%arg0, %mul3A_95, %dma_start3A_96] : memref<2x10000x128xf32, #tpu.memory_space<hbm>> -> memref<1x64x128xf32, #tpu.memory_space<hbm>>
          %dma_start3A_98 = tpu.memref_squeeze %dma_start3A_97 : memref<1x64x128xf32, #tpu.memory_space<hbm>> -> memref<64x128xf32, #tpu.memory_space<hbm>>
          %dma_start3A_99 = arith.constant 0 : i32
          %dma_start3A_100 = tpu.memref_slice %arg5[%arg0, %mul3A_95, %dma_start3A_99] : memref<2x10000x128xf32, #tpu.memory_space<hbm>> -> memref<1x64x128xf32, #tpu.memory_space<hbm>>
          %dma_start3A_101 = tpu.memref_squeeze %dma_start3A_100 : memref<1x64x128xf32, #tpu.memory_space<hbm>> -> memref<64x128xf32, #tpu.memory_space<hbm>>
          tpu.enqueue_dma source(%arg15 : memref<64x128xf32, #tpu.memory_space<vmem>>) target(%dma_start3A_101 : memref<64x128xf32, #tpu.memory_space<hbm>>) target_semaphore(%run_scoped3A : memref<!tpu.dma_semaphore, #tpu.memory_space<semaphore_mem>>)
          %dma_wait3A_102 = arith.constant 0 : i32
          %dma_wait3A_103 = tpu.memref_slice %arg5[%arg0, %mul3A_95, %dma_wait3A_102] : memref<2x10000x128xf32, #tpu.memory_space<hbm>> -> memref<1x64x128xf32, #tpu.memory_space<hbm>>
          %dma_wait3A_104 = tpu.memref_squeeze %dma_wait3A_103 : memref<1x64x128xf32, #tpu.memory_space<hbm>> -> memref<64x128xf32, #tpu.memory_space<hbm>>
          %dma_wait3A_105 = arith.constant 0 : i32
          %dma_wait3A_106 = tpu.memref_slice %arg5[%arg0, %mul3A_95, %dma_wait3A_105] : memref<2x10000x128xf32, #tpu.memory_space<hbm>> -> memref<1x64x128xf32, #tpu.memory_space<hbm>>
          %dma_wait3A_107 = tpu.memref_squeeze %dma_wait3A_106 : memref<1x64x128xf32, #tpu.memory_space<hbm>> -> memref<64x128xf32, #tpu.memory_space<hbm>>
          tpu.wait_dma2 semaphore(%run_scoped3A : memref<!tpu.dma_semaphore, #tpu.memory_space<semaphore_mem>>) src(%arg15 : memref<64x128xf32, #tpu.memory_space<vmem>>) dst(%dma_wait3A_107 : memref<64x128xf32, #tpu.memory_space<hbm>>)
          tpu.yield
        }) : () -> ()
      } else {
      }
    }
    %scan3A_74 = arith.constant 10 : i32
    %eq3A_75 = arith.constant 12 : i32
    %eq3A_76 = arith.cmpi eq, %arg1, %eq3A_75 : i32
    %convert_element_type3A_77 = arith.extui %eq3A_76 : i1 to i32
    %cond3A_78 = arith.constant 0 : i32
    %cond3A_79 = arith.cmpi ne, %convert_element_type3A_77, %cond3A_78 : i32
    scf.if %cond3A_79 {
      "tpu.region"() ({
        %run_scoped3A = tpu.sem_alloc : memref<!tpu.dma_semaphore, #tpu.memory_space<semaphore_mem>>
        %dma_start3A_80 = arith.constant 0 : i32
        %dma_start3A_81 = arith.constant 0 : i32
        %dma_start3A_82 = tpu.memref_slice %arg15[%dma_start3A_80, %dma_start3A_81] : memref<64x128xf32, #tpu.memory_space<vmem>> -> memref<16x128xf32, #tpu.memory_space<vmem>>
        %dma_start3A_83 = arith.constant 9984 : i32
        %dma_start3A_84 = arith.constant 0 : i32
        %dma_start3A_85 = tpu.memref_slice %arg16[%dma_start3A_83, %dma_start3A_84] : memref<10000x128xf32, #tpu.memory_space<vmem_shared>> -> memref<16x128xf32, #tpu.memory_space<vmem_shared>>
        %dma_start3A_86 = arith.constant 0 : i32
        %dma_start3A_87 = arith.constant 0 : i32
        %dma_start3A_88 = tpu.memref_slice %arg15[%dma_start3A_86, %dma_start3A_87] : memref<64x128xf32, #tpu.memory_space<vmem>> -> memref<16x128xf32, #tpu.memory_space<vmem>>
        %dma_start3A_89 = arith.constant 9984 : i32
        %dma_start3A_90 = arith.constant 0 : i32
        %dma_start3A_91 = tpu.memref_slice %arg16[%dma_start3A_89, %dma_start3A_90] : memref<10000x128xf32, #tpu.memory_space<vmem_shared>> -> memref<16x128xf32, #tpu.memory_space<vmem_shared>>
        tpu.enqueue_dma source(%dma_start3A_91 : memref<16x128xf32, #tpu.memory_space<vmem_shared>>) target(%dma_start3A_88 : memref<16x128xf32, #tpu.memory_space<vmem>>) target_semaphore(%run_scoped3A : memref<!tpu.dma_semaphore, #tpu.memory_space<semaphore_mem>>)
        %dma_wait3A_92 = arith.constant 0 : i32
        %dma_wait3A_93 = arith.constant 0 : i32
        %dma_wait3A_94 = tpu.memref_slice %arg15[%dma_wait3A_92, %dma_wait3A_93] : memref<64x128xf32, #tpu.memory_space<vmem>> -> memref<16x128xf32, #tpu.memory_space<vmem>>
        %dma_wait3A_95 = arith.constant 9984 : i32
        %dma_wait3A_96 = arith.constant 0 : i32
        %dma_wait3A_97 = tpu.memref_slice %arg16[%dma_wait3A_95, %dma_wait3A_96] : memref<10000x128xf32, #tpu.memory_space<vmem_shared>> -> memref<16x128xf32, #tpu.memory_space<vmem_shared>>
        %dma_wait3A_98 = arith.constant 0 : i32
        %dma_wait3A_99 = arith.constant 0 : i32
        %dma_wait3A_100 = tpu.memref_slice %arg15[%dma_wait3A_98, %dma_wait3A_99] : memref<64x128xf32, #tpu.memory_space<vmem>> -> memref<16x128xf32, #tpu.memory_space<vmem>>
        %dma_wait3A_101 = arith.constant 9984 : i32
        %dma_wait3A_102 = arith.constant 0 : i32
        %dma_wait3A_103 = tpu.memref_slice %arg16[%dma_wait3A_101, %dma_wait3A_102] : memref<10000x128xf32, #tpu.memory_space<vmem_shared>> -> memref<16x128xf32, #tpu.memory_space<vmem_shared>>
        tpu.wait_dma2 semaphore(%run_scoped3A : memref<!tpu.dma_semaphore, #tpu.memory_space<semaphore_mem>>) src(%dma_wait3A_103 : memref<16x128xf32, #tpu.memory_space<vmem_shared>>) dst(%dma_wait3A_100 : memref<16x128xf32, #tpu.memory_space<vmem>>)
        tpu.yield
      }) : () -> ()
      "tpu.region"() ({
        %run_scoped3A = tpu.sem_alloc : memref<!tpu.dma_semaphore, #tpu.memory_space<semaphore_mem>>
        %dma_start3A_80 = arith.constant 0 : i32
        %dma_start3A_81 = arith.constant 0 : i32
        %dma_start3A_82 = tpu.memref_slice %arg15[%dma_start3A_80, %dma_start3A_81] : memref<64x128xf32, #tpu.memory_space<vmem>> -> memref<16x128xf32, #tpu.memory_space<vmem>>
        %dma_start3A_83 = arith.constant 9984 : i32
        %dma_start3A_84 = arith.constant 0 : i32
        %dma_start3A_85 = tpu.memref_slice %arg5[%arg0, %dma_start3A_83, %dma_start3A_84] : memref<2x10000x128xf32, #tpu.memory_space<hbm>> -> memref<1x16x128xf32, #tpu.memory_space<hbm>>
        %dma_start3A_86 = tpu.memref_squeeze %dma_start3A_85 : memref<1x16x128xf32, #tpu.memory_space<hbm>> -> memref<16x128xf32, #tpu.memory_space<hbm>>
        %dma_start3A_87 = arith.constant 9984 : i32
        %dma_start3A_88 = arith.constant 0 : i32
        %dma_start3A_89 = tpu.memref_slice %arg5[%arg0, %dma_start3A_87, %dma_start3A_88] : memref<2x10000x128xf32, #tpu.memory_space<hbm>> -> memref<1x16x128xf32, #tpu.memory_space<hbm>>
        %dma_start3A_90 = tpu.memref_squeeze %dma_start3A_89 : memref<1x16x128xf32, #tpu.memory_space<hbm>> -> memref<16x128xf32, #tpu.memory_space<hbm>>
        %dma_start3A_91 = arith.constant 0 : i32
        %dma_start3A_92 = arith.constant 0 : i32
        %dma_start3A_93 = tpu.memref_slice %arg15[%dma_start3A_91, %dma_start3A_92] : memref<64x128xf32, #tpu.memory_space<vmem>> -> memref<16x128xf32, #tpu.memory_space<vmem>>
        tpu.enqueue_dma source(%dma_start3A_93 : memref<16x128xf32, #tpu.memory_space<vmem>>) target(%dma_start3A_90 : memref<16x128xf32, #tpu.memory_space<hbm>>) target_semaphore(%run_scoped3A : memref<!tpu.dma_semaphore, #tpu.memory_space<semaphore_mem>>)
        %dma_wait3A_94 = arith.constant 0 : i32
        %dma_wait3A_95 = arith.constant 0 : i32
        %dma_wait3A_96 = tpu.memref_slice %arg15[%dma_wait3A_94, %dma_wait3A_95] : memref<64x128xf32, #tpu.memory_space<vmem>> -> memref<16x128xf32, #tpu.memory_space<vmem>>
        %dma_wait3A_97 = arith.constant 9984 : i32
        %dma_wait3A_98 = arith.constant 0 : i32
        %dma_wait3A_99 = tpu.memref_slice %arg5[%arg0, %dma_wait3A_97, %dma_wait3A_98] : memref<2x10000x128xf32, #tpu.memory_space<hbm>> -> memref<1x16x128xf32, #tpu.memory_space<hbm>>
        %dma_wait3A_100 = tpu.memref_squeeze %dma_wait3A_99 : memref<1x16x128xf32, #tpu.memory_space<hbm>> -> memref<16x128xf32, #tpu.memory_space<hbm>>
        %dma_wait3A_101 = arith.constant 9984 : i32
        %dma_wait3A_102 = arith.constant 0 : i32
        %dma_wait3A_103 = tpu.memref_slice %arg5[%arg0, %dma_wait3A_101, %dma_wait3A_102] : memref<2x10000x128xf32, #tpu.memory_space<hbm>> -> memref<1x16x128xf32, #tpu.memory_space<hbm>>
        %dma_wait3A_104 = tpu.memref_squeeze %dma_wait3A_103 : memref<1x16x128xf32, #tpu.memory_space<hbm>> -> memref<16x128xf32, #tpu.memory_space<hbm>>
        %dma_wait3A_105 = arith.constant 0 : i32
        %dma_wait3A_106 = arith.constant 0 : i32
        %dma_wait3A_107 = tpu.memref_slice %arg15[%dma_wait3A_105, %dma_wait3A_106] : memref<64x128xf32, #tpu.memory_space<vmem>> -> memref<16x128xf32, #tpu.memory_space<vmem>>
        tpu.wait_dma2 semaphore(%run_scoped3A : memref<!tpu.dma_semaphore, #tpu.memory_space<semaphore_mem>>) src(%dma_wait3A_107 : memref<16x128xf32, #tpu.memory_space<vmem>>) dst(%dma_wait3A_104 : memref<16x128xf32, #tpu.memory_space<hbm>>)
        tpu.yield
      }) : () -> ()
    } else {
    }
    return
  }
}

#map = affine_map<(d0, d1) -> (0)>
#map1 = affine_map<(d0, d1) -> (0, 0)>
#map2 = affine_map<(d0, d1) -> (0, 0, 0)>
module attributes {stable_mosaic.version = 14 : i64} {
  func.func @_sc_segsum(%arg0: i32, %arg1: i32, %arg2: memref<320000xi32, #tpu.memory_space<hbm>>, %arg3: memref<320000xi32, #tpu.memory_space<hbm>>, %arg4: memref<10000x128xf32, #tpu.memory_space<hbm>>, %arg5: memref<2x10000x128xf32, #tpu.memory_space<hbm>>, %arg6: memref<128xi32, #tpu.memory_space<vmem>>, %arg7: memref<128xi32, #tpu.memory_space<vmem>>, %arg8: memref<128x128xf32, #tpu.memory_space<vmem>>, %arg9: memref<128xi32, #tpu.memory_space<vmem>>, %arg10: memref<128xi32, #tpu.memory_space<vmem>>, %arg11: memref<128x128xf32, #tpu.memory_space<vmem>>, %arg12: memref<16xi32, #tpu.memory_space<vmem>>, %arg13: memref<16xi32, #tpu.memory_space<vmem>>, %arg14: memref<16x128xf32, #tpu.memory_space<vmem>>, %arg15: memref<64x128xf32, #tpu.memory_space<vmem>>, %arg16: memref<10000x128xf32, #tpu.memory_space<vmem_shared>>, %arg17: memref<!tpu.dma_semaphore, #tpu.memory_space<semaphore_mem>>, %arg18: memref<!tpu.dma_semaphore, #tpu.memory_space<semaphore_mem>>, %arg19: memref<!tpu.dma_semaphore, #tpu.memory_space<semaphore_mem>>, %arg20: memref<!tpu.dma_semaphore, #tpu.memory_space<semaphore_mem>>, %arg21: memref<!tpu.dma_semaphore, #tpu.memory_space<semaphore_mem>>, %arg22: memref<!tpu.dma_semaphore, #tpu.memory_space<semaphore_mem>>) attributes {dimension_semantics = [#tpu.dimension_semantics<core_parallel>, #tpu.dimension_semantics<subcore_parallel>], iteration_bounds = array<i64: 2, 16>, scalar_prefetch = 0 : i64, scratch_operands = 17 : i64, tpu.core_type = #tpu.core_type<sc_vector_subcore>, window_params = [{transform_indices = #map}, {transform_indices = #map}, {transform_indices = #map1}, {transform_indices = #map2}]} {
    %scan3A = arith.constant 0 : i32
    %scan3A_0 = arith.constant 64 : i32
    %scan3A_1 = arith.addi %scan3A, %scan3A_0 : i32
    %scan3A_2 = arith.constant 1 : i32
    scf.for %scan3A_80 = %scan3A to %scan3A_1 step %scan3A_2  : i32 {
      %mul3A_81 = arith.constant 1 : i32
      %mul3A_82 = arith.muli %scan3A_80, %mul3A_81 : i32
      %add3A_83 = arith.constant 0 : i32
      %add3A_84 = arith.addi %add3A_83, %mul3A_82 : i32
      %broadcast_in_dim3A = arith.constant 0.000000e+00 : f32
      %broadcast_in_dim3A_85 = vector.broadcast %broadcast_in_dim3A : f32 to vector<16xf32>
      %swap3A = arith.index_cast %add3A_84 : i32 to index
      %swap3A_86 = arith.constant 0 : index
      %swap3A_87 = tpu.vector_load %arg15[%swap3A, %swap3A_86] {strides = array<i32>} : memref<64x128xf32, #tpu.memory_space<vmem>>, vector<1x16xf32>,
      %swap3A_88 = vector.shape_cast %swap3A_87 : vector<1x16xf32> to vector<16xf32>
      %swap3A_89 = vector.shape_cast %broadcast_in_dim3A_85 : vector<16xf32> to vector<1x16xf32>
      tpu.vector_store %arg15[%swap3A, %swap3A_86], %swap3A_89 {strides = array<i32>} : memref<64x128xf32, #tpu.memory_space<vmem>>, vector<1x16xf32>,
      %broadcast_in_dim3A_90 = arith.constant 0.000000e+00 : f32
      %broadcast_in_dim3A_91 = vector.broadcast %broadcast_in_dim3A_90 : f32 to vector<16xf32>
      %swap3A_92 = arith.index_cast %add3A_84 : i32 to index
      %swap3A_93 = arith.constant 16 : index
      %swap3A_94 = tpu.vector_load %arg15[%swap3A_92, %swap3A_93] {strides = array<i32>} : memref<64x128xf32, #tpu.memory_space<vmem>>, vector<1x16xf32>,
      %swap3A_95 = vector.shape_cast %swap3A_94 : vector<1x16xf32> to vector<16xf32>
      %swap3A_96 = vector.shape_cast %broadcast_in_dim3A_91 : vector<16xf32> to vector<1x16xf32>
      tpu.vector_store %arg15[%swap3A_92, %swap3A_93], %swap3A_96 {strides = array<i32>} : memref<64x128xf32, #tpu.memory_space<vmem>>, vector<1x16xf32>,
      %broadcast_in_dim3A_97 = arith.constant 0.000000e+00 : f32
      %broadcast_in_dim3A_98 = vector.broadcast %broadcast_in_dim3A_97 : f32 to vector<16xf32>
      %swap3A_99 = arith.index_cast %add3A_84 : i32 to index
      %swap3A_100 = arith.constant 32 : index
      %swap3A_101 = tpu.vector_load %arg15[%swap3A_99, %swap3A_100] {strides = array<i32>} : memref<64x128xf32, #tpu.memory_space<vmem>>, vector<1x16xf32>,
      %swap3A_102 = vector.shape_cast %swap3A_101 : vector<1x16xf32> to vector<16xf32>
      %swap3A_103 = vector.shape_cast %broadcast_in_dim3A_98 : vector<16xf32> to vector<1x16xf32>
      tpu.vector_store %arg15[%swap3A_99, %swap3A_100], %swap3A_103 {strides = array<i32>} : memref<64x128xf32, #tpu.memory_space<vmem>>, vector<1x16xf32>,
      %broadcast_in_dim3A_104 = arith.constant 0.000000e+00 : f32
      %broadcast_in_dim3A_105 = vector.broadcast %broadcast_in_dim3A_104 : f32 to vector<16xf32>
      %swap3A_106 = arith.index_cast %add3A_84 : i32 to index
      %swap3A_107 = arith.constant 48 : index
      %swap3A_108 = tpu.vector_load %arg15[%swap3A_106, %swap3A_107] {strides = array<i32>} : memref<64x128xf32, #tpu.memory_space<vmem>>, vector<1x16xf32>,
      %swap3A_109 = vector.shape_cast %swap3A_108 : vector<1x16xf32> to vector<16xf32>
      %swap3A_110 = vector.shape_cast %broadcast_in_dim3A_105 : vector<16xf32> to vector<1x16xf32>
      tpu.vector_store %arg15[%swap3A_106, %swap3A_107], %swap3A_110 {strides = array<i32>} : memref<64x128xf32, #tpu.memory_space<vmem>>, vector<1x16xf32>,
      %broadcast_in_dim3A_111 = arith.constant 0.000000e+00 : f32
      %broadcast_in_dim3A_112 = vector.broadcast %broadcast_in_dim3A_111 : f32 to vector<16xf32>
      %swap3A_113 = arith.index_cast %add3A_84 : i32 to index
      %swap3A_114 = arith.constant 64 : index
      %swap3A_115 = tpu.vector_load %arg15[%swap3A_113, %swap3A_114] {strides = array<i32>} : memref<64x128xf32, #tpu.memory_space<vmem>>, vector<1x16xf32>,
      %swap3A_116 = vector.shape_cast %swap3A_115 : vector<1x16xf32> to vector<16xf32>
      %swap3A_117 = vector.shape_cast %broadcast_in_dim3A_112 : vector<16xf32> to vector<1x16xf32>
      tpu.vector_store %arg15[%swap3A_113, %swap3A_114], %swap3A_117 {strides = array<i32>} : memref<64x128xf32, #tpu.memory_space<vmem>>, vector<1x16xf32>,
      %broadcast_in_dim3A_118 = arith.constant 0.000000e+00 : f32
      %broadcast_in_dim3A_119 = vector.broadcast %broadcast_in_dim3A_118 : f32 to vector<16xf32>
      %swap3A_120 = arith.index_cast %add3A_84 : i32 to index
      %swap3A_121 = arith.constant 80 : index
      %swap3A_122 = tpu.vector_load %arg15[%swap3A_120, %swap3A_121] {strides = array<i32>} : memref<64x128xf32, #tpu.memory_space<vmem>>, vector<1x16xf32>,
      %swap3A_123 = vector.shape_cast %swap3A_122 : vector<1x16xf32> to vector<16xf32>
      %swap3A_124 = vector.shape_cast %broadcast_in_dim3A_119 : vector<16xf32> to vector<1x16xf32>
      tpu.vector_store %arg15[%swap3A_120, %swap3A_121], %swap3A_124 {strides = array<i32>} : memref<64x128xf32, #tpu.memory_space<vmem>>, vector<1x16xf32>,
      %broadcast_in_dim3A_125 = arith.constant 0.000000e+00 : f32
      %broadcast_in_dim3A_126 = vector.broadcast %broadcast_in_dim3A_125 : f32 to vector<16xf32>
      %swap3A_127 = arith.index_cast %add3A_84 : i32 to index
      %swap3A_128 = arith.constant 96 : index
      %swap3A_129 = tpu.vector_load %arg15[%swap3A_127, %swap3A_128] {strides = array<i32>} : memref<64x128xf32, #tpu.memory_space<vmem>>, vector<1x16xf32>,
      %swap3A_130 = vector.shape_cast %swap3A_129 : vector<1x16xf32> to vector<16xf32>
      %swap3A_131 = vector.shape_cast %broadcast_in_dim3A_126 : vector<16xf32> to vector<1x16xf32>
      tpu.vector_store %arg15[%swap3A_127, %swap3A_128], %swap3A_131 {strides = array<i32>} : memref<64x128xf32, #tpu.memory_space<vmem>>, vector<1x16xf32>,
      %broadcast_in_dim3A_132 = arith.constant 0.000000e+00 : f32
      %broadcast_in_dim3A_133 = vector.broadcast %broadcast_in_dim3A_132 : f32 to vector<16xf32>
      %swap3A_134 = arith.index_cast %add3A_84 : i32 to index
      %swap3A_135 = arith.constant 112 : index
      %swap3A_136 = tpu.vector_load %arg15[%swap3A_134, %swap3A_135] {strides = array<i32>} : memref<64x128xf32, #tpu.memory_space<vmem>>, vector<1x16xf32>,
      %swap3A_137 = vector.shape_cast %swap3A_136 : vector<1x16xf32> to vector<16xf32>
      %swap3A_138 = vector.shape_cast %broadcast_in_dim3A_133 : vector<16xf32> to vector<1x16xf32>
      tpu.vector_store %arg15[%swap3A_134, %swap3A_135], %swap3A_138 {strides = array<i32>} : memref<64x128xf32, #tpu.memory_space<vmem>>, vector<1x16xf32>,
    }
    %scan3A_3 = arith.constant 64 : i32
    %scan3A_4 = arith.constant 0 : i32
    %scan3A_5 = arith.constant 10 : i32
    %scan3A_6 = arith.addi %scan3A_4, %scan3A_5 : i32
    %scan3A_7 = arith.constant 1 : i32
    scf.for %scan3A_80 = %scan3A_4 to %scan3A_6 step %scan3A_7  : i32 {
      %mul3A_81 = arith.constant 1 : i32
      %mul3A_82 = arith.muli %scan3A_80, %mul3A_81 : i32
      %add3A_83 = arith.constant 0 : i32
      %add3A_84 = arith.addi %add3A_83, %mul3A_82 : i32
      %mul3A_85 = arith.constant 16 : i32
      %mul3A_86 = arith.muli %add3A_84, %mul3A_85 : i32
      %add3A_87 = arith.addi %mul3A_86, %arg1 : i32
      %lt3A = arith.constant 156 : i32
      %lt3A_88 = arith.cmpi slt, %add3A_87, %lt3A : i32
      %convert_element_type3A_89 = arith.extui %lt3A_88 : i1 to i32
      %cond3A_90 = arith.constant 0 : i32
      %cond3A_91 = arith.cmpi ne, %convert_element_type3A_89, %cond3A_90 : i32
      scf.if %cond3A_91 {
        %mul3A_92 = arith.constant 64 : i32
        %mul3A_93 = arith.muli %add3A_87, %mul3A_92 : i32
        "tpu.region"() ({
          %run_scoped3A = tpu.sem_alloc : memref<!tpu.dma_semaphore, #tpu.memory_space<semaphore_mem>>
          %dma_start3A_94 = arith.constant 0 : i32
          %dma_start3A_95 = tpu.memref_slice %arg16[%mul3A_93, %dma_start3A_94] : memref<10000x128xf32, #tpu.memory_space<vmem_shared>> -> memref<64x128xf32, #tpu.memory_space<vmem_shared>>
          %dma_start3A_96 = arith.constant 0 : i32
          %dma_start3A_97 = tpu.memref_slice %arg16[%mul3A_93, %dma_start3A_96] : memref<10000x128xf32, #tpu.memory_space<vmem_shared>> -> memref<64x128xf32, #tpu.memory_space<vmem_shared>>
          tpu.enqueue_dma source(%arg15 : memref<64x128xf32, #tpu.memory_space<vmem>>) target(%dma_start3A_97 : memref<64x128xf32, #tpu.memory_space<vmem_shared>>) target_semaphore(%run_scoped3A : memref<!tpu.dma_semaphore, #tpu.memory_space<semaphore_mem>>)
          %dma_wait3A_98 = arith.constant 0 : i32
          %dma_wait3A_99 = tpu.memref_slice %arg16[%mul3A_93, %dma_wait3A_98] : memref<10000x128xf32, #tpu.memory_space<vmem_shared>> -> memref<64x128xf32, #tpu.memory_space<vmem_shared>>
          %dma_wait3A_100 = arith.constant 0 : i32
          %dma_wait3A_101 = tpu.memref_slice %arg16[%mul3A_93, %dma_wait3A_100] : memref<10000x128xf32, #tpu.memory_space<vmem_shared>> -> memref<64x128xf32, #tpu.memory_space<vmem_shared>>
          tpu.wait_dma2 semaphore(%run_scoped3A : memref<!tpu.dma_semaphore, #tpu.memory_space<semaphore_mem>>) src(%arg15 : memref<64x128xf32, #tpu.memory_space<vmem>>) dst(%dma_wait3A_101 : memref<64x128xf32, #tpu.memory_space<vmem_shared>>)
          tpu.yield
        }) : () -> ()
      } else {
      }
    }
    %scan3A_8 = arith.constant 10 : i32
    %eq3A = arith.constant 12 : i32
    %eq3A_9 = arith.cmpi eq, %arg1, %eq3A : i32
    %convert_element_type3A = arith.extui %eq3A_9 : i1 to i32
    %cond3A = arith.constant 0 : i32
    %cond3A_10 = arith.cmpi ne, %convert_element_type3A, %cond3A : i32
    scf.if %cond3A_10 {
      "tpu.region"() ({
        %run_scoped3A = tpu.sem_alloc : memref<!tpu.dma_semaphore, #tpu.memory_space<semaphore_mem>>
        %dma_start3A_80 = arith.constant 0 : i32
        %dma_start3A_81 = arith.constant 0 : i32
        %dma_start3A_82 = tpu.memref_slice %arg15[%dma_start3A_80, %dma_start3A_81] : memref<64x128xf32, #tpu.memory_space<vmem>> -> memref<16x128xf32, #tpu.memory_space<vmem>>
        %dma_start3A_83 = arith.constant 9984 : i32
        %dma_start3A_84 = arith.constant 0 : i32
        %dma_start3A_85 = tpu.memref_slice %arg16[%dma_start3A_83, %dma_start3A_84] : memref<10000x128xf32, #tpu.memory_space<vmem_shared>> -> memref<16x128xf32, #tpu.memory_space<vmem_shared>>
        %dma_start3A_86 = arith.constant 9984 : i32
        %dma_start3A_87 = arith.constant 0 : i32
        %dma_start3A_88 = tpu.memref_slice %arg16[%dma_start3A_86, %dma_start3A_87] : memref<10000x128xf32, #tpu.memory_space<vmem_shared>> -> memref<16x128xf32, #tpu.memory_space<vmem_shared>>
        %dma_start3A_89 = arith.constant 0 : i32
        %dma_start3A_90 = arith.constant 0 : i32
        %dma_start3A_91 = tpu.memref_slice %arg15[%dma_start3A_89, %dma_start3A_90] : memref<64x128xf32, #tpu.memory_space<vmem>> -> memref<16x128xf32, #tpu.memory_space<vmem>>
        tpu.enqueue_dma source(%dma_start3A_91 : memref<16x128xf32, #tpu.memory_space<vmem>>) target(%dma_start3A_88 : memref<16x128xf32, #tpu.memory_space<vmem_shared>>) target_semaphore(%run_scoped3A : memref<!tpu.dma_semaphore, #tpu.memory_space<semaphore_mem>>)
        %dma_wait3A_92 = arith.constant 0 : i32
        %dma_wait3A_93 = arith.constant 0 : i32
        %dma_wait3A_94 = tpu.memref_slice %arg15[%dma_wait3A_92, %dma_wait3A_93] : memref<64x128xf32, #tpu.memory_space<vmem>> -> memref<16x128xf32, #tpu.memory_space<vmem>>
        %dma_wait3A_95 = arith.constant 9984 : i32
        %dma_wait3A_96 = arith.constant 0 : i32
        %dma_wait3A_97 = tpu.memref_slice %arg16[%dma_wait3A_95, %dma_wait3A_96] : memref<10000x128xf32, #tpu.memory_space<vmem_shared>> -> memref<16x128xf32, #tpu.memory_space<vmem_shared>>
        %dma_wait3A_98 = arith.constant 9984 : i32
        %dma_wait3A_99 = arith.constant 0 : i32
        %dma_wait3A_100 = tpu.memref_slice %arg16[%dma_wait3A_98, %dma_wait3A_99] : memref<10000x128xf32, #tpu.memory_space<vmem_shared>> -> memref<16x128xf32, #tpu.memory_space<vmem_shared>>
        %dma_wait3A_101 = arith.constant 0 : i32
        %dma_wait3A_102 = arith.constant 0 : i32
        %dma_wait3A_103 = tpu.memref_slice %arg15[%dma_wait3A_101, %dma_wait3A_102] : memref<64x128xf32, #tpu.memory_space<vmem>> -> memref<16x128xf32, #tpu.memory_space<vmem>>
        tpu.wait_dma2 semaphore(%run_scoped3A : memref<!tpu.dma_semaphore, #tpu.memory_space<semaphore_mem>>) src(%dma_wait3A_103 : memref<16x128xf32, #tpu.memory_space<vmem>>) dst(%dma_wait3A_100 : memref<16x128xf32, #tpu.memory_space<vmem_shared>>)
        tpu.yield
      }) : () -> ()
    } else {
    }
    %barrier3A = arith.constant 0 : index
    tpu.barrier barrier_id(%barrier3A)
    %mul3A = arith.constant 16 : i32
    %mul3A_11 = arith.muli %arg0, %mul3A : i32
    %add3A = arith.addi %mul3A_11, %arg1 : i32
    %mul3A_12 = arith.constant 10000 : i32
    %mul3A_13 = arith.muli %add3A, %mul3A_12 : i32
    %add3A_14 = arith.constant 0 : i32
    %add3A_15 = arith.addi %mul3A_13, %add3A_14 : i32
    %dma_start3A = tpu.memref_slice %arg2[%add3A_15] : memref<320000xi32, #tpu.memory_space<hbm>> -> memref<128xi32, #tpu.memory_space<hbm>>
    %dma_start3A_16 = tpu.memref_slice %arg2[%add3A_15] : memref<320000xi32, #tpu.memory_space<hbm>> -> memref<128xi32, #tpu.memory_space<hbm>>
    tpu.enqueue_dma source(%dma_start3A_16 : memref<128xi32, #tpu.memory_space<hbm>>) target(%arg6 : memref<128xi32, #tpu.memory_space<vmem>>) target_semaphore(%arg19 : memref<!tpu.dma_semaphore, #tpu.memory_space<semaphore_mem>>)
    %add3A_17 = arith.constant 0 : i32
    %add3A_18 = arith.addi %mul3A_13, %add3A_17 : i32
    %dma_start3A_19 = tpu.memref_slice %arg3[%add3A_18] : memref<320000xi32, #tpu.memory_space<hbm>> -> memref<128xi32, #tpu.memory_space<hbm>>
    %dma_start3A_20 = tpu.memref_slice %arg3[%add3A_18] : memref<320000xi32, #tpu.memory_space<hbm>> -> memref<128xi32, #tpu.memory_space<hbm>>
    tpu.enqueue_dma source(%dma_start3A_20 : memref<128xi32, #tpu.memory_space<hbm>>) target(%arg7 : memref<128xi32, #tpu.memory_space<vmem>>) target_semaphore(%arg20 : memref<!tpu.dma_semaphore, #tpu.memory_space<semaphore_mem>>)
    %add3A_21 = arith.constant 0 : i32
    %add3A_22 = arith.addi %mul3A_13, %add3A_21 : i32
    %dma_wait3A = tpu.memref_slice %arg2[%add3A_22] : memref<320000xi32, #tpu.memory_space<hbm>> -> memref<128xi32, #tpu.memory_space<hbm>>
    %dma_wait3A_23 = tpu.memref_slice %arg2[%add3A_22] : memref<320000xi32, #tpu.memory_space<hbm>> -> memref<128xi32, #tpu.memory_space<hbm>>
    tpu.wait_dma2 semaphore(%arg19 : memref<!tpu.dma_semaphore, #tpu.memory_space<semaphore_mem>>) src(%dma_wait3A_23 : memref<128xi32, #tpu.memory_space<hbm>>) dst(%arg6 : memref<128xi32, #tpu.memory_space<vmem>>)
    %add3A_24 = arith.constant 0 : i32
    %add3A_25 = arith.addi %mul3A_13, %add3A_24 : i32
    %dma_wait3A_26 = tpu.memref_slice %arg3[%add3A_25] : memref<320000xi32, #tpu.memory_space<hbm>> -> memref<128xi32, #tpu.memory_space<hbm>>
    %dma_wait3A_27 = tpu.memref_slice %arg3[%add3A_25] : memref<320000xi32, #tpu.memory_space<hbm>> -> memref<128xi32, #tpu.memory_space<hbm>>
    tpu.wait_dma2 semaphore(%arg20 : memref<!tpu.dma_semaphore, #tpu.memory_space<semaphore_mem>>) src(%dma_wait3A_27 : memref<128xi32, #tpu.memory_space<hbm>>) dst(%arg7 : memref<128xi32, #tpu.memory_space<vmem>>)
    %dma_start3A_28 = arith.constant 0 : i32
    %dma_start3A_29 = arith.constant 0 : i32
    %dma_start3A_30 = tpu.memref_slice %arg4[%dma_start3A_28, %dma_start3A_29] : memref<10000x128xf32, #tpu.memory_space<hbm>> -> memref<10000x128xf32, #tpu.memory_space<hbm>>
    tpu.enqueue_indirect_dma source(%dma_start3A_30 : memref<10000x128xf32, #tpu.memory_space<hbm>>) target(%arg8 : memref<128x128xf32, #tpu.memory_space<vmem>>) offsets(%arg6 : memref<128xi32, #tpu.memory_space<vmem>>) semaphore(%arg17 : memref<!tpu.dma_semaphore, #tpu.memory_space<semaphore_mem>>)
    %add3A_31 = arith.constant 128 : i32
    %add3A_32 = arith.addi %mul3A_13, %add3A_31 : i32
    %dma_start3A_33 = tpu.memref_slice %arg2[%add3A_32] : memref<320000xi32, #tpu.memory_space<hbm>> -> memref<128xi32, #tpu.memory_space<hbm>>
    %dma_start3A_34 = tpu.memref_slice %arg2[%add3A_32] : memref<320000xi32, #tpu.memory_space<hbm>> -> memref<128xi32, #tpu.memory_space<hbm>>
    tpu.enqueue_dma source(%dma_start3A_34 : memref<128xi32, #tpu.memory_space<hbm>>) target(%arg9 : memref<128xi32, #tpu.memory_space<vmem>>) target_semaphore(%arg21 : memref<!tpu.dma_semaphore, #tpu.memory_space<semaphore_mem>>)
    %add3A_35 = arith.constant 128 : i32
    %add3A_36 = arith.addi %mul3A_13, %add3A_35 : i32
    %dma_start3A_37 = tpu.memref_slice %arg3[%add3A_36] : memref<320000xi32, #tpu.memory_space<hbm>> -> memref<128xi32, #tpu.memory_space<hbm>>
    %dma_start3A_38 = tpu.memref_slice %arg3[%add3A_36] : memref<320000xi32, #tpu.memory_space<hbm>> -> memref<128xi32, #tpu.memory_space<hbm>>
    tpu.enqueue_dma source(%dma_start3A_38 : memref<128xi32, #tpu.memory_space<hbm>>) target(%arg10 : memref<128xi32, #tpu.memory_space<vmem>>) target_semaphore(%arg22 : memref<!tpu.dma_semaphore, #tpu.memory_space<semaphore_mem>>)
    %scan3A_39 = arith.constant 0 : i32
    %scan3A_40 = arith.constant 38 : i32
    %scan3A_41 = arith.addi %scan3A_39, %scan3A_40 : i32
    %scan3A_42 = arith.constant 1 : i32
    scf.for %scan3A_80 = %scan3A_39 to %scan3A_41 step %scan3A_42  : i32 {
      %mul3A_81 = arith.constant 1 : i32
      %mul3A_82 = arith.muli %scan3A_80, %mul3A_81 : i32
      %add3A_83 = arith.constant 0 : i32
      %add3A_84 = arith.addi %add3A_83, %mul3A_82 : i32
      %mul3A_85 = arith.constant 2 : i32
      %mul3A_86 = arith.muli %mul3A_85, %add3A_84 : i32
      %add3A_87 = arith.constant 1 : i32
      %add3A_88 = arith.addi %mul3A_86, %add3A_87 : i32
      %mul3A_89 = arith.constant 128 : i32
      %mul3A_90 = arith.muli %add3A_88, %mul3A_89 : i32
      %add3A_91 = arith.addi %mul3A_13, %mul3A_90 : i32
      %dma_wait3A_92 = tpu.memref_slice %arg2[%add3A_91] : memref<320000xi32, #tpu.memory_space<hbm>> -> memref<128xi32, #tpu.memory_space<hbm>>
      %dma_wait3A_93 = tpu.memref_slice %arg2[%add3A_91] : memref<320000xi32, #tpu.memory_space<hbm>> -> memref<128xi32, #tpu.memory_space<hbm>>
      tpu.wait_dma2 semaphore(%arg21 : memref<!tpu.dma_semaphore, #tpu.memory_space<semaphore_mem>>) src(%dma_wait3A_93 : memref<128xi32, #tpu.memory_space<hbm>>) dst(%arg9 : memref<128xi32, #tpu.memory_space<vmem>>)
      %mul3A_94 = arith.constant 128 : i32
      %mul3A_95 = arith.muli %add3A_88, %mul3A_94 : i32
      %add3A_96 = arith.addi %mul3A_13, %mul3A_95 : i32
      %dma_wait3A_97 = tpu.memref_slice %arg3[%add3A_96] : memref<320000xi32, #tpu.memory_space<hbm>> -> memref<128xi32, #tpu.memory_space<hbm>>
      %dma_wait3A_98 = tpu.memref_slice %arg3[%add3A_96] : memref<320000xi32, #tpu.memory_space<hbm>> -> memref<128xi32, #tpu.memory_space<hbm>>
      tpu.wait_dma2 semaphore(%arg22 : memref<!tpu.dma_semaphore, #tpu.memory_space<semaphore_mem>>) src(%dma_wait3A_98 : memref<128xi32, #tpu.memory_space<hbm>>) dst(%arg10 : memref<128xi32, #tpu.memory_space<vmem>>)
      %dma_start3A_99 = arith.constant 0 : i32
      %dma_start3A_100 = arith.constant 0 : i32
      %dma_start3A_101 = tpu.memref_slice %arg4[%dma_start3A_99, %dma_start3A_100] : memref<10000x128xf32, #tpu.memory_space<hbm>> -> memref<10000x128xf32, #tpu.memory_space<hbm>>
      tpu.enqueue_indirect_dma source(%dma_start3A_101 : memref<10000x128xf32, #tpu.memory_space<hbm>>) target(%arg11 : memref<128x128xf32, #tpu.memory_space<vmem>>) offsets(%arg9 : memref<128xi32, #tpu.memory_space<vmem>>) semaphore(%arg18 : memref<!tpu.dma_semaphore, #tpu.memory_space<semaphore_mem>>)
      %dma_wait3A_102 = arith.constant 0 : i32
      %dma_wait3A_103 = arith.constant 0 : i32
      %dma_wait3A_104 = tpu.memref_slice %arg4[%dma_wait3A_102, %dma_wait3A_103] : memref<10000x128xf32, #tpu.memory_space<hbm>> -> memref<10000x128xf32, #tpu.memory_space<hbm>>
      tpu.wait_indirect_dma semaphore(%arg17 : memref<!tpu.dma_semaphore, #tpu.memory_space<semaphore_mem>>) src(%dma_wait3A_104 : memref<10000x128xf32, #tpu.memory_space<hbm>>) dst(%arg8 : memref<128x128xf32, #tpu.memory_space<vmem>>)
      "tpu.region"() ({
        %run_scoped3A = tpu.sem_alloc : memref<!tpu.dma_semaphore, #tpu.memory_space<semaphore_mem>>
        %dma_start3A_147 = arith.constant 0 : i32
        %dma_start3A_148 = arith.constant 0 : i32
        %dma_start3A_149 = tpu.memref_slice %arg16[%dma_start3A_147, %dma_start3A_148] : memref<10000x128xf32, #tpu.memory_space<vmem_shared>> -> memref<10000x128xf32, #tpu.memory_space<vmem_shared>>
        tpu.enqueue_indirect_dma source(%arg8 : memref<128x128xf32, #tpu.memory_space<vmem>>) target(%dma_start3A_149 : memref<10000x128xf32, #tpu.memory_space<vmem_shared>>) offsets(%arg7 : memref<128xi32, #tpu.memory_space<vmem>>) semaphore(%run_scoped3A : memref<!tpu.dma_semaphore, #tpu.memory_space<semaphore_mem>>) {add = true}
        %dma_wait3A_150 = arith.constant 0 : i32
        %dma_wait3A_151 = arith.constant 0 : i32
        %dma_wait3A_152 = tpu.memref_slice %arg16[%dma_wait3A_150, %dma_wait3A_151] : memref<10000x128xf32, #tpu.memory_space<vmem_shared>> -> memref<10000x128xf32, #tpu.memory_space<vmem_shared>>
        tpu.wait_indirect_dma semaphore(%run_scoped3A : memref<!tpu.dma_semaphore, #tpu.memory_space<semaphore_mem>>) src(%arg8 : memref<128x128xf32, #tpu.memory_space<vmem>>) dst(%dma_wait3A_152 : memref<10000x128xf32, #tpu.memory_space<vmem_shared>>)
        tpu.yield
      }) : () -> ()
      %add3A_105 = arith.constant 2 : i32
      %add3A_106 = arith.addi %mul3A_86, %add3A_105 : i32
      %mul3A_107 = arith.constant 128 : i32
      %mul3A_108 = arith.muli %add3A_106, %mul3A_107 : i32
      %add3A_109 = arith.addi %mul3A_13, %mul3A_108 : i32
      %dma_start3A_110 = tpu.memref_slice %arg2[%add3A_109] : memref<320000xi32, #tpu.memory_space<hbm>> -> memref<128xi32, #tpu.memory_space<hbm>>
      %dma_start3A_111 = tpu.memref_slice %arg2[%add3A_109] : memref<320000xi32, #tpu.memory_space<hbm>> -> memref<128xi32, #tpu.memory_space<hbm>>
      tpu.enqueue_dma source(%dma_start3A_111 : memref<128xi32, #tpu.memory_space<hbm>>) target(%arg6 : memref<128xi32, #tpu.memory_space<vmem>>) target_semaphore(%arg19 : memref<!tpu.dma_semaphore, #tpu.memory_space<semaphore_mem>>)
      %mul3A_112 = arith.constant 128 : i32
      %mul3A_113 = arith.muli %add3A_106, %mul3A_112 : i32
      %add3A_114 = arith.addi %mul3A_13, %mul3A_113 : i32
      %dma_start3A_115 = tpu.memref_slice %arg3[%add3A_114] : memref<320000xi32, #tpu.memory_space<hbm>> -> memref<128xi32, #tpu.memory_space<hbm>>
      %dma_start3A_116 = tpu.memref_slice %arg3[%add3A_114] : memref<320000xi32, #tpu.memory_space<hbm>> -> memref<128xi32, #tpu.memory_space<hbm>>
      tpu.enqueue_dma source(%dma_start3A_116 : memref<128xi32, #tpu.memory_space<hbm>>) target(%arg7 : memref<128xi32, #tpu.memory_space<vmem>>) target_semaphore(%arg20 : memref<!tpu.dma_semaphore, #tpu.memory_space<semaphore_mem>>)
      %add3A_117 = arith.constant 2 : i32
      %add3A_118 = arith.addi %mul3A_86, %add3A_117 : i32
      %mul3A_119 = arith.constant 128 : i32
      %mul3A_120 = arith.muli %add3A_118, %mul3A_119 : i32
      %add3A_121 = arith.addi %mul3A_13, %mul3A_120 : i32
      %dma_wait3A_122 = tpu.memref_slice %arg2[%add3A_121] : memref<320000xi32, #tpu.memory_space<hbm>> -> memref<128xi32, #tpu.memory_space<hbm>>
      %dma_wait3A_123 = tpu.memref_slice %arg2[%add3A_121] : memref<320000xi32, #tpu.memory_space<hbm>> -> memref<128xi32, #tpu.memory_space<hbm>>
      tpu.wait_dma2 semaphore(%arg19 : memref<!tpu.dma_semaphore, #tpu.memory_space<semaphore_mem>>) src(%dma_wait3A_123 : memref<128xi32, #tpu.memory_space<hbm>>) dst(%arg6 : memref<128xi32, #tpu.memory_space<vmem>>)
      %mul3A_124 = arith.constant 128 : i32
      %mul3A_125 = arith.muli %add3A_118, %mul3A_124 : i32
      %add3A_126 = arith.addi %mul3A_13, %mul3A_125 : i32
      %dma_wait3A_127 = tpu.memref_slice %arg3[%add3A_126] : memref<320000xi32, #tpu.memory_space<hbm>> -> memref<128xi32, #tpu.memory_space<hbm>>
      %dma_wait3A_128 = tpu.memref_slice %arg3[%add3A_126] : memref<320000xi32, #tpu.memory_space<hbm>> -> memref<128xi32, #tpu.memory_space<hbm>>
      tpu.wait_dma2 semaphore(%arg20 : memref<!tpu.dma_semaphore, #tpu.memory_space<semaphore_mem>>) src(%dma_wait3A_128 : memref<128xi32, #tpu.memory_space<hbm>>) dst(%arg7 : memref<128xi32, #tpu.memory_space<vmem>>)
      %dma_start3A_129 = arith.constant 0 : i32
      %dma_start3A_130 = arith.constant 0 : i32
      %dma_start3A_131 = tpu.memref_slice %arg4[%dma_start3A_129, %dma_start3A_130] : memref<10000x128xf32, #tpu.memory_space<hbm>> -> memref<10000x128xf32, #tpu.memory_space<hbm>>
      tpu.enqueue_indirect_dma source(%dma_start3A_131 : memref<10000x128xf32, #tpu.memory_space<hbm>>) target(%arg8 : memref<128x128xf32, #tpu.memory_space<vmem>>) offsets(%arg6 : memref<128xi32, #tpu.memory_space<vmem>>) semaphore(%arg17 : memref<!tpu.dma_semaphore, #tpu.memory_space<semaphore_mem>>)
      %dma_wait3A_132 = arith.constant 0 : i32
      %dma_wait3A_133 = arith.constant 0 : i32
      %dma_wait3A_134 = tpu.memref_slice %arg4[%dma_wait3A_132, %dma_wait3A_133] : memref<10000x128xf32, #tpu.memory_space<hbm>> -> memref<10000x128xf32, #tpu.memory_space<hbm>>
      tpu.wait_indirect_dma semaphore(%arg18 : memref<!tpu.dma_semaphore, #tpu.memory_space<semaphore_mem>>) src(%dma_wait3A_134 : memref<10000x128xf32, #tpu.memory_space<hbm>>) dst(%arg11 : memref<128x128xf32, #tpu.memory_space<vmem>>)
      "tpu.region"() ({
        %run_scoped3A = tpu.sem_alloc : memref<!tpu.dma_semaphore, #tpu.memory_space<semaphore_mem>>
        %dma_start3A_147 = arith.constant 0 : i32
        %dma_start3A_148 = arith.constant 0 : i32
        %dma_start3A_149 = tpu.memref_slice %arg16[%dma_start3A_147, %dma_start3A_148] : memref<10000x128xf32, #tpu.memory_space<vmem_shared>> -> memref<10000x128xf32, #tpu.memory_space<vmem_shared>>
        tpu.enqueue_indirect_dma source(%arg11 : memref<128x128xf32, #tpu.memory_space<vmem>>) target(%dma_start3A_149 : memref<10000x128xf32, #tpu.memory_space<vmem_shared>>) offsets(%arg10 : memref<128xi32, #tpu.memory_space<vmem>>) semaphore(%run_scoped3A : memref<!tpu.dma_semaphore, #tpu.memory_space<semaphore_mem>>) {add = true}
        %dma_wait3A_150 = arith.constant 0 : i32
        %dma_wait3A_151 = arith.constant 0 : i32
        %dma_wait3A_152 = tpu.memref_slice %arg16[%dma_wait3A_150, %dma_wait3A_151] : memref<10000x128xf32, #tpu.memory_space<vmem_shared>> -> memref<10000x128xf32, #tpu.memory_space<vmem_shared>>
        tpu.wait_indirect_dma semaphore(%run_scoped3A : memref<!tpu.dma_semaphore, #tpu.memory_space<semaphore_mem>>) src(%arg11 : memref<128x128xf32, #tpu.memory_space<vmem>>) dst(%dma_wait3A_152 : memref<10000x128xf32, #tpu.memory_space<vmem_shared>>)
        tpu.yield
      }) : () -> ()
      %add3A_135 = arith.constant 3 : i32
      %add3A_136 = arith.addi %mul3A_86, %add3A_135 : i32
      %mul3A_137 = arith.constant 128 : i32
      %mul3A_138 = arith.muli %add3A_136, %mul3A_137 : i32
      %add3A_139 = arith.addi %mul3A_13, %mul3A_138 : i32
      %dma_start3A_140 = tpu.memref_slice %arg2[%add3A_139] : memref<320000xi32, #tpu.memory_space<hbm>> -> memref<128xi32, #tpu.memory_space<hbm>>
      %dma_start3A_141 = tpu.memref_slice %arg2[%add3A_139] : memref<320000xi32, #tpu.memory_space<hbm>> -> memref<128xi32, #tpu.memory_space<hbm>>
      tpu.enqueue_dma source(%dma_start3A_141 : memref<128xi32, #tpu.memory_space<hbm>>) target(%arg9 : memref<128xi32, #tpu.memory_space<vmem>>) target_semaphore(%arg21 : memref<!tpu.dma_semaphore, #tpu.memory_space<semaphore_mem>>)
      %mul3A_142 = arith.constant 128 : i32
      %mul3A_143 = arith.muli %add3A_136, %mul3A_142 : i32
      %add3A_144 = arith.addi %mul3A_13, %mul3A_143 : i32
      %dma_start3A_145 = tpu.memref_slice %arg3[%add3A_144] : memref<320000xi32, #tpu.memory_space<hbm>> -> memref<128xi32, #tpu.memory_space<hbm>>
      %dma_start3A_146 = tpu.memref_slice %arg3[%add3A_144] : memref<320000xi32, #tpu.memory_space<hbm>> -> memref<128xi32, #tpu.memory_space<hbm>>
      tpu.enqueue_dma source(%dma_start3A_146 : memref<128xi32, #tpu.memory_space<hbm>>) target(%arg10 : memref<128xi32, #tpu.memory_space<vmem>>) target_semaphore(%arg22 : memref<!tpu.dma_semaphore, #tpu.memory_space<semaphore_mem>>)
    }
    %scan3A_43 = arith.constant 38 : i32
    %add3A_44 = arith.constant 9856 : i32
    %add3A_45 = arith.addi %mul3A_13, %add3A_44 : i32
    %dma_wait3A_46 = tpu.memref_slice %arg2[%add3A_45] : memref<320000xi32, #tpu.memory_space<hbm>> -> memref<128xi32, #tpu.memory_space<hbm>>
    %dma_wait3A_47 = tpu.memref_slice %arg2[%add3A_45] : memref<320000xi32, #tpu.memory_space<hbm>> -> memref<128xi32, #tpu.memory_space<hbm>>
    tpu.wait_dma2 semaphore(%arg21 : memref<!tpu.dma_semaphore, #tpu.memory_space<semaphore_mem>>) src(%dma_wait3A_47 : memref<128xi32, #tpu.memory_space<hbm>>) dst(%arg9 : memref<128xi32, #tpu.memory_space<vmem>>)
    %add3A_48 = arith.constant 9856 : i32
    %add3A_49 = arith.addi %mul3A_13, %add3A_48 : i32
    %dma_wait3A_50 = tpu.memref_slice %arg3[%add3A_49] : memref<320000xi32, #tpu.memory_space<hbm>> -> memref<128xi32, #tpu.memory_space<hbm>>
    %dma_wait3A_51 = tpu.memref_slice %arg3[%add3A_49] : memref<320000xi32, #tpu.memory_space<hbm>> -> memref<128xi32, #tpu.memory_space<hbm>>
    tpu.wait_dma2 semaphore(%arg22 : memref<!tpu.dma_semaphore, #tpu.memory_space<semaphore_mem>>) src(%dma_wait3A_51 : memref<128xi32, #tpu.memory_space<hbm>>) dst(%arg10 : memref<128xi32, #tpu.memory_space<vmem>>)
    %dma_start3A_52 = arith.constant 0 : i32
    %dma_start3A_53 = arith.constant 0 : i32
    %dma_start3A_54 = tpu.memref_slice %arg4[%dma_start3A_52, %dma_start3A_53] : memref<10000x128xf32, #tpu.memory_space<hbm>> -> memref<10000x128xf32, #tpu.memory_space<hbm>>
    tpu.enqueue_indirect_dma source(%dma_start3A_54 : memref<10000x128xf32, #tpu.memory_space<hbm>>) target(%arg11 : memref<128x128xf32, #tpu.memory_space<vmem>>) offsets(%arg9 : memref<128xi32, #tpu.memory_space<vmem>>) semaphore(%arg18 : memref<!tpu.dma_semaphore, #tpu.memory_space<semaphore_mem>>)
    %dma_wait3A_55 = arith.constant 0 : i32
    %dma_wait3A_56 = arith.constant 0 : i32
    %dma_wait3A_57 = tpu.memref_slice %arg4[%dma_wait3A_55, %dma_wait3A_56] : memref<10000x128xf32, #tpu.memory_space<hbm>> -> memref<10000x128xf32, #tpu.memory_space<hbm>>
    tpu.wait_indirect_dma semaphore(%arg17 : memref<!tpu.dma_semaphore, #tpu.memory_space<semaphore_mem>>) src(%dma_wait3A_57 : memref<10000x128xf32, #tpu.memory_space<hbm>>) dst(%arg8 : memref<128x128xf32, #tpu.memory_space<vmem>>)
    "tpu.region"() ({
      %run_scoped3A = tpu.sem_alloc : memref<!tpu.dma_semaphore, #tpu.memory_space<semaphore_mem>>
      %dma_start3A_80 = arith.constant 0 : i32
      %dma_start3A_81 = arith.constant 0 : i32
      %dma_start3A_82 = tpu.memref_slice %arg16[%dma_start3A_80, %dma_start3A_81] : memref<10000x128xf32, #tpu.memory_space<vmem_shared>> -> memref<10000x128xf32, #tpu.memory_space<vmem_shared>>
      tpu.enqueue_indirect_dma source(%arg8 : memref<128x128xf32, #tpu.memory_space<vmem>>) target(%dma_start3A_82 : memref<10000x128xf32, #tpu.memory_space<vmem_shared>>) offsets(%arg7 : memref<128xi32, #tpu.memory_space<vmem>>) semaphore(%run_scoped3A : memref<!tpu.dma_semaphore, #tpu.memory_space<semaphore_mem>>) {add = true}
      %dma_wait3A_83 = arith.constant 0 : i32
      %dma_wait3A_84 = arith.constant 0 : i32
      %dma_wait3A_85 = tpu.memref_slice %arg16[%dma_wait3A_83, %dma_wait3A_84] : memref<10000x128xf32, #tpu.memory_space<vmem_shared>> -> memref<10000x128xf32, #tpu.memory_space<vmem_shared>>
      tpu.wait_indirect_dma semaphore(%run_scoped3A : memref<!tpu.dma_semaphore, #tpu.memory_space<semaphore_mem>>) src(%arg8 : memref<128x128xf32, #tpu.memory_space<vmem>>) dst(%dma_wait3A_85 : memref<10000x128xf32, #tpu.memory_space<vmem_shared>>)
      tpu.yield
    }) : () -> ()
    %dma_wait3A_58 = arith.constant 0 : i32
    %dma_wait3A_59 = arith.constant 0 : i32
    %dma_wait3A_60 = tpu.memref_slice %arg4[%dma_wait3A_58, %dma_wait3A_59] : memref<10000x128xf32, #tpu.memory_space<hbm>> -> memref<10000x128xf32, #tpu.memory_space<hbm>>
    tpu.wait_indirect_dma semaphore(%arg18 : memref<!tpu.dma_semaphore, #tpu.memory_space<semaphore_mem>>) src(%dma_wait3A_60 : memref<10000x128xf32, #tpu.memory_space<hbm>>) dst(%arg11 : memref<128x128xf32, #tpu.memory_space<vmem>>)
    "tpu.region"() ({
      %run_scoped3A = tpu.sem_alloc : memref<!tpu.dma_semaphore, #tpu.memory_space<semaphore_mem>>
      %dma_start3A_80 = arith.constant 0 : i32
      %dma_start3A_81 = arith.constant 0 : i32
      %dma_start3A_82 = tpu.memref_slice %arg16[%dma_start3A_80, %dma_start3A_81] : memref<10000x128xf32, #tpu.memory_space<vmem_shared>> -> memref<10000x128xf32, #tpu.memory_space<vmem_shared>>
      tpu.enqueue_indirect_dma source(%arg11 : memref<128x128xf32, #tpu.memory_space<vmem>>) target(%dma_start3A_82 : memref<10000x128xf32, #tpu.memory_space<vmem_shared>>) offsets(%arg10 : memref<128xi32, #tpu.memory_space<vmem>>) semaphore(%run_scoped3A : memref<!tpu.dma_semaphore, #tpu.memory_space<semaphore_mem>>) {add = true}
      %dma_wait3A_83 = arith.constant 0 : i32
      %dma_wait3A_84 = arith.constant 0 : i32
      %dma_wait3A_85 = tpu.memref_slice %arg16[%dma_wait3A_83, %dma_wait3A_84] : memref<10000x128xf32, #tpu.memory_space<vmem_shared>> -> memref<10000x128xf32, #tpu.memory_space<vmem_shared>>
      tpu.wait_indirect_dma semaphore(%run_scoped3A : memref<!tpu.dma_semaphore, #tpu.memory_space<semaphore_mem>>) src(%arg11 : memref<128x128xf32, #tpu.memory_space<vmem>>) dst(%dma_wait3A_85 : memref<10000x128xf32, #tpu.memory_space<vmem_shared>>)
      tpu.yield
    }) : () -> ()
    %add3A_61 = arith.constant 9984 : i32
    %add3A_62 = arith.addi %mul3A_13, %add3A_61 : i32
    "tpu.region"() ({
      %run_scoped3A = tpu.sem_alloc : memref<!tpu.dma_semaphore, #tpu.memory_space<semaphore_mem>>
      %dma_start3A_80 = tpu.memref_slice %arg2[%add3A_62] : memref<320000xi32, #tpu.memory_space<hbm>> -> memref<16xi32, #tpu.memory_space<hbm>>
      %dma_start3A_81 = tpu.memref_slice %arg2[%add3A_62] : memref<320000xi32, #tpu.memory_space<hbm>> -> memref<16xi32, #tpu.memory_space<hbm>>
      tpu.enqueue_dma source(%dma_start3A_81 : memref<16xi32, #tpu.memory_space<hbm>>) target(%arg12 : memref<16xi32, #tpu.memory_space<vmem>>) target_semaphore(%run_scoped3A : memref<!tpu.dma_semaphore, #tpu.memory_space<semaphore_mem>>)
      %dma_wait3A_82 = tpu.memref_slice %arg2[%add3A_62] : memref<320000xi32, #tpu.memory_space<hbm>> -> memref<16xi32, #tpu.memory_space<hbm>>
      %dma_wait3A_83 = tpu.memref_slice %arg2[%add3A_62] : memref<320000xi32, #tpu.memory_space<hbm>> -> memref<16xi32, #tpu.memory_space<hbm>>
      tpu.wait_dma2 semaphore(%run_scoped3A : memref<!tpu.dma_semaphore, #tpu.memory_space<semaphore_mem>>) src(%dma_wait3A_83 : memref<16xi32, #tpu.memory_space<hbm>>) dst(%arg12 : memref<16xi32, #tpu.memory_space<vmem>>)
      tpu.yield
    }) : () -> ()
    "tpu.region"() ({
      %run_scoped3A = tpu.sem_alloc : memref<!tpu.dma_semaphore, #tpu.memory_space<semaphore_mem>>
      %dma_start3A_80 = tpu.memref_slice %arg3[%add3A_62] : memref<320000xi32, #tpu.memory_space<hbm>> -> memref<16xi32, #tpu.memory_space<hbm>>
      %dma_start3A_81 = tpu.memref_slice %arg3[%add3A_62] : memref<320000xi32, #tpu.memory_space<hbm>> -> memref<16xi32, #tpu.memory_space<hbm>>
      tpu.enqueue_dma source(%dma_start3A_81 : memref<16xi32, #tpu.memory_space<hbm>>) target(%arg13 : memref<16xi32, #tpu.memory_space<vmem>>) target_semaphore(%run_scoped3A : memref<!tpu.dma_semaphore, #tpu.memory_space<semaphore_mem>>)
      %dma_wait3A_82 = tpu.memref_slice %arg3[%add3A_62] : memref<320000xi32, #tpu.memory_space<hbm>> -> memref<16xi32, #tpu.memory_space<hbm>>
      %dma_wait3A_83 = tpu.memref_slice %arg3[%add3A_62] : memref<320000xi32, #tpu.memory_space<hbm>> -> memref<16xi32, #tpu.memory_space<hbm>>
      tpu.wait_dma2 semaphore(%run_scoped3A : memref<!tpu.dma_semaphore, #tpu.memory_space<semaphore_mem>>) src(%dma_wait3A_83 : memref<16xi32, #tpu.memory_space<hbm>>) dst(%arg13 : memref<16xi32, #tpu.memory_space<vmem>>)
      tpu.yield
    }) : () -> ()
    %dma_start3A_63 = arith.constant 0 : i32
    %dma_start3A_64 = arith.constant 0 : i32
    %dma_start3A_65 = tpu.memref_slice %arg4[%dma_start3A_63, %dma_start3A_64] : memref<10000x128xf32, #tpu.memory_space<hbm>> -> memref<10000x128xf32, #tpu.memory_space<hbm>>
    tpu.enqueue_indirect_dma source(%dma_start3A_65 : memref<10000x128xf32, #tpu.memory_space<hbm>>) target(%arg14 : memref<16x128xf32, #tpu.memory_space<vmem>>) offsets(%arg12 : memref<16xi32, #tpu.memory_space<vmem>>) semaphore(%arg17 : memref<!tpu.dma_semaphore, #tpu.memory_space<semaphore_mem>>)
    %dma_wait3A_66 = arith.constant 0 : i32
    %dma_wait3A_67 = arith.constant 0 : i32
    %dma_wait3A_68 = tpu.memref_slice %arg4[%dma_wait3A_66, %dma_wait3A_67] : memref<10000x128xf32, #tpu.memory_space<hbm>> -> memref<10000x128xf32, #tpu.memory_space<hbm>>
    tpu.wait_indirect_dma semaphore(%arg17 : memref<!tpu.dma_semaphore, #tpu.memory_space<semaphore_mem>>) src(%dma_wait3A_68 : memref<10000x128xf32, #tpu.memory_space<hbm>>) dst(%arg14 : memref<16x128xf32, #tpu.memory_space<vmem>>)
    "tpu.region"() ({
      %run_scoped3A = tpu.sem_alloc : memref<!tpu.dma_semaphore, #tpu.memory_space<semaphore_mem>>
      %dma_start3A_80 = arith.constant 0 : i32
      %dma_start3A_81 = arith.constant 0 : i32
      %dma_start3A_82 = tpu.memref_slice %arg16[%dma_start3A_80, %dma_start3A_81] : memref<10000x128xf32, #tpu.memory_space<vmem_shared>> -> memref<10000x128xf32, #tpu.memory_space<vmem_shared>>
      tpu.enqueue_indirect_dma source(%arg14 : memref<16x128xf32, #tpu.memory_space<vmem>>) target(%dma_start3A_82 : memref<10000x128xf32, #tpu.memory_space<vmem_shared>>) offsets(%arg13 : memref<16xi32, #tpu.memory_space<vmem>>) semaphore(%run_scoped3A : memref<!tpu.dma_semaphore, #tpu.memory_space<semaphore_mem>>) {add = true}
      %dma_wait3A_83 = arith.constant 0 : i32
      %dma_wait3A_84 = arith.constant 0 : i32
      %dma_wait3A_85 = tpu.memref_slice %arg16[%dma_wait3A_83, %dma_wait3A_84] : memref<10000x128xf32, #tpu.memory_space<vmem_shared>> -> memref<10000x128xf32, #tpu.memory_space<vmem_shared>>
      tpu.wait_indirect_dma semaphore(%run_scoped3A : memref<!tpu.dma_semaphore, #tpu.memory_space<semaphore_mem>>) src(%arg14 : memref<16x128xf32, #tpu.memory_space<vmem>>) dst(%dma_wait3A_85 : memref<10000x128xf32, #tpu.memory_space<vmem_shared>>)
      tpu.yield
    }) : () -> ()
    %barrier3A_69 = arith.constant 0 : index
    tpu.barrier barrier_id(%barrier3A_69)
    %scan3A_70 = arith.constant 0 : i32
    %scan3A_71 = arith.constant 10 : i32
    %scan3A_72 = arith.addi %scan3A_70, %scan3A_71 : i32
    %scan3A_73 = arith.constant 1 : i32
    scf.for %scan3A_80 = %scan3A_70 to %scan3A_72 step %scan3A_73  : i32 {
      %mul3A_81 = arith.constant 1 : i32
      %mul3A_82 = arith.muli %scan3A_80, %mul3A_81 : i32
      %add3A_83 = arith.constant 0 : i32
      %add3A_84 = arith.addi %add3A_83, %mul3A_82 : i32
      %mul3A_85 = arith.constant 16 : i32
      %mul3A_86 = arith.muli %add3A_84, %mul3A_85 : i32
      %add3A_87 = arith.addi %mul3A_86, %arg1 : i32
      %lt3A = arith.constant 156 : i32
      %lt3A_88 = arith.cmpi slt, %add3A_87, %lt3A : i32
      %convert_element_type3A_89 = arith.extui %lt3A_88 : i1 to i32
      %cond3A_90 = arith.constant 0 : i32
      %cond3A_91 = arith.cmpi ne, %convert_element_type3A_89, %cond3A_90 : i32
      scf.if %cond3A_91 {
        %mul3A_92 = arith.constant 64 : i32
        %mul3A_93 = arith.muli %add3A_87, %mul3A_92 : i32
        "tpu.region"() ({
          %run_scoped3A = tpu.sem_alloc : memref<!tpu.dma_semaphore, #tpu.memory_space<semaphore_mem>>
          %dma_start3A_96 = arith.constant 0 : i32
          %dma_start3A_97 = tpu.memref_slice %arg16[%mul3A_93, %dma_start3A_96] : memref<10000x128xf32, #tpu.memory_space<vmem_shared>> -> memref<64x128xf32, #tpu.memory_space<vmem_shared>>
          %dma_start3A_98 = arith.constant 0 : i32
          %dma_start3A_99 = tpu.memref_slice %arg16[%mul3A_93, %dma_start3A_98] : memref<10000x128xf32, #tpu.memory_space<vmem_shared>> -> memref<64x128xf32, #tpu.memory_space<vmem_shared>>
          tpu.enqueue_dma source(%dma_start3A_99 : memref<64x128xf32, #tpu.memory_space<vmem_shared>>) target(%arg15 : memref<64x128xf32, #tpu.memory_space<vmem>>) target_semaphore(%run_scoped3A : memref<!tpu.dma_semaphore, #tpu.memory_space<semaphore_mem>>)
          %dma_wait3A_100 = arith.constant 0 : i32
          %dma_wait3A_101 = tpu.memref_slice %arg16[%mul3A_93, %dma_wait3A_100] : memref<10000x128xf32, #tpu.memory_space<vmem_shared>> -> memref<64x128xf32, #tpu.memory_space<vmem_shared>>
          %dma_wait3A_102 = arith.constant 0 : i32
          %dma_wait3A_103 = tpu.memref_slice %arg16[%mul3A_93, %dma_wait3A_102] : memref<10000x128xf32, #tpu.memory_space<vmem_shared>> -> memref<64x128xf32, #tpu.memory_space<vmem_shared>>
          tpu.wait_dma2 semaphore(%run_scoped3A : memref<!tpu.dma_semaphore, #tpu.memory_space<semaphore_mem>>) src(%dma_wait3A_103 : memref<64x128xf32, #tpu.memory_space<vmem_shared>>) dst(%arg15 : memref<64x128xf32, #tpu.memory_space<vmem>>)
          tpu.yield
        }) : () -> ()
        %mul3A_94 = arith.constant 64 : i32
        %mul3A_95 = arith.muli %add3A_87, %mul3A_94 : i32
        "tpu.region"() ({
          %run_scoped3A = tpu.sem_alloc : memref<!tpu.dma_semaphore, #tpu.memory_space<semaphore_mem>>
          %dma_start3A_96 = arith.constant 0 : i32
          %dma_start3A_97 = tpu.memref_slice %arg5[%arg0, %mul3A_95, %dma_start3A_96] : memref<2x10000x128xf32, #tpu.memory_space<hbm>> -> memref<1x64x128xf32, #tpu.memory_space<hbm>>
          %dma_start3A_98 = tpu.memref_squeeze %dma_start3A_97 : memref<1x64x128xf32, #tpu.memory_space<hbm>> -> memref<64x128xf32, #tpu.memory_space<hbm>>
          %dma_start3A_99 = arith.constant 0 : i32
          %dma_start3A_100 = tpu.memref_slice %arg5[%arg0, %mul3A_95, %dma_start3A_99] : memref<2x10000x128xf32, #tpu.memory_space<hbm>> -> memref<1x64x128xf32, #tpu.memory_space<hbm>>
          %dma_start3A_101 = tpu.memref_squeeze %dma_start3A_100 : memref<1x64x128xf32, #tpu.memory_space<hbm>> -> memref<64x128xf32, #tpu.memory_space<hbm>>
          tpu.enqueue_dma source(%arg15 : memref<64x128xf32, #tpu.memory_space<vmem>>) target(%dma_start3A_101 : memref<64x128xf32, #tpu.memory_space<hbm>>) target_semaphore(%run_scoped3A : memref<!tpu.dma_semaphore, #tpu.memory_space<semaphore_mem>>)
          %dma_wait3A_102 = arith.constant 0 : i32
          %dma_wait3A_103 = tpu.memref_slice %arg5[%arg0, %mul3A_95, %dma_wait3A_102] : memref<2x10000x128xf32, #tpu.memory_space<hbm>> -> memref<1x64x128xf32, #tpu.memory_space<hbm>>
          %dma_wait3A_104 = tpu.memref_squeeze %dma_wait3A_103 : memref<1x64x128xf32, #tpu.memory_space<hbm>> -> memref<64x128xf32, #tpu.memory_space<hbm>>
          %dma_wait3A_105 = arith.constant 0 : i32
          %dma_wait3A_106 = tpu.memref_slice %arg5[%arg0, %mul3A_95, %dma_wait3A_105] : memref<2x10000x128xf32, #tpu.memory_space<hbm>> -> memref<1x64x128xf32, #tpu.memory_space<hbm>>
          %dma_wait3A_107 = tpu.memref_squeeze %dma_wait3A_106 : memref<1x64x128xf32, #tpu.memory_space<hbm>> -> memref<64x128xf32, #tpu.memory_space<hbm>>
          tpu.wait_dma2 semaphore(%run_scoped3A : memref<!tpu.dma_semaphore, #tpu.memory_space<semaphore_mem>>) src(%arg15 : memref<64x128xf32, #tpu.memory_space<vmem>>) dst(%dma_wait3A_107 : memref<64x128xf32, #tpu.memory_space<hbm>>)
          tpu.yield
        }) : () -> ()
      } else {
      }
    }
    %scan3A_74 = arith.constant 10 : i32
    %eq3A_75 = arith.constant 12 : i32
    %eq3A_76 = arith.cmpi eq, %arg1, %eq3A_75 : i32
    %convert_element_type3A_77 = arith.extui %eq3A_76 : i1 to i32
    %cond3A_78 = arith.constant 0 : i32
    %cond3A_79 = arith.cmpi ne, %convert_element_type3A_77, %cond3A_78 : i32
    scf.if %cond3A_79 {
      "tpu.region"() ({
        %run_scoped3A = tpu.sem_alloc : memref<!tpu.dma_semaphore, #tpu.memory_space<semaphore_mem>>
        %dma_start3A_80 = arith.constant 0 : i32
        %dma_start3A_81 = arith.constant 0 : i32
        %dma_start3A_82 = tpu.memref_slice %arg15[%dma_start3A_80, %dma_start3A_81] : memref<64x128xf32, #tpu.memory_space<vmem>> -> memref<16x128xf32, #tpu.memory_space<vmem>>
        %dma_start3A_83 = arith.constant 9984 : i32
        %dma_start3A_84 = arith.constant 0 : i32
        %dma_start3A_85 = tpu.memref_slice %arg16[%dma_start3A_83, %dma_start3A_84] : memref<10000x128xf32, #tpu.memory_space<vmem_shared>> -> memref<16x128xf32, #tpu.memory_space<vmem_shared>>
        %dma_start3A_86 = arith.constant 0 : i32
        %dma_start3A_87 = arith.constant 0 : i32
        %dma_start3A_88 = tpu.memref_slice %arg15[%dma_start3A_86, %dma_start3A_87] : memref<64x128xf32, #tpu.memory_space<vmem>> -> memref<16x128xf32, #tpu.memory_space<vmem>>
        %dma_start3A_89 = arith.constant 9984 : i32
        %dma_start3A_90 = arith.constant 0 : i32
        %dma_start3A_91 = tpu.memref_slice %arg16[%dma_start3A_89, %dma_start3A_90] : memref<10000x128xf32, #tpu.memory_space<vmem_shared>> -> memref<16x128xf32, #tpu.memory_space<vmem_shared>>
        tpu.enqueue_dma source(%dma_start3A_91 : memref<16x128xf32, #tpu.memory_space<vmem_shared>>) target(%dma_start3A_88 : memref<16x128xf32, #tpu.memory_space<vmem>>) target_semaphore(%run_scoped3A : memref<!tpu.dma_semaphore, #tpu.memory_space<semaphore_mem>>)
        %dma_wait3A_92 = arith.constant 0 : i32
        %dma_wait3A_93 = arith.constant 0 : i32
        %dma_wait3A_94 = tpu.memref_slice %arg15[%dma_wait3A_92, %dma_wait3A_93] : memref<64x128xf32, #tpu.memory_space<vmem>> -> memref<16x128xf32, #tpu.memory_space<vmem>>
        %dma_wait3A_95 = arith.constant 9984 : i32
        %dma_wait3A_96 = arith.constant 0 : i32
        %dma_wait3A_97 = tpu.memref_slice %arg16[%dma_wait3A_95, %dma_wait3A_96] : memref<10000x128xf32, #tpu.memory_space<vmem_shared>> -> memref<16x128xf32, #tpu.memory_space<vmem_shared>>
        %dma_wait3A_98 = arith.constant 0 : i32
        %dma_wait3A_99 = arith.constant 0 : i32
        %dma_wait3A_100 = tpu.memref_slice %arg15[%dma_wait3A_98, %dma_wait3A_99] : memref<64x128xf32, #tpu.memory_space<vmem>> -> memref<16x128xf32, #tpu.memory_space<vmem>>
        %dma_wait3A_101 = arith.constant 9984 : i32
        %dma_wait3A_102 = arith.constant 0 : i32
        %dma_wait3A_103 = tpu.memref_slice %arg16[%dma_wait3A_101, %dma_wait3A_102] : memref<10000x128xf32, #tpu.memory_space<vmem_shared>> -> memref<16x128xf32, #tpu.memory_space<vmem_shared>>
        tpu.wait_dma2 semaphore(%run_scoped3A : memref<!tpu.dma_semaphore, #tpu.memory_space<semaphore_mem>>) src(%dma_wait3A_103 : memref<16x128xf32, #tpu.memory_space<vmem_shared>>) dst(%dma_wait3A_100 : memref<16x128xf32, #tpu.memory_space<vmem>>)
        tpu.yield
      }) : () -> ()
      "tpu.region"() ({
        %run_scoped3A = tpu.sem_alloc : memref<!tpu.dma_semaphore, #tpu.memory_space<semaphore_mem>>
        %dma_start3A_80 = arith.constant 0 : i32
        %dma_start3A_81 = arith.constant 0 : i32
        %dma_start3A_82 = tpu.memref_slice %arg15[%dma_start3A_80, %dma_start3A_81] : memref<64x128xf32, #tpu.memory_space<vmem>> -> memref<16x128xf32, #tpu.memory_space<vmem>>
        %dma_start3A_83 = arith.constant 9984 : i32
        %dma_start3A_84 = arith.constant 0 : i32
        %dma_start3A_85 = tpu.memref_slice %arg5[%arg0, %dma_start3A_83, %dma_start3A_84] : memref<2x10000x128xf32, #tpu.memory_space<hbm>> -> memref<1x16x128xf32, #tpu.memory_space<hbm>>
        %dma_start3A_86 = tpu.memref_squeeze %dma_start3A_85 : memref<1x16x128xf32, #tpu.memory_space<hbm>> -> memref<16x128xf32, #tpu.memory_space<hbm>>
        %dma_start3A_87 = arith.constant 9984 : i32
        %dma_start3A_88 = arith.constant 0 : i32
        %dma_start3A_89 = tpu.memref_slice %arg5[%arg0, %dma_start3A_87, %dma_start3A_88] : memref<2x10000x128xf32, #tpu.memory_space<hbm>> -> memref<1x16x128xf32, #tpu.memory_space<hbm>>
        %dma_start3A_90 = tpu.memref_squeeze %dma_start3A_89 : memref<1x16x128xf32, #tpu.memory_space<hbm>> -> memref<16x128xf32, #tpu.memory_space<hbm>>
        %dma_start3A_91 = arith.constant 0 : i32
        %dma_start3A_92 = arith.constant 0 : i32
        %dma_start3A_93 = tpu.memref_slice %arg15[%dma_start3A_91, %dma_start3A_92] : memref<64x128xf32, #tpu.memory_space<vmem>> -> memref<16x128xf32, #tpu.memory_space<vmem>>
        tpu.enqueue_dma source(%dma_start3A_93 : memref<16x128xf32, #tpu.memory_space<vmem>>) target(%dma_start3A_90 : memref<16x128xf32, #tpu.memory_space<hbm>>) target_semaphore(%run_scoped3A : memref<!tpu.dma_semaphore, #tpu.memory_space<semaphore_mem>>)
        %dma_wait3A_94 = arith.constant 0 : i32
        %dma_wait3A_95 = arith.constant 0 : i32
        %dma_wait3A_96 = tpu.memref_slice %arg15[%dma_wait3A_94, %dma_wait3A_95] : memref<64x128xf32, #tpu.memory_space<vmem>> -> memref<16x128xf32, #tpu.memory_space<vmem>>
        %dma_wait3A_97 = arith.constant 9984 : i32
        %dma_wait3A_98 = arith.constant 0 : i32
        %dma_wait3A_99 = tpu.memref_slice %arg5[%arg0, %dma_wait3A_97, %dma_wait3A_98] : memref<2x10000x128xf32, #tpu.memory_space<hbm>> -> memref<1x16x128xf32, #tpu.memory_space<hbm>>
        %dma_wait3A_100 = tpu.memref_squeeze %dma_wait3A_99 : memref<1x16x128xf32, #tpu.memory_space<hbm>> -> memref<16x128xf32, #tpu.memory_space<hbm>>
        %dma_wait3A_101 = arith.constant 9984 : i32
        %dma_wait3A_102 = arith.constant 0 : i32
        %dma_wait3A_103 = tpu.memref_slice %arg5[%arg0, %dma_wait3A_101, %dma_wait3A_102] : memref<2x10000x128xf32, #tpu.memory_space<hbm>> -> memref<1x16x128xf32, #tpu.memory_space<hbm>>
        %dma_wait3A_104 = tpu.memref_squeeze %dma_wait3A_103 : memref<1x16x128xf32, #tpu.memory_space<hbm>> -> memref<16x128xf32, #tpu.memory_space<hbm>>
        %dma_wait3A_105 = arith.constant 0 : i32
        %dma_wait3A_106 = arith.constant 0 : i32
        %dma_wait3A_107 = tpu.memref_slice %arg15[%dma_wait3A_105, %dma_wait3A_106] : memref<64x128xf32, #tpu.memory_space<vmem>> -> memref<16x128xf32, #tpu.memory_space<vmem>>
        tpu.wait_dma2 semaphore(%run_scoped3A : memref<!tpu.dma_semaphore, #tpu.memory_space<semaphore_mem>>) src(%dma_wait3A_107 : memref<16x128xf32, #tpu.memory_space<vmem>>) dst(%dma_wait3A_104 : memref<16x128xf32, #tpu.memory_space<hbm>>)
        tpu.yield
      }) : () -> ()
    } else {
    }
    return
  }
}

#map = affine_map<(d0, d1) -> (0)>
#map1 = affine_map<(d0, d1) -> (0, 0)>
#map2 = affine_map<(d0, d1) -> (0, 0, 0)>
module attributes {stable_mosaic.version = 14 : i64} {
  func.func @_sc_segsum(%arg0: i32, %arg1: i32, %arg2: memref<320000xi32, #tpu.memory_space<hbm>>, %arg3: memref<320000xi32, #tpu.memory_space<hbm>>, %arg4: memref<10000x128xf32, #tpu.memory_space<hbm>>, %arg5: memref<2x10000x128xf32, #tpu.memory_space<hbm>>, %arg6: memref<128xi32, #tpu.memory_space<vmem>>, %arg7: memref<128xi32, #tpu.memory_space<vmem>>, %arg8: memref<128x128xf32, #tpu.memory_space<vmem>>, %arg9: memref<128xi32, #tpu.memory_space<vmem>>, %arg10: memref<128xi32, #tpu.memory_space<vmem>>, %arg11: memref<128x128xf32, #tpu.memory_space<vmem>>, %arg12: memref<16xi32, #tpu.memory_space<vmem>>, %arg13: memref<16xi32, #tpu.memory_space<vmem>>, %arg14: memref<16x128xf32, #tpu.memory_space<vmem>>, %arg15: memref<64x128xf32, #tpu.memory_space<vmem>>, %arg16: memref<10000x128xf32, #tpu.memory_space<vmem_shared>>, %arg17: memref<!tpu.dma_semaphore, #tpu.memory_space<semaphore_mem>>, %arg18: memref<!tpu.dma_semaphore, #tpu.memory_space<semaphore_mem>>, %arg19: memref<!tpu.dma_semaphore, #tpu.memory_space<semaphore_mem>>, %arg20: memref<!tpu.dma_semaphore, #tpu.memory_space<semaphore_mem>>, %arg21: memref<!tpu.dma_semaphore, #tpu.memory_space<semaphore_mem>>, %arg22: memref<!tpu.dma_semaphore, #tpu.memory_space<semaphore_mem>>) attributes {dimension_semantics = [#tpu.dimension_semantics<core_parallel>, #tpu.dimension_semantics<subcore_parallel>], iteration_bounds = array<i64: 2, 16>, scalar_prefetch = 0 : i64, scratch_operands = 17 : i64, tpu.core_type = #tpu.core_type<sc_vector_subcore>, window_params = [{transform_indices = #map}, {transform_indices = #map}, {transform_indices = #map1}, {transform_indices = #map2}]} {
    %scan3A = arith.constant 0 : i32
    %scan3A_0 = arith.constant 64 : i32
    %scan3A_1 = arith.addi %scan3A, %scan3A_0 : i32
    %scan3A_2 = arith.constant 1 : i32
    scf.for %scan3A_80 = %scan3A to %scan3A_1 step %scan3A_2  : i32 {
      %mul3A_81 = arith.constant 1 : i32
      %mul3A_82 = arith.muli %scan3A_80, %mul3A_81 : i32
      %add3A_83 = arith.constant 0 : i32
      %add3A_84 = arith.addi %add3A_83, %mul3A_82 : i32
      %broadcast_in_dim3A = arith.constant 0.000000e+00 : f32
      %broadcast_in_dim3A_85 = vector.broadcast %broadcast_in_dim3A : f32 to vector<16xf32>
      %swap3A = arith.index_cast %add3A_84 : i32 to index
      %swap3A_86 = arith.constant 0 : index
      %swap3A_87 = tpu.vector_load %arg15[%swap3A, %swap3A_86] {strides = array<i32>} : memref<64x128xf32, #tpu.memory_space<vmem>>, vector<1x16xf32>,
      %swap3A_88 = vector.shape_cast %swap3A_87 : vector<1x16xf32> to vector<16xf32>
      %swap3A_89 = vector.shape_cast %broadcast_in_dim3A_85 : vector<16xf32> to vector<1x16xf32>
      tpu.vector_store %arg15[%swap3A, %swap3A_86], %swap3A_89 {strides = array<i32>} : memref<64x128xf32, #tpu.memory_space<vmem>>, vector<1x16xf32>,
      %broadcast_in_dim3A_90 = arith.constant 0.000000e+00 : f32
      %broadcast_in_dim3A_91 = vector.broadcast %broadcast_in_dim3A_90 : f32 to vector<16xf32>
      %swap3A_92 = arith.index_cast %add3A_84 : i32 to index
      %swap3A_93 = arith.constant 16 : index
      %swap3A_94 = tpu.vector_load %arg15[%swap3A_92, %swap3A_93] {strides = array<i32>} : memref<64x128xf32, #tpu.memory_space<vmem>>, vector<1x16xf32>,
      %swap3A_95 = vector.shape_cast %swap3A_94 : vector<1x16xf32> to vector<16xf32>
      %swap3A_96 = vector.shape_cast %broadcast_in_dim3A_91 : vector<16xf32> to vector<1x16xf32>
      tpu.vector_store %arg15[%swap3A_92, %swap3A_93], %swap3A_96 {strides = array<i32>} : memref<64x128xf32, #tpu.memory_space<vmem>>, vector<1x16xf32>,
      %broadcast_in_dim3A_97 = arith.constant 0.000000e+00 : f32
      %broadcast_in_dim3A_98 = vector.broadcast %broadcast_in_dim3A_97 : f32 to vector<16xf32>
      %swap3A_99 = arith.index_cast %add3A_84 : i32 to index
      %swap3A_100 = arith.constant 32 : index
      %swap3A_101 = tpu.vector_load %arg15[%swap3A_99, %swap3A_100] {strides = array<i32>} : memref<64x128xf32, #tpu.memory_space<vmem>>, vector<1x16xf32>,
      %swap3A_102 = vector.shape_cast %swap3A_101 : vector<1x16xf32> to vector<16xf32>
      %swap3A_103 = vector.shape_cast %broadcast_in_dim3A_98 : vector<16xf32> to vector<1x16xf32>
      tpu.vector_store %arg15[%swap3A_99, %swap3A_100], %swap3A_103 {strides = array<i32>} : memref<64x128xf32, #tpu.memory_space<vmem>>, vector<1x16xf32>,
      %broadcast_in_dim3A_104 = arith.constant 0.000000e+00 : f32
      %broadcast_in_dim3A_105 = vector.broadcast %broadcast_in_dim3A_104 : f32 to vector<16xf32>
      %swap3A_106 = arith.index_cast %add3A_84 : i32 to index
      %swap3A_107 = arith.constant 48 : index
      %swap3A_108 = tpu.vector_load %arg15[%swap3A_106, %swap3A_107] {strides = array<i32>} : memref<64x128xf32, #tpu.memory_space<vmem>>, vector<1x16xf32>,
      %swap3A_109 = vector.shape_cast %swap3A_108 : vector<1x16xf32> to vector<16xf32>
      %swap3A_110 = vector.shape_cast %broadcast_in_dim3A_105 : vector<16xf32> to vector<1x16xf32>
      tpu.vector_store %arg15[%swap3A_106, %swap3A_107], %swap3A_110 {strides = array<i32>} : memref<64x128xf32, #tpu.memory_space<vmem>>, vector<1x16xf32>,
      %broadcast_in_dim3A_111 = arith.constant 0.000000e+00 : f32
      %broadcast_in_dim3A_112 = vector.broadcast %broadcast_in_dim3A_111 : f32 to vector<16xf32>
      %swap3A_113 = arith.index_cast %add3A_84 : i32 to index
      %swap3A_114 = arith.constant 64 : index
      %swap3A_115 = tpu.vector_load %arg15[%swap3A_113, %swap3A_114] {strides = array<i32>} : memref<64x128xf32, #tpu.memory_space<vmem>>, vector<1x16xf32>,
      %swap3A_116 = vector.shape_cast %swap3A_115 : vector<1x16xf32> to vector<16xf32>
      %swap3A_117 = vector.shape_cast %broadcast_in_dim3A_112 : vector<16xf32> to vector<1x16xf32>
      tpu.vector_store %arg15[%swap3A_113, %swap3A_114], %swap3A_117 {strides = array<i32>} : memref<64x128xf32, #tpu.memory_space<vmem>>, vector<1x16xf32>,
      %broadcast_in_dim3A_118 = arith.constant 0.000000e+00 : f32
      %broadcast_in_dim3A_119 = vector.broadcast %broadcast_in_dim3A_118 : f32 to vector<16xf32>
      %swap3A_120 = arith.index_cast %add3A_84 : i32 to index
      %swap3A_121 = arith.constant 80 : index
      %swap3A_122 = tpu.vector_load %arg15[%swap3A_120, %swap3A_121] {strides = array<i32>} : memref<64x128xf32, #tpu.memory_space<vmem>>, vector<1x16xf32>,
      %swap3A_123 = vector.shape_cast %swap3A_122 : vector<1x16xf32> to vector<16xf32>
      %swap3A_124 = vector.shape_cast %broadcast_in_dim3A_119 : vector<16xf32> to vector<1x16xf32>
      tpu.vector_store %arg15[%swap3A_120, %swap3A_121], %swap3A_124 {strides = array<i32>} : memref<64x128xf32, #tpu.memory_space<vmem>>, vector<1x16xf32>,
      %broadcast_in_dim3A_125 = arith.constant 0.000000e+00 : f32
      %broadcast_in_dim3A_126 = vector.broadcast %broadcast_in_dim3A_125 : f32 to vector<16xf32>
      %swap3A_127 = arith.index_cast %add3A_84 : i32 to index
      %swap3A_128 = arith.constant 96 : index
      %swap3A_129 = tpu.vector_load %arg15[%swap3A_127, %swap3A_128] {strides = array<i32>} : memref<64x128xf32, #tpu.memory_space<vmem>>, vector<1x16xf32>,
      %swap3A_130 = vector.shape_cast %swap3A_129 : vector<1x16xf32> to vector<16xf32>
      %swap3A_131 = vector.shape_cast %broadcast_in_dim3A_126 : vector<16xf32> to vector<1x16xf32>
      tpu.vector_store %arg15[%swap3A_127, %swap3A_128], %swap3A_131 {strides = array<i32>} : memref<64x128xf32, #tpu.memory_space<vmem>>, vector<1x16xf32>,
      %broadcast_in_dim3A_132 = arith.constant 0.000000e+00 : f32
      %broadcast_in_dim3A_133 = vector.broadcast %broadcast_in_dim3A_132 : f32 to vector<16xf32>
      %swap3A_134 = arith.index_cast %add3A_84 : i32 to index
      %swap3A_135 = arith.constant 112 : index
      %swap3A_136 = tpu.vector_load %arg15[%swap3A_134, %swap3A_135] {strides = array<i32>} : memref<64x128xf32, #tpu.memory_space<vmem>>, vector<1x16xf32>,
      %swap3A_137 = vector.shape_cast %swap3A_136 : vector<1x16xf32> to vector<16xf32>
      %swap3A_138 = vector.shape_cast %broadcast_in_dim3A_133 : vector<16xf32> to vector<1x16xf32>
      tpu.vector_store %arg15[%swap3A_134, %swap3A_135], %swap3A_138 {strides = array<i32>} : memref<64x128xf32, #tpu.memory_space<vmem>>, vector<1x16xf32>,
    }
    %scan3A_3 = arith.constant 64 : i32
    %scan3A_4 = arith.constant 0 : i32
    %scan3A_5 = arith.constant 10 : i32
    %scan3A_6 = arith.addi %scan3A_4, %scan3A_5 : i32
    %scan3A_7 = arith.constant 1 : i32
    scf.for %scan3A_80 = %scan3A_4 to %scan3A_6 step %scan3A_7  : i32 {
      %mul3A_81 = arith.constant 1 : i32
      %mul3A_82 = arith.muli %scan3A_80, %mul3A_81 : i32
      %add3A_83 = arith.constant 0 : i32
      %add3A_84 = arith.addi %add3A_83, %mul3A_82 : i32
      %mul3A_85 = arith.constant 16 : i32
      %mul3A_86 = arith.muli %add3A_84, %mul3A_85 : i32
      %add3A_87 = arith.addi %mul3A_86, %arg1 : i32
      %lt3A = arith.constant 156 : i32
      %lt3A_88 = arith.cmpi slt, %add3A_87, %lt3A : i32
      %convert_element_type3A_89 = arith.extui %lt3A_88 : i1 to i32
      %cond3A_90 = arith.constant 0 : i32
      %cond3A_91 = arith.cmpi ne, %convert_element_type3A_89, %cond3A_90 : i32
      scf.if %cond3A_91 {
        %mul3A_92 = arith.constant 64 : i32
        %mul3A_93 = arith.muli %add3A_87, %mul3A_92 : i32
        "tpu.region"() ({
          %run_scoped3A = tpu.sem_alloc : memref<!tpu.dma_semaphore, #tpu.memory_space<semaphore_mem>>
          %dma_start3A_94 = arith.constant 0 : i32
          %dma_start3A_95 = tpu.memref_slice %arg16[%mul3A_93, %dma_start3A_94] : memref<10000x128xf32, #tpu.memory_space<vmem_shared>> -> memref<64x128xf32, #tpu.memory_space<vmem_shared>>
          %dma_start3A_96 = arith.constant 0 : i32
          %dma_start3A_97 = tpu.memref_slice %arg16[%mul3A_93, %dma_start3A_96] : memref<10000x128xf32, #tpu.memory_space<vmem_shared>> -> memref<64x128xf32, #tpu.memory_space<vmem_shared>>
          tpu.enqueue_dma source(%arg15 : memref<64x128xf32, #tpu.memory_space<vmem>>) target(%dma_start3A_97 : memref<64x128xf32, #tpu.memory_space<vmem_shared>>) target_semaphore(%run_scoped3A : memref<!tpu.dma_semaphore, #tpu.memory_space<semaphore_mem>>)
          %dma_wait3A_98 = arith.constant 0 : i32
          %dma_wait3A_99 = tpu.memref_slice %arg16[%mul3A_93, %dma_wait3A_98] : memref<10000x128xf32, #tpu.memory_space<vmem_shared>> -> memref<64x128xf32, #tpu.memory_space<vmem_shared>>
          %dma_wait3A_100 = arith.constant 0 : i32
          %dma_wait3A_101 = tpu.memref_slice %arg16[%mul3A_93, %dma_wait3A_100] : memref<10000x128xf32, #tpu.memory_space<vmem_shared>> -> memref<64x128xf32, #tpu.memory_space<vmem_shared>>
          tpu.wait_dma2 semaphore(%run_scoped3A : memref<!tpu.dma_semaphore, #tpu.memory_space<semaphore_mem>>) src(%arg15 : memref<64x128xf32, #tpu.memory_space<vmem>>) dst(%dma_wait3A_101 : memref<64x128xf32, #tpu.memory_space<vmem_shared>>)
          tpu.yield
        }) : () -> ()
      } else {
      }
    }
    %scan3A_8 = arith.constant 10 : i32
    %eq3A = arith.constant 12 : i32
    %eq3A_9 = arith.cmpi eq, %arg1, %eq3A : i32
    %convert_element_type3A = arith.extui %eq3A_9 : i1 to i32
    %cond3A = arith.constant 0 : i32
    %cond3A_10 = arith.cmpi ne, %convert_element_type3A, %cond3A : i32
    scf.if %cond3A_10 {
      "tpu.region"() ({
        %run_scoped3A = tpu.sem_alloc : memref<!tpu.dma_semaphore, #tpu.memory_space<semaphore_mem>>
        %dma_start3A_80 = arith.constant 0 : i32
        %dma_start3A_81 = arith.constant 0 : i32
        %dma_start3A_82 = tpu.memref_slice %arg15[%dma_start3A_80, %dma_start3A_81] : memref<64x128xf32, #tpu.memory_space<vmem>> -> memref<16x128xf32, #tpu.memory_space<vmem>>
        %dma_start3A_83 = arith.constant 9984 : i32
        %dma_start3A_84 = arith.constant 0 : i32
        %dma_start3A_85 = tpu.memref_slice %arg16[%dma_start3A_83, %dma_start3A_84] : memref<10000x128xf32, #tpu.memory_space<vmem_shared>> -> memref<16x128xf32, #tpu.memory_space<vmem_shared>>
        %dma_start3A_86 = arith.constant 9984 : i32
        %dma_start3A_87 = arith.constant 0 : i32
        %dma_start3A_88 = tpu.memref_slice %arg16[%dma_start3A_86, %dma_start3A_87] : memref<10000x128xf32, #tpu.memory_space<vmem_shared>> -> memref<16x128xf32, #tpu.memory_space<vmem_shared>>
        %dma_start3A_89 = arith.constant 0 : i32
        %dma_start3A_90 = arith.constant 0 : i32
        %dma_start3A_91 = tpu.memref_slice %arg15[%dma_start3A_89, %dma_start3A_90] : memref<64x128xf32, #tpu.memory_space<vmem>> -> memref<16x128xf32, #tpu.memory_space<vmem>>
        tpu.enqueue_dma source(%dma_start3A_91 : memref<16x128xf32, #tpu.memory_space<vmem>>) target(%dma_start3A_88 : memref<16x128xf32, #tpu.memory_space<vmem_shared>>) target_semaphore(%run_scoped3A : memref<!tpu.dma_semaphore, #tpu.memory_space<semaphore_mem>>)
        %dma_wait3A_92 = arith.constant 0 : i32
        %dma_wait3A_93 = arith.constant 0 : i32
        %dma_wait3A_94 = tpu.memref_slice %arg15[%dma_wait3A_92, %dma_wait3A_93] : memref<64x128xf32, #tpu.memory_space<vmem>> -> memref<16x128xf32, #tpu.memory_space<vmem>>
        %dma_wait3A_95 = arith.constant 9984 : i32
        %dma_wait3A_96 = arith.constant 0 : i32
        %dma_wait3A_97 = tpu.memref_slice %arg16[%dma_wait3A_95, %dma_wait3A_96] : memref<10000x128xf32, #tpu.memory_space<vmem_shared>> -> memref<16x128xf32, #tpu.memory_space<vmem_shared>>
        %dma_wait3A_98 = arith.constant 9984 : i32
        %dma_wait3A_99 = arith.constant 0 : i32
        %dma_wait3A_100 = tpu.memref_slice %arg16[%dma_wait3A_98, %dma_wait3A_99] : memref<10000x128xf32, #tpu.memory_space<vmem_shared>> -> memref<16x128xf32, #tpu.memory_space<vmem_shared>>
        %dma_wait3A_101 = arith.constant 0 : i32
        %dma_wait3A_102 = arith.constant 0 : i32
        %dma_wait3A_103 = tpu.memref_slice %arg15[%dma_wait3A_101, %dma_wait3A_102] : memref<64x128xf32, #tpu.memory_space<vmem>> -> memref<16x128xf32, #tpu.memory_space<vmem>>
        tpu.wait_dma2 semaphore(%run_scoped3A : memref<!tpu.dma_semaphore, #tpu.memory_space<semaphore_mem>>) src(%dma_wait3A_103 : memref<16x128xf32, #tpu.memory_space<vmem>>) dst(%dma_wait3A_100 : memref<16x128xf32, #tpu.memory_space<vmem_shared>>)
        tpu.yield
      }) : () -> ()
    } else {
    }
    %barrier3A = arith.constant 0 : index
    tpu.barrier barrier_id(%barrier3A)
    %mul3A = arith.constant 16 : i32
    %mul3A_11 = arith.muli %arg0, %mul3A : i32
    %add3A = arith.addi %mul3A_11, %arg1 : i32
    %mul3A_12 = arith.constant 10000 : i32
    %mul3A_13 = arith.muli %add3A, %mul3A_12 : i32
    %add3A_14 = arith.constant 0 : i32
    %add3A_15 = arith.addi %mul3A_13, %add3A_14 : i32
    %dma_start3A = tpu.memref_slice %arg2[%add3A_15] : memref<320000xi32, #tpu.memory_space<hbm>> -> memref<128xi32, #tpu.memory_space<hbm>>
    %dma_start3A_16 = tpu.memref_slice %arg2[%add3A_15] : memref<320000xi32, #tpu.memory_space<hbm>> -> memref<128xi32, #tpu.memory_space<hbm>>
    tpu.enqueue_dma source(%dma_start3A_16 : memref<128xi32, #tpu.memory_space<hbm>>) target(%arg6 : memref<128xi32, #tpu.memory_space<vmem>>) target_semaphore(%arg19 : memref<!tpu.dma_semaphore, #tpu.memory_space<semaphore_mem>>)
    %add3A_17 = arith.constant 0 : i32
    %add3A_18 = arith.addi %mul3A_13, %add3A_17 : i32
    %dma_start3A_19 = tpu.memref_slice %arg3[%add3A_18] : memref<320000xi32, #tpu.memory_space<hbm>> -> memref<128xi32, #tpu.memory_space<hbm>>
    %dma_start3A_20 = tpu.memref_slice %arg3[%add3A_18] : memref<320000xi32, #tpu.memory_space<hbm>> -> memref<128xi32, #tpu.memory_space<hbm>>
    tpu.enqueue_dma source(%dma_start3A_20 : memref<128xi32, #tpu.memory_space<hbm>>) target(%arg7 : memref<128xi32, #tpu.memory_space<vmem>>) target_semaphore(%arg20 : memref<!tpu.dma_semaphore, #tpu.memory_space<semaphore_mem>>)
    %add3A_21 = arith.constant 0 : i32
    %add3A_22 = arith.addi %mul3A_13, %add3A_21 : i32
    %dma_wait3A = tpu.memref_slice %arg2[%add3A_22] : memref<320000xi32, #tpu.memory_space<hbm>> -> memref<128xi32, #tpu.memory_space<hbm>>
    %dma_wait3A_23 = tpu.memref_slice %arg2[%add3A_22] : memref<320000xi32, #tpu.memory_space<hbm>> -> memref<128xi32, #tpu.memory_space<hbm>>
    tpu.wait_dma2 semaphore(%arg19 : memref<!tpu.dma_semaphore, #tpu.memory_space<semaphore_mem>>) src(%dma_wait3A_23 : memref<128xi32, #tpu.memory_space<hbm>>) dst(%arg6 : memref<128xi32, #tpu.memory_space<vmem>>)
    %add3A_24 = arith.constant 0 : i32
    %add3A_25 = arith.addi %mul3A_13, %add3A_24 : i32
    %dma_wait3A_26 = tpu.memref_slice %arg3[%add3A_25] : memref<320000xi32, #tpu.memory_space<hbm>> -> memref<128xi32, #tpu.memory_space<hbm>>
    %dma_wait3A_27 = tpu.memref_slice %arg3[%add3A_25] : memref<320000xi32, #tpu.memory_space<hbm>> -> memref<128xi32, #tpu.memory_space<hbm>>
    tpu.wait_dma2 semaphore(%arg20 : memref<!tpu.dma_semaphore, #tpu.memory_space<semaphore_mem>>) src(%dma_wait3A_27 : memref<128xi32, #tpu.memory_space<hbm>>) dst(%arg7 : memref<128xi32, #tpu.memory_space<vmem>>)
    %dma_start3A_28 = arith.constant 0 : i32
    %dma_start3A_29 = arith.constant 0 : i32
    %dma_start3A_30 = tpu.memref_slice %arg4[%dma_start3A_28, %dma_start3A_29] : memref<10000x128xf32, #tpu.memory_space<hbm>> -> memref<10000x128xf32, #tpu.memory_space<hbm>>
    tpu.enqueue_indirect_dma source(%dma_start3A_30 : memref<10000x128xf32, #tpu.memory_space<hbm>>) target(%arg8 : memref<128x128xf32, #tpu.memory_space<vmem>>) offsets(%arg6 : memref<128xi32, #tpu.memory_space<vmem>>) semaphore(%arg17 : memref<!tpu.dma_semaphore, #tpu.memory_space<semaphore_mem>>)
    %add3A_31 = arith.constant 128 : i32
    %add3A_32 = arith.addi %mul3A_13, %add3A_31 : i32
    %dma_start3A_33 = tpu.memref_slice %arg2[%add3A_32] : memref<320000xi32, #tpu.memory_space<hbm>> -> memref<128xi32, #tpu.memory_space<hbm>>
    %dma_start3A_34 = tpu.memref_slice %arg2[%add3A_32] : memref<320000xi32, #tpu.memory_space<hbm>> -> memref<128xi32, #tpu.memory_space<hbm>>
    tpu.enqueue_dma source(%dma_start3A_34 : memref<128xi32, #tpu.memory_space<hbm>>) target(%arg9 : memref<128xi32, #tpu.memory_space<vmem>>) target_semaphore(%arg21 : memref<!tpu.dma_semaphore, #tpu.memory_space<semaphore_mem>>)
    %add3A_35 = arith.constant 128 : i32
    %add3A_36 = arith.addi %mul3A_13, %add3A_35 : i32
    %dma_start3A_37 = tpu.memref_slice %arg3[%add3A_36] : memref<320000xi32, #tpu.memory_space<hbm>> -> memref<128xi32, #tpu.memory_space<hbm>>
    %dma_start3A_38 = tpu.memref_slice %arg3[%add3A_36] : memref<320000xi32, #tpu.memory_space<hbm>> -> memref<128xi32, #tpu.memory_space<hbm>>
    tpu.enqueue_dma source(%dma_start3A_38 : memref<128xi32, #tpu.memory_space<hbm>>) target(%arg10 : memref<128xi32, #tpu.memory_space<vmem>>) target_semaphore(%arg22 : memref<!tpu.dma_semaphore, #tpu.memory_space<semaphore_mem>>)
    %scan3A_39 = arith.constant 0 : i32
    %scan3A_40 = arith.constant 38 : i32
    %scan3A_41 = arith.addi %scan3A_39, %scan3A_40 : i32
    %scan3A_42 = arith.constant 1 : i32
    scf.for %scan3A_80 = %scan3A_39 to %scan3A_41 step %scan3A_42  : i32 {
      %mul3A_81 = arith.constant 1 : i32
      %mul3A_82 = arith.muli %scan3A_80, %mul3A_81 : i32
      %add3A_83 = arith.constant 0 : i32
      %add3A_84 = arith.addi %add3A_83, %mul3A_82 : i32
      %mul3A_85 = arith.constant 2 : i32
      %mul3A_86 = arith.muli %mul3A_85, %add3A_84 : i32
      %add3A_87 = arith.constant 1 : i32
      %add3A_88 = arith.addi %mul3A_86, %add3A_87 : i32
      %mul3A_89 = arith.constant 128 : i32
      %mul3A_90 = arith.muli %add3A_88, %mul3A_89 : i32
      %add3A_91 = arith.addi %mul3A_13, %mul3A_90 : i32
      %dma_wait3A_92 = tpu.memref_slice %arg2[%add3A_91] : memref<320000xi32, #tpu.memory_space<hbm>> -> memref<128xi32, #tpu.memory_space<hbm>>
      %dma_wait3A_93 = tpu.memref_slice %arg2[%add3A_91] : memref<320000xi32, #tpu.memory_space<hbm>> -> memref<128xi32, #tpu.memory_space<hbm>>
      tpu.wait_dma2 semaphore(%arg21 : memref<!tpu.dma_semaphore, #tpu.memory_space<semaphore_mem>>) src(%dma_wait3A_93 : memref<128xi32, #tpu.memory_space<hbm>>) dst(%arg9 : memref<128xi32, #tpu.memory_space<vmem>>)
      %mul3A_94 = arith.constant 128 : i32
      %mul3A_95 = arith.muli %add3A_88, %mul3A_94 : i32
      %add3A_96 = arith.addi %mul3A_13, %mul3A_95 : i32
      %dma_wait3A_97 = tpu.memref_slice %arg3[%add3A_96] : memref<320000xi32, #tpu.memory_space<hbm>> -> memref<128xi32, #tpu.memory_space<hbm>>
      %dma_wait3A_98 = tpu.memref_slice %arg3[%add3A_96] : memref<320000xi32, #tpu.memory_space<hbm>> -> memref<128xi32, #tpu.memory_space<hbm>>
      tpu.wait_dma2 semaphore(%arg22 : memref<!tpu.dma_semaphore, #tpu.memory_space<semaphore_mem>>) src(%dma_wait3A_98 : memref<128xi32, #tpu.memory_space<hbm>>) dst(%arg10 : memref<128xi32, #tpu.memory_space<vmem>>)
      %dma_start3A_99 = arith.constant 0 : i32
      %dma_start3A_100 = arith.constant 0 : i32
      %dma_start3A_101 = tpu.memref_slice %arg4[%dma_start3A_99, %dma_start3A_100] : memref<10000x128xf32, #tpu.memory_space<hbm>> -> memref<10000x128xf32, #tpu.memory_space<hbm>>
      tpu.enqueue_indirect_dma source(%dma_start3A_101 : memref<10000x128xf32, #tpu.memory_space<hbm>>) target(%arg11 : memref<128x128xf32, #tpu.memory_space<vmem>>) offsets(%arg9 : memref<128xi32, #tpu.memory_space<vmem>>) semaphore(%arg18 : memref<!tpu.dma_semaphore, #tpu.memory_space<semaphore_mem>>)
      %dma_wait3A_102 = arith.constant 0 : i32
      %dma_wait3A_103 = arith.constant 0 : i32
      %dma_wait3A_104 = tpu.memref_slice %arg4[%dma_wait3A_102, %dma_wait3A_103] : memref<10000x128xf32, #tpu.memory_space<hbm>> -> memref<10000x128xf32, #tpu.memory_space<hbm>>
      tpu.wait_indirect_dma semaphore(%arg17 : memref<!tpu.dma_semaphore, #tpu.memory_space<semaphore_mem>>) src(%dma_wait3A_104 : memref<10000x128xf32, #tpu.memory_space<hbm>>) dst(%arg8 : memref<128x128xf32, #tpu.memory_space<vmem>>)
      "tpu.region"() ({
        %run_scoped3A = tpu.sem_alloc : memref<!tpu.dma_semaphore, #tpu.memory_space<semaphore_mem>>
        %dma_start3A_147 = arith.constant 0 : i32
        %dma_start3A_148 = arith.constant 0 : i32
        %dma_start3A_149 = tpu.memref_slice %arg16[%dma_start3A_147, %dma_start3A_148] : memref<10000x128xf32, #tpu.memory_space<vmem_shared>> -> memref<10000x128xf32, #tpu.memory_space<vmem_shared>>
        tpu.enqueue_indirect_dma source(%arg8 : memref<128x128xf32, #tpu.memory_space<vmem>>) target(%dma_start3A_149 : memref<10000x128xf32, #tpu.memory_space<vmem_shared>>) offsets(%arg7 : memref<128xi32, #tpu.memory_space<vmem>>) semaphore(%run_scoped3A : memref<!tpu.dma_semaphore, #tpu.memory_space<semaphore_mem>>) {add = true}
        %dma_wait3A_150 = arith.constant 0 : i32
        %dma_wait3A_151 = arith.constant 0 : i32
        %dma_wait3A_152 = tpu.memref_slice %arg16[%dma_wait3A_150, %dma_wait3A_151] : memref<10000x128xf32, #tpu.memory_space<vmem_shared>> -> memref<10000x128xf32, #tpu.memory_space<vmem_shared>>
        tpu.wait_indirect_dma semaphore(%run_scoped3A : memref<!tpu.dma_semaphore, #tpu.memory_space<semaphore_mem>>) src(%arg8 : memref<128x128xf32, #tpu.memory_space<vmem>>) dst(%dma_wait3A_152 : memref<10000x128xf32, #tpu.memory_space<vmem_shared>>)
        tpu.yield
      }) : () -> ()
      %add3A_105 = arith.constant 2 : i32
      %add3A_106 = arith.addi %mul3A_86, %add3A_105 : i32
      %mul3A_107 = arith.constant 128 : i32
      %mul3A_108 = arith.muli %add3A_106, %mul3A_107 : i32
      %add3A_109 = arith.addi %mul3A_13, %mul3A_108 : i32
      %dma_start3A_110 = tpu.memref_slice %arg2[%add3A_109] : memref<320000xi32, #tpu.memory_space<hbm>> -> memref<128xi32, #tpu.memory_space<hbm>>
      %dma_start3A_111 = tpu.memref_slice %arg2[%add3A_109] : memref<320000xi32, #tpu.memory_space<hbm>> -> memref<128xi32, #tpu.memory_space<hbm>>
      tpu.enqueue_dma source(%dma_start3A_111 : memref<128xi32, #tpu.memory_space<hbm>>) target(%arg6 : memref<128xi32, #tpu.memory_space<vmem>>) target_semaphore(%arg19 : memref<!tpu.dma_semaphore, #tpu.memory_space<semaphore_mem>>)
      %mul3A_112 = arith.constant 128 : i32
      %mul3A_113 = arith.muli %add3A_106, %mul3A_112 : i32
      %add3A_114 = arith.addi %mul3A_13, %mul3A_113 : i32
      %dma_start3A_115 = tpu.memref_slice %arg3[%add3A_114] : memref<320000xi32, #tpu.memory_space<hbm>> -> memref<128xi32, #tpu.memory_space<hbm>>
      %dma_start3A_116 = tpu.memref_slice %arg3[%add3A_114] : memref<320000xi32, #tpu.memory_space<hbm>> -> memref<128xi32, #tpu.memory_space<hbm>>
      tpu.enqueue_dma source(%dma_start3A_116 : memref<128xi32, #tpu.memory_space<hbm>>) target(%arg7 : memref<128xi32, #tpu.memory_space<vmem>>) target_semaphore(%arg20 : memref<!tpu.dma_semaphore, #tpu.memory_space<semaphore_mem>>)
      %add3A_117 = arith.constant 2 : i32
      %add3A_118 = arith.addi %mul3A_86, %add3A_117 : i32
      %mul3A_119 = arith.constant 128 : i32
      %mul3A_120 = arith.muli %add3A_118, %mul3A_119 : i32
      %add3A_121 = arith.addi %mul3A_13, %mul3A_120 : i32
      %dma_wait3A_122 = tpu.memref_slice %arg2[%add3A_121] : memref<320000xi32, #tpu.memory_space<hbm>> -> memref<128xi32, #tpu.memory_space<hbm>>
      %dma_wait3A_123 = tpu.memref_slice %arg2[%add3A_121] : memref<320000xi32, #tpu.memory_space<hbm>> -> memref<128xi32, #tpu.memory_space<hbm>>
      tpu.wait_dma2 semaphore(%arg19 : memref<!tpu.dma_semaphore, #tpu.memory_space<semaphore_mem>>) src(%dma_wait3A_123 : memref<128xi32, #tpu.memory_space<hbm>>) dst(%arg6 : memref<128xi32, #tpu.memory_space<vmem>>)
      %mul3A_124 = arith.constant 128 : i32
      %mul3A_125 = arith.muli %add3A_118, %mul3A_124 : i32
      %add3A_126 = arith.addi %mul3A_13, %mul3A_125 : i32
      %dma_wait3A_127 = tpu.memref_slice %arg3[%add3A_126] : memref<320000xi32, #tpu.memory_space<hbm>> -> memref<128xi32, #tpu.memory_space<hbm>>
      %dma_wait3A_128 = tpu.memref_slice %arg3[%add3A_126] : memref<320000xi32, #tpu.memory_space<hbm>> -> memref<128xi32, #tpu.memory_space<hbm>>
      tpu.wait_dma2 semaphore(%arg20 : memref<!tpu.dma_semaphore, #tpu.memory_space<semaphore_mem>>) src(%dma_wait3A_128 : memref<128xi32, #tpu.memory_space<hbm>>) dst(%arg7 : memref<128xi32, #tpu.memory_space<vmem>>)
      %dma_start3A_129 = arith.constant 0 : i32
      %dma_start3A_130 = arith.constant 0 : i32
      %dma_start3A_131 = tpu.memref_slice %arg4[%dma_start3A_129, %dma_start3A_130] : memref<10000x128xf32, #tpu.memory_space<hbm>> -> memref<10000x128xf32, #tpu.memory_space<hbm>>
      tpu.enqueue_indirect_dma source(%dma_start3A_131 : memref<10000x128xf32, #tpu.memory_space<hbm>>) target(%arg8 : memref<128x128xf32, #tpu.memory_space<vmem>>) offsets(%arg6 : memref<128xi32, #tpu.memory_space<vmem>>) semaphore(%arg17 : memref<!tpu.dma_semaphore, #tpu.memory_space<semaphore_mem>>)
      %dma_wait3A_132 = arith.constant 0 : i32
      %dma_wait3A_133 = arith.constant 0 : i32
      %dma_wait3A_134 = tpu.memref_slice %arg4[%dma_wait3A_132, %dma_wait3A_133] : memref<10000x128xf32, #tpu.memory_space<hbm>> -> memref<10000x128xf32, #tpu.memory_space<hbm>>
      tpu.wait_indirect_dma semaphore(%arg18 : memref<!tpu.dma_semaphore, #tpu.memory_space<semaphore_mem>>) src(%dma_wait3A_134 : memref<10000x128xf32, #tpu.memory_space<hbm>>) dst(%arg11 : memref<128x128xf32, #tpu.memory_space<vmem>>)
      "tpu.region"() ({
        %run_scoped3A = tpu.sem_alloc : memref<!tpu.dma_semaphore, #tpu.memory_space<semaphore_mem>>
        %dma_start3A_147 = arith.constant 0 : i32
        %dma_start3A_148 = arith.constant 0 : i32
        %dma_start3A_149 = tpu.memref_slice %arg16[%dma_start3A_147, %dma_start3A_148] : memref<10000x128xf32, #tpu.memory_space<vmem_shared>> -> memref<10000x128xf32, #tpu.memory_space<vmem_shared>>
        tpu.enqueue_indirect_dma source(%arg11 : memref<128x128xf32, #tpu.memory_space<vmem>>) target(%dma_start3A_149 : memref<10000x128xf32, #tpu.memory_space<vmem_shared>>) offsets(%arg10 : memref<128xi32, #tpu.memory_space<vmem>>) semaphore(%run_scoped3A : memref<!tpu.dma_semaphore, #tpu.memory_space<semaphore_mem>>) {add = true}
        %dma_wait3A_150 = arith.constant 0 : i32
        %dma_wait3A_151 = arith.constant 0 : i32
        %dma_wait3A_152 = tpu.memref_slice %arg16[%dma_wait3A_150, %dma_wait3A_151] : memref<10000x128xf32, #tpu.memory_space<vmem_shared>> -> memref<10000x128xf32, #tpu.memory_space<vmem_shared>>
        tpu.wait_indirect_dma semaphore(%run_scoped3A : memref<!tpu.dma_semaphore, #tpu.memory_space<semaphore_mem>>) src(%arg11 : memref<128x128xf32, #tpu.memory_space<vmem>>) dst(%dma_wait3A_152 : memref<10000x128xf32, #tpu.memory_space<vmem_shared>>)
        tpu.yield
      }) : () -> ()
      %add3A_135 = arith.constant 3 : i32
      %add3A_136 = arith.addi %mul3A_86, %add3A_135 : i32
      %mul3A_137 = arith.constant 128 : i32
      %mul3A_138 = arith.muli %add3A_136, %mul3A_137 : i32
      %add3A_139 = arith.addi %mul3A_13, %mul3A_138 : i32
      %dma_start3A_140 = tpu.memref_slice %arg2[%add3A_139] : memref<320000xi32, #tpu.memory_space<hbm>> -> memref<128xi32, #tpu.memory_space<hbm>>
      %dma_start3A_141 = tpu.memref_slice %arg2[%add3A_139] : memref<320000xi32, #tpu.memory_space<hbm>> -> memref<128xi32, #tpu.memory_space<hbm>>
      tpu.enqueue_dma source(%dma_start3A_141 : memref<128xi32, #tpu.memory_space<hbm>>) target(%arg9 : memref<128xi32, #tpu.memory_space<vmem>>) target_semaphore(%arg21 : memref<!tpu.dma_semaphore, #tpu.memory_space<semaphore_mem>>)
      %mul3A_142 = arith.constant 128 : i32
      %mul3A_143 = arith.muli %add3A_136, %mul3A_142 : i32
      %add3A_144 = arith.addi %mul3A_13, %mul3A_143 : i32
      %dma_start3A_145 = tpu.memref_slice %arg3[%add3A_144] : memref<320000xi32, #tpu.memory_space<hbm>> -> memref<128xi32, #tpu.memory_space<hbm>>
      %dma_start3A_146 = tpu.memref_slice %arg3[%add3A_144] : memref<320000xi32, #tpu.memory_space<hbm>> -> memref<128xi32, #tpu.memory_space<hbm>>
      tpu.enqueue_dma source(%dma_start3A_146 : memref<128xi32, #tpu.memory_space<hbm>>) target(%arg10 : memref<128xi32, #tpu.memory_space<vmem>>) target_semaphore(%arg22 : memref<!tpu.dma_semaphore, #tpu.memory_space<semaphore_mem>>)
    }
    %scan3A_43 = arith.constant 38 : i32
    %add3A_44 = arith.constant 9856 : i32
    %add3A_45 = arith.addi %mul3A_13, %add3A_44 : i32
    %dma_wait3A_46 = tpu.memref_slice %arg2[%add3A_45] : memref<320000xi32, #tpu.memory_space<hbm>> -> memref<128xi32, #tpu.memory_space<hbm>>
    %dma_wait3A_47 = tpu.memref_slice %arg2[%add3A_45] : memref<320000xi32, #tpu.memory_space<hbm>> -> memref<128xi32, #tpu.memory_space<hbm>>
    tpu.wait_dma2 semaphore(%arg21 : memref<!tpu.dma_semaphore, #tpu.memory_space<semaphore_mem>>) src(%dma_wait3A_47 : memref<128xi32, #tpu.memory_space<hbm>>) dst(%arg9 : memref<128xi32, #tpu.memory_space<vmem>>)
    %add3A_48 = arith.constant 9856 : i32
    %add3A_49 = arith.addi %mul3A_13, %add3A_48 : i32
    %dma_wait3A_50 = tpu.memref_slice %arg3[%add3A_49] : memref<320000xi32, #tpu.memory_space<hbm>> -> memref<128xi32, #tpu.memory_space<hbm>>
    %dma_wait3A_51 = tpu.memref_slice %arg3[%add3A_49] : memref<320000xi32, #tpu.memory_space<hbm>> -> memref<128xi32, #tpu.memory_space<hbm>>
    tpu.wait_dma2 semaphore(%arg22 : memref<!tpu.dma_semaphore, #tpu.memory_space<semaphore_mem>>) src(%dma_wait3A_51 : memref<128xi32, #tpu.memory_space<hbm>>) dst(%arg10 : memref<128xi32, #tpu.memory_space<vmem>>)
    %dma_start3A_52 = arith.constant 0 : i32
    %dma_start3A_53 = arith.constant 0 : i32
    %dma_start3A_54 = tpu.memref_slice %arg4[%dma_start3A_52, %dma_start3A_53] : memref<10000x128xf32, #tpu.memory_space<hbm>> -> memref<10000x128xf32, #tpu.memory_space<hbm>>
    tpu.enqueue_indirect_dma source(%dma_start3A_54 : memref<10000x128xf32, #tpu.memory_space<hbm>>) target(%arg11 : memref<128x128xf32, #tpu.memory_space<vmem>>) offsets(%arg9 : memref<128xi32, #tpu.memory_space<vmem>>) semaphore(%arg18 : memref<!tpu.dma_semaphore, #tpu.memory_space<semaphore_mem>>)
    %dma_wait3A_55 = arith.constant 0 : i32
    %dma_wait3A_56 = arith.constant 0 : i32
    %dma_wait3A_57 = tpu.memref_slice %arg4[%dma_wait3A_55, %dma_wait3A_56] : memref<10000x128xf32, #tpu.memory_space<hbm>> -> memref<10000x128xf32, #tpu.memory_space<hbm>>
    tpu.wait_indirect_dma semaphore(%arg17 : memref<!tpu.dma_semaphore, #tpu.memory_space<semaphore_mem>>) src(%dma_wait3A_57 : memref<10000x128xf32, #tpu.memory_space<hbm>>) dst(%arg8 : memref<128x128xf32, #tpu.memory_space<vmem>>)
    "tpu.region"() ({
      %run_scoped3A = tpu.sem_alloc : memref<!tpu.dma_semaphore, #tpu.memory_space<semaphore_mem>>
      %dma_start3A_80 = arith.constant 0 : i32
      %dma_start3A_81 = arith.constant 0 : i32
      %dma_start3A_82 = tpu.memref_slice %arg16[%dma_start3A_80, %dma_start3A_81] : memref<10000x128xf32, #tpu.memory_space<vmem_shared>> -> memref<10000x128xf32, #tpu.memory_space<vmem_shared>>
      tpu.enqueue_indirect_dma source(%arg8 : memref<128x128xf32, #tpu.memory_space<vmem>>) target(%dma_start3A_82 : memref<10000x128xf32, #tpu.memory_space<vmem_shared>>) offsets(%arg7 : memref<128xi32, #tpu.memory_space<vmem>>) semaphore(%run_scoped3A : memref<!tpu.dma_semaphore, #tpu.memory_space<semaphore_mem>>) {add = true}
      %dma_wait3A_83 = arith.constant 0 : i32
      %dma_wait3A_84 = arith.constant 0 : i32
      %dma_wait3A_85 = tpu.memref_slice %arg16[%dma_wait3A_83, %dma_wait3A_84] : memref<10000x128xf32, #tpu.memory_space<vmem_shared>> -> memref<10000x128xf32, #tpu.memory_space<vmem_shared>>
      tpu.wait_indirect_dma semaphore(%run_scoped3A : memref<!tpu.dma_semaphore, #tpu.memory_space<semaphore_mem>>) src(%arg8 : memref<128x128xf32, #tpu.memory_space<vmem>>) dst(%dma_wait3A_85 : memref<10000x128xf32, #tpu.memory_space<vmem_shared>>)
      tpu.yield
    }) : () -> ()
    %dma_wait3A_58 = arith.constant 0 : i32
    %dma_wait3A_59 = arith.constant 0 : i32
    %dma_wait3A_60 = tpu.memref_slice %arg4[%dma_wait3A_58, %dma_wait3A_59] : memref<10000x128xf32, #tpu.memory_space<hbm>> -> memref<10000x128xf32, #tpu.memory_space<hbm>>
    tpu.wait_indirect_dma semaphore(%arg18 : memref<!tpu.dma_semaphore, #tpu.memory_space<semaphore_mem>>) src(%dma_wait3A_60 : memref<10000x128xf32, #tpu.memory_space<hbm>>) dst(%arg11 : memref<128x128xf32, #tpu.memory_space<vmem>>)
    "tpu.region"() ({
      %run_scoped3A = tpu.sem_alloc : memref<!tpu.dma_semaphore, #tpu.memory_space<semaphore_mem>>
      %dma_start3A_80 = arith.constant 0 : i32
      %dma_start3A_81 = arith.constant 0 : i32
      %dma_start3A_82 = tpu.memref_slice %arg16[%dma_start3A_80, %dma_start3A_81] : memref<10000x128xf32, #tpu.memory_space<vmem_shared>> -> memref<10000x128xf32, #tpu.memory_space<vmem_shared>>
      tpu.enqueue_indirect_dma source(%arg11 : memref<128x128xf32, #tpu.memory_space<vmem>>) target(%dma_start3A_82 : memref<10000x128xf32, #tpu.memory_space<vmem_shared>>) offsets(%arg10 : memref<128xi32, #tpu.memory_space<vmem>>) semaphore(%run_scoped3A : memref<!tpu.dma_semaphore, #tpu.memory_space<semaphore_mem>>) {add = true}
      %dma_wait3A_83 = arith.constant 0 : i32
      %dma_wait3A_84 = arith.constant 0 : i32
      %dma_wait3A_85 = tpu.memref_slice %arg16[%dma_wait3A_83, %dma_wait3A_84] : memref<10000x128xf32, #tpu.memory_space<vmem_shared>> -> memref<10000x128xf32, #tpu.memory_space<vmem_shared>>
      tpu.wait_indirect_dma semaphore(%run_scoped3A : memref<!tpu.dma_semaphore, #tpu.memory_space<semaphore_mem>>) src(%arg11 : memref<128x128xf32, #tpu.memory_space<vmem>>) dst(%dma_wait3A_85 : memref<10000x128xf32, #tpu.memory_space<vmem_shared>>)
      tpu.yield
    }) : () -> ()
    %add3A_61 = arith.constant 9984 : i32
    %add3A_62 = arith.addi %mul3A_13, %add3A_61 : i32
    "tpu.region"() ({
      %run_scoped3A = tpu.sem_alloc : memref<!tpu.dma_semaphore, #tpu.memory_space<semaphore_mem>>
      %dma_start3A_80 = tpu.memref_slice %arg2[%add3A_62] : memref<320000xi32, #tpu.memory_space<hbm>> -> memref<16xi32, #tpu.memory_space<hbm>>
      %dma_start3A_81 = tpu.memref_slice %arg2[%add3A_62] : memref<320000xi32, #tpu.memory_space<hbm>> -> memref<16xi32, #tpu.memory_space<hbm>>
      tpu.enqueue_dma source(%dma_start3A_81 : memref<16xi32, #tpu.memory_space<hbm>>) target(%arg12 : memref<16xi32, #tpu.memory_space<vmem>>) target_semaphore(%run_scoped3A : memref<!tpu.dma_semaphore, #tpu.memory_space<semaphore_mem>>)
      %dma_wait3A_82 = tpu.memref_slice %arg2[%add3A_62] : memref<320000xi32, #tpu.memory_space<hbm>> -> memref<16xi32, #tpu.memory_space<hbm>>
      %dma_wait3A_83 = tpu.memref_slice %arg2[%add3A_62] : memref<320000xi32, #tpu.memory_space<hbm>> -> memref<16xi32, #tpu.memory_space<hbm>>
      tpu.wait_dma2 semaphore(%run_scoped3A : memref<!tpu.dma_semaphore, #tpu.memory_space<semaphore_mem>>) src(%dma_wait3A_83 : memref<16xi32, #tpu.memory_space<hbm>>) dst(%arg12 : memref<16xi32, #tpu.memory_space<vmem>>)
      tpu.yield
    }) : () -> ()
    "tpu.region"() ({
      %run_scoped3A = tpu.sem_alloc : memref<!tpu.dma_semaphore, #tpu.memory_space<semaphore_mem>>
      %dma_start3A_80 = tpu.memref_slice %arg3[%add3A_62] : memref<320000xi32, #tpu.memory_space<hbm>> -> memref<16xi32, #tpu.memory_space<hbm>>
      %dma_start3A_81 = tpu.memref_slice %arg3[%add3A_62] : memref<320000xi32, #tpu.memory_space<hbm>> -> memref<16xi32, #tpu.memory_space<hbm>>
      tpu.enqueue_dma source(%dma_start3A_81 : memref<16xi32, #tpu.memory_space<hbm>>) target(%arg13 : memref<16xi32, #tpu.memory_space<vmem>>) target_semaphore(%run_scoped3A : memref<!tpu.dma_semaphore, #tpu.memory_space<semaphore_mem>>)
      %dma_wait3A_82 = tpu.memref_slice %arg3[%add3A_62] : memref<320000xi32, #tpu.memory_space<hbm>> -> memref<16xi32, #tpu.memory_space<hbm>>
      %dma_wait3A_83 = tpu.memref_slice %arg3[%add3A_62] : memref<320000xi32, #tpu.memory_space<hbm>> -> memref<16xi32, #tpu.memory_space<hbm>>
      tpu.wait_dma2 semaphore(%run_scoped3A : memref<!tpu.dma_semaphore, #tpu.memory_space<semaphore_mem>>) src(%dma_wait3A_83 : memref<16xi32, #tpu.memory_space<hbm>>) dst(%arg13 : memref<16xi32, #tpu.memory_space<vmem>>)
      tpu.yield
    }) : () -> ()
    %dma_start3A_63 = arith.constant 0 : i32
    %dma_start3A_64 = arith.constant 0 : i32
    %dma_start3A_65 = tpu.memref_slice %arg4[%dma_start3A_63, %dma_start3A_64] : memref<10000x128xf32, #tpu.memory_space<hbm>> -> memref<10000x128xf32, #tpu.memory_space<hbm>>
    tpu.enqueue_indirect_dma source(%dma_start3A_65 : memref<10000x128xf32, #tpu.memory_space<hbm>>) target(%arg14 : memref<16x128xf32, #tpu.memory_space<vmem>>) offsets(%arg12 : memref<16xi32, #tpu.memory_space<vmem>>) semaphore(%arg17 : memref<!tpu.dma_semaphore, #tpu.memory_space<semaphore_mem>>)
    %dma_wait3A_66 = arith.constant 0 : i32
    %dma_wait3A_67 = arith.constant 0 : i32
    %dma_wait3A_68 = tpu.memref_slice %arg4[%dma_wait3A_66, %dma_wait3A_67] : memref<10000x128xf32, #tpu.memory_space<hbm>> -> memref<10000x128xf32, #tpu.memory_space<hbm>>
    tpu.wait_indirect_dma semaphore(%arg17 : memref<!tpu.dma_semaphore, #tpu.memory_space<semaphore_mem>>) src(%dma_wait3A_68 : memref<10000x128xf32, #tpu.memory_space<hbm>>) dst(%arg14 : memref<16x128xf32, #tpu.memory_space<vmem>>)
    "tpu.region"() ({
      %run_scoped3A = tpu.sem_alloc : memref<!tpu.dma_semaphore, #tpu.memory_space<semaphore_mem>>
      %dma_start3A_80 = arith.constant 0 : i32
      %dma_start3A_81 = arith.constant 0 : i32
      %dma_start3A_82 = tpu.memref_slice %arg16[%dma_start3A_80, %dma_start3A_81] : memref<10000x128xf32, #tpu.memory_space<vmem_shared>> -> memref<10000x128xf32, #tpu.memory_space<vmem_shared>>
      tpu.enqueue_indirect_dma source(%arg14 : memref<16x128xf32, #tpu.memory_space<vmem>>) target(%dma_start3A_82 : memref<10000x128xf32, #tpu.memory_space<vmem_shared>>) offsets(%arg13 : memref<16xi32, #tpu.memory_space<vmem>>) semaphore(%run_scoped3A : memref<!tpu.dma_semaphore, #tpu.memory_space<semaphore_mem>>) {add = true}
      %dma_wait3A_83 = arith.constant 0 : i32
      %dma_wait3A_84 = arith.constant 0 : i32
      %dma_wait3A_85 = tpu.memref_slice %arg16[%dma_wait3A_83, %dma_wait3A_84] : memref<10000x128xf32, #tpu.memory_space<vmem_shared>> -> memref<10000x128xf32, #tpu.memory_space<vmem_shared>>
      tpu.wait_indirect_dma semaphore(%run_scoped3A : memref<!tpu.dma_semaphore, #tpu.memory_space<semaphore_mem>>) src(%arg14 : memref<16x128xf32, #tpu.memory_space<vmem>>) dst(%dma_wait3A_85 : memref<10000x128xf32, #tpu.memory_space<vmem_shared>>)
      tpu.yield
    }) : () -> ()
    %barrier3A_69 = arith.constant 0 : index
    tpu.barrier barrier_id(%barrier3A_69)
    %scan3A_70 = arith.constant 0 : i32
    %scan3A_71 = arith.constant 10 : i32
    %scan3A_72 = arith.addi %scan3A_70, %scan3A_71 : i32
    %scan3A_73 = arith.constant 1 : i32
    scf.for %scan3A_80 = %scan3A_70 to %scan3A_72 step %scan3A_73  : i32 {
      %mul3A_81 = arith.constant 1 : i32
      %mul3A_82 = arith.muli %scan3A_80, %mul3A_81 : i32
      %add3A_83 = arith.constant 0 : i32
      %add3A_84 = arith.addi %add3A_83, %mul3A_82 : i32
      %mul3A_85 = arith.constant 16 : i32
      %mul3A_86 = arith.muli %add3A_84, %mul3A_85 : i32
      %add3A_87 = arith.addi %mul3A_86, %arg1 : i32
      %lt3A = arith.constant 156 : i32
      %lt3A_88 = arith.cmpi slt, %add3A_87, %lt3A : i32
      %convert_element_type3A_89 = arith.extui %lt3A_88 : i1 to i32
      %cond3A_90 = arith.constant 0 : i32
      %cond3A_91 = arith.cmpi ne, %convert_element_type3A_89, %cond3A_90 : i32
      scf.if %cond3A_91 {
        %mul3A_92 = arith.constant 64 : i32
        %mul3A_93 = arith.muli %add3A_87, %mul3A_92 : i32
        "tpu.region"() ({
          %run_scoped3A = tpu.sem_alloc : memref<!tpu.dma_semaphore, #tpu.memory_space<semaphore_mem>>
          %dma_start3A_96 = arith.constant 0 : i32
          %dma_start3A_97 = tpu.memref_slice %arg16[%mul3A_93, %dma_start3A_96] : memref<10000x128xf32, #tpu.memory_space<vmem_shared>> -> memref<64x128xf32, #tpu.memory_space<vmem_shared>>
          %dma_start3A_98 = arith.constant 0 : i32
          %dma_start3A_99 = tpu.memref_slice %arg16[%mul3A_93, %dma_start3A_98] : memref<10000x128xf32, #tpu.memory_space<vmem_shared>> -> memref<64x128xf32, #tpu.memory_space<vmem_shared>>
          tpu.enqueue_dma source(%dma_start3A_99 : memref<64x128xf32, #tpu.memory_space<vmem_shared>>) target(%arg15 : memref<64x128xf32, #tpu.memory_space<vmem>>) target_semaphore(%run_scoped3A : memref<!tpu.dma_semaphore, #tpu.memory_space<semaphore_mem>>)
          %dma_wait3A_100 = arith.constant 0 : i32
          %dma_wait3A_101 = tpu.memref_slice %arg16[%mul3A_93, %dma_wait3A_100] : memref<10000x128xf32, #tpu.memory_space<vmem_shared>> -> memref<64x128xf32, #tpu.memory_space<vmem_shared>>
          %dma_wait3A_102 = arith.constant 0 : i32
          %dma_wait3A_103 = tpu.memref_slice %arg16[%mul3A_93, %dma_wait3A_102] : memref<10000x128xf32, #tpu.memory_space<vmem_shared>> -> memref<64x128xf32, #tpu.memory_space<vmem_shared>>
          tpu.wait_dma2 semaphore(%run_scoped3A : memref<!tpu.dma_semaphore, #tpu.memory_space<semaphore_mem>>) src(%dma_wait3A_103 : memref<64x128xf32, #tpu.memory_space<vmem_shared>>) dst(%arg15 : memref<64x128xf32, #tpu.memory_space<vmem>>)
          tpu.yield
        }) : () -> ()
        %mul3A_94 = arith.constant 64 : i32
        %mul3A_95 = arith.muli %add3A_87, %mul3A_94 : i32
        "tpu.region"() ({
          %run_scoped3A = tpu.sem_alloc : memref<!tpu.dma_semaphore, #tpu.memory_space<semaphore_mem>>
          %dma_start3A_96 = arith.constant 0 : i32
          %dma_start3A_97 = tpu.memref_slice %arg5[%arg0, %mul3A_95, %dma_start3A_96] : memref<2x10000x128xf32, #tpu.memory_space<hbm>> -> memref<1x64x128xf32, #tpu.memory_space<hbm>>
          %dma_start3A_98 = tpu.memref_squeeze %dma_start3A_97 : memref<1x64x128xf32, #tpu.memory_space<hbm>> -> memref<64x128xf32, #tpu.memory_space<hbm>>
          %dma_start3A_99 = arith.constant 0 : i32
          %dma_start3A_100 = tpu.memref_slice %arg5[%arg0, %mul3A_95, %dma_start3A_99] : memref<2x10000x128xf32, #tpu.memory_space<hbm>> -> memref<1x64x128xf32, #tpu.memory_space<hbm>>
          %dma_start3A_101 = tpu.memref_squeeze %dma_start3A_100 : memref<1x64x128xf32, #tpu.memory_space<hbm>> -> memref<64x128xf32, #tpu.memory_space<hbm>>
          tpu.enqueue_dma source(%arg15 : memref<64x128xf32, #tpu.memory_space<vmem>>) target(%dma_start3A_101 : memref<64x128xf32, #tpu.memory_space<hbm>>) target_semaphore(%run_scoped3A : memref<!tpu.dma_semaphore, #tpu.memory_space<semaphore_mem>>)
          %dma_wait3A_102 = arith.constant 0 : i32
          %dma_wait3A_103 = tpu.memref_slice %arg5[%arg0, %mul3A_95, %dma_wait3A_102] : memref<2x10000x128xf32, #tpu.memory_space<hbm>> -> memref<1x64x128xf32, #tpu.memory_space<hbm>>
          %dma_wait3A_104 = tpu.memref_squeeze %dma_wait3A_103 : memref<1x64x128xf32, #tpu.memory_space<hbm>> -> memref<64x128xf32, #tpu.memory_space<hbm>>
          %dma_wait3A_105 = arith.constant 0 : i32
          %dma_wait3A_106 = tpu.memref_slice %arg5[%arg0, %mul3A_95, %dma_wait3A_105] : memref<2x10000x128xf32, #tpu.memory_space<hbm>> -> memref<1x64x128xf32, #tpu.memory_space<hbm>>
          %dma_wait3A_107 = tpu.memref_squeeze %dma_wait3A_106 : memref<1x64x128xf32, #tpu.memory_space<hbm>> -> memref<64x128xf32, #tpu.memory_space<hbm>>
          tpu.wait_dma2 semaphore(%run_scoped3A : memref<!tpu.dma_semaphore, #tpu.memory_space<semaphore_mem>>) src(%arg15 : memref<64x128xf32, #tpu.memory_space<vmem>>) dst(%dma_wait3A_107 : memref<64x128xf32, #tpu.memory_space<hbm>>)
          tpu.yield
        }) : () -> ()
      } else {
      }
    }
    %scan3A_74 = arith.constant 10 : i32
    %eq3A_75 = arith.constant 12 : i32
    %eq3A_76 = arith.cmpi eq, %arg1, %eq3A_75 : i32
    %convert_element_type3A_77 = arith.extui %eq3A_76 : i1 to i32
    %cond3A_78 = arith.constant 0 : i32
    %cond3A_79 = arith.cmpi ne, %convert_element_type3A_77, %cond3A_78 : i32
    scf.if %cond3A_79 {
      "tpu.region"() ({
        %run_scoped3A = tpu.sem_alloc : memref<!tpu.dma_semaphore, #tpu.memory_space<semaphore_mem>>
        %dma_start3A_80 = arith.constant 0 : i32
        %dma_start3A_81 = arith.constant 0 : i32
        %dma_start3A_82 = tpu.memref_slice %arg15[%dma_start3A_80, %dma_start3A_81] : memref<64x128xf32, #tpu.memory_space<vmem>> -> memref<16x128xf32, #tpu.memory_space<vmem>>
        %dma_start3A_83 = arith.constant 9984 : i32
        %dma_start3A_84 = arith.constant 0 : i32
        %dma_start3A_85 = tpu.memref_slice %arg16[%dma_start3A_83, %dma_start3A_84] : memref<10000x128xf32, #tpu.memory_space<vmem_shared>> -> memref<16x128xf32, #tpu.memory_space<vmem_shared>>
        %dma_start3A_86 = arith.constant 0 : i32
        %dma_start3A_87 = arith.constant 0 : i32
        %dma_start3A_88 = tpu.memref_slice %arg15[%dma_start3A_86, %dma_start3A_87] : memref<64x128xf32, #tpu.memory_space<vmem>> -> memref<16x128xf32, #tpu.memory_space<vmem>>
        %dma_start3A_89 = arith.constant 9984 : i32
        %dma_start3A_90 = arith.constant 0 : i32
        %dma_start3A_91 = tpu.memref_slice %arg16[%dma_start3A_89, %dma_start3A_90] : memref<10000x128xf32, #tpu.memory_space<vmem_shared>> -> memref<16x128xf32, #tpu.memory_space<vmem_shared>>
        tpu.enqueue_dma source(%dma_start3A_91 : memref<16x128xf32, #tpu.memory_space<vmem_shared>>) target(%dma_start3A_88 : memref<16x128xf32, #tpu.memory_space<vmem>>) target_semaphore(%run_scoped3A : memref<!tpu.dma_semaphore, #tpu.memory_space<semaphore_mem>>)
        %dma_wait3A_92 = arith.constant 0 : i32
        %dma_wait3A_93 = arith.constant 0 : i32
        %dma_wait3A_94 = tpu.memref_slice %arg15[%dma_wait3A_92, %dma_wait3A_93] : memref<64x128xf32, #tpu.memory_space<vmem>> -> memref<16x128xf32, #tpu.memory_space<vmem>>
        %dma_wait3A_95 = arith.constant 9984 : i32
        %dma_wait3A_96 = arith.constant 0 : i32
        %dma_wait3A_97 = tpu.memref_slice %arg16[%dma_wait3A_95, %dma_wait3A_96] : memref<10000x128xf32, #tpu.memory_space<vmem_shared>> -> memref<16x128xf32, #tpu.memory_space<vmem_shared>>
        %dma_wait3A_98 = arith.constant 0 : i32
        %dma_wait3A_99 = arith.constant 0 : i32
        %dma_wait3A_100 = tpu.memref_slice %arg15[%dma_wait3A_98, %dma_wait3A_99] : memref<64x128xf32, #tpu.memory_space<vmem>> -> memref<16x128xf32, #tpu.memory_space<vmem>>
        %dma_wait3A_101 = arith.constant 9984 : i32
        %dma_wait3A_102 = arith.constant 0 : i32
        %dma_wait3A_103 = tpu.memref_slice %arg16[%dma_wait3A_101, %dma_wait3A_102] : memref<10000x128xf32, #tpu.memory_space<vmem_shared>> -> memref<16x128xf32, #tpu.memory_space<vmem_shared>>
        tpu.wait_dma2 semaphore(%run_scoped3A : memref<!tpu.dma_semaphore, #tpu.memory_space<semaphore_mem>>) src(%dma_wait3A_103 : memref<16x128xf32, #tpu.memory_space<vmem_shared>>) dst(%dma_wait3A_100 : memref<16x128xf32, #tpu.memory_space<vmem>>)
        tpu.yield
      }) : () -> ()
      "tpu.region"() ({
        %run_scoped3A = tpu.sem_alloc : memref<!tpu.dma_semaphore, #tpu.memory_space<semaphore_mem>>
        %dma_start3A_80 = arith.constant 0 : i32
        %dma_start3A_81 = arith.constant 0 : i32
        %dma_start3A_82 = tpu.memref_slice %arg15[%dma_start3A_80, %dma_start3A_81] : memref<64x128xf32, #tpu.memory_space<vmem>> -> memref<16x128xf32, #tpu.memory_space<vmem>>
        %dma_start3A_83 = arith.constant 9984 : i32
        %dma_start3A_84 = arith.constant 0 : i32
        %dma_start3A_85 = tpu.memref_slice %arg5[%arg0, %dma_start3A_83, %dma_start3A_84] : memref<2x10000x128xf32, #tpu.memory_space<hbm>> -> memref<1x16x128xf32, #tpu.memory_space<hbm>>
        %dma_start3A_86 = tpu.memref_squeeze %dma_start3A_85 : memref<1x16x128xf32, #tpu.memory_space<hbm>> -> memref<16x128xf32, #tpu.memory_space<hbm>>
        %dma_start3A_87 = arith.constant 9984 : i32
        %dma_start3A_88 = arith.constant 0 : i32
        %dma_start3A_89 = tpu.memref_slice %arg5[%arg0, %dma_start3A_87, %dma_start3A_88] : memref<2x10000x128xf32, #tpu.memory_space<hbm>> -> memref<1x16x128xf32, #tpu.memory_space<hbm>>
        %dma_start3A_90 = tpu.memref_squeeze %dma_start3A_89 : memref<1x16x128xf32, #tpu.memory_space<hbm>> -> memref<16x128xf32, #tpu.memory_space<hbm>>
        %dma_start3A_91 = arith.constant 0 : i32
        %dma_start3A_92 = arith.constant 0 : i32
        %dma_start3A_93 = tpu.memref_slice %arg15[%dma_start3A_91, %dma_start3A_92] : memref<64x128xf32, #tpu.memory_space<vmem>> -> memref<16x128xf32, #tpu.memory_space<vmem>>
        tpu.enqueue_dma source(%dma_start3A_93 : memref<16x128xf32, #tpu.memory_space<vmem>>) target(%dma_start3A_90 : memref<16x128xf32, #tpu.memory_space<hbm>>) target_semaphore(%run_scoped3A : memref<!tpu.dma_semaphore, #tpu.memory_space<semaphore_mem>>)
        %dma_wait3A_94 = arith.constant 0 : i32
        %dma_wait3A_95 = arith.constant 0 : i32
        %dma_wait3A_96 = tpu.memref_slice %arg15[%dma_wait3A_94, %dma_wait3A_95] : memref<64x128xf32, #tpu.memory_space<vmem>> -> memref<16x128xf32, #tpu.memory_space<vmem>>
        %dma_wait3A_97 = arith.constant 9984 : i32
        %dma_wait3A_98 = arith.constant 0 : i32
        %dma_wait3A_99 = tpu.memref_slice %arg5[%arg0, %dma_wait3A_97, %dma_wait3A_98] : memref<2x10000x128xf32, #tpu.memory_space<hbm>> -> memref<1x16x128xf32, #tpu.memory_space<hbm>>
        %dma_wait3A_100 = tpu.memref_squeeze %dma_wait3A_99 : memref<1x16x128xf32, #tpu.memory_space<hbm>> -> memref<16x128xf32, #tpu.memory_space<hbm>>
        %dma_wait3A_101 = arith.constant 9984 : i32
        %dma_wait3A_102 = arith.constant 0 : i32
        %dma_wait3A_103 = tpu.memref_slice %arg5[%arg0, %dma_wait3A_101, %dma_wait3A_102] : memref<2x10000x128xf32, #tpu.memory_space<hbm>> -> memref<1x16x128xf32, #tpu.memory_space<hbm>>
        %dma_wait3A_104 = tpu.memref_squeeze %dma_wait3A_103 : memref<1x16x128xf32, #tpu.memory_space<hbm>> -> memref<16x128xf32, #tpu.memory_space<hbm>>
        %dma_wait3A_105 = arith.constant 0 : i32
        %dma_wait3A_106 = arith.constant 0 : i32
        %dma_wait3A_107 = tpu.memref_slice %arg15[%dma_wait3A_105, %dma_wait3A_106] : memref<64x128xf32, #tpu.memory_space<vmem>> -> memref<16x128xf32, #tpu.memory_space<vmem>>
        tpu.wait_dma2 semaphore(%run_scoped3A : memref<!tpu.dma_semaphore, #tpu.memory_space<semaphore_mem>>) src(%dma_wait3A_107 : memref<16x128xf32, #tpu.memory_space<vmem>>) dst(%dma_wait3A_104 : memref<16x128xf32, #tpu.memory_space<hbm>>)
        tpu.yield
      }) : () -> ()
    } else {
    }
    return
  }
}

module attributes {stable_mosaic.version = 14 : i64} {
  func.func @_mm_body(%arg0: i32, %arg1: memref<2000x128xf32, #tpu.memory_space<vmem>>, %arg2: memref<128x128xf32, #tpu.memory_space<vmem>>, %arg3: memref<2000x128xf32, #tpu.memory_space<vmem>>) attributes {dimension_semantics = [#tpu.dimension_semantics<arbitrary>], iteration_bounds = array<i64: 5>, scalar_prefetch = 0 : i64, scratch_operands = 0 : i64, tpu.core_type = #tpu.core_type<tc>, window_params = [{transform_indices = @transform_0, window_bounds = array<i64: 2000, 128>}, {pipeline_mode = #tpu.pipeline_mode<synchronous>, transform_indices = @transform_1, window_bounds = array<i64: 128, 128>}, {transform_indices = @transform_2, window_bounds = array<i64: 2000, 128>}]} {
    %get3A = arith.constant 0 : index
    %get3A_0 = arith.constant 0 : index
    %get3A_1 = vector.load %arg1[%get3A, %get3A_0] : memref<2000x128xf32, #tpu.memory_space<vmem>>, vector<2000x128xf32>
    %get3A_2 = arith.constant 0 : index
    %get3A_3 = arith.constant 0 : index
    %get3A_4 = vector.load %arg2[%get3A_2, %get3A_3] : memref<128x128xf32, #tpu.memory_space<vmem>>, vector<128x128xf32>
    %dot_general3A = arith.constant dense<0.000000e+00> : vector<2000x128xf32>
    %dot_general3A_5 = tpu.matmul %get3A_1, %get3A_4, %dot_general3A {dimension_numbers = #tpu.dot_dimension_numbers<[1], [0], [0], [1], [0, 0, 1, 1], [], []>, transpose_lhs_hint = false} : vector<2000x128xf32>, vector<128x128xf32>, vector<2000x128xf32> -> vector<2000x128xf32>
    %swap3A = arith.constant 0 : index
    %swap3A_6 = arith.constant 0 : index
    %swap3A_7 = vector.load %arg3[%swap3A, %swap3A_6] : memref<2000x128xf32, #tpu.memory_space<vmem>>, vector<2000x128xf32>
    tpu.vector_store %arg3[%swap3A, %swap3A_6], %dot_general3A_5 {strides = array<i32>} : memref<2000x128xf32, #tpu.memory_space<vmem>>, vector<2000x128xf32>,
    return
  }
  func.func @transform_0(%arg0: i32) -> (i32, i32) {
    %c0_i32 = arith.constant 0 : i32
    %c0_i32_0 = arith.constant 0 : i32
    return %arg0, %c0_i32 : i32, i32
  }
  func.func @transform_1(%arg0: i32) -> (i32, i32) {
    %c0_i32 = arith.constant 0 : i32
    %c0_i32_0 = arith.constant 0 : i32
    %c0_i32_1 = arith.constant 0 : i32
    return %c0_i32, %c0_i32_0 : i32, i32
  }
  func.func @transform_2(%arg0: i32) -> (i32, i32) {
    %c0_i32 = arith.constant 0 : i32
    %c0_i32_0 = arith.constant 0 : i32
    return %arg0, %c0_i32 : i32, i32
  }
}

module attributes {stable_mosaic.version = 14 : i64} {
  func.func @_layer_b_body(%arg0: i32, %arg1: memref<2x2000x128xf32, #tpu.memory_space<vmem>>, %arg2: memref<2000x128xf32, #tpu.memory_space<vmem>>, %arg3: memref<2x2000x128xf32, #tpu.memory_space<vmem>>, %arg4: memref<1x128xf32, #tpu.memory_space<vmem>>, %arg5: memref<128x128xf32, #tpu.memory_space<vmem>>, %arg6: memref<2000x128xf32, #tpu.memory_space<vmem>>, %arg7: memref<2000x128xf32, #tpu.memory_space<vmem>>, %arg8: memref<2000x128xf32, #tpu.memory_space<vmem>>) attributes {dimension_semantics = [#tpu.dimension_semantics<arbitrary>], iteration_bounds = array<i64: 5>, scalar_prefetch = 0 : i64, scratch_operands = 0 : i64, tpu.core_type = #tpu.core_type<tc>, window_params = [{transform_indices = @transform_0, window_bounds = array<i64: 2, 2000, 128>}, {transform_indices = @transform_1, window_bounds = array<i64: 2000, 128>}, {transform_indices = @transform_2, window_bounds = array<i64: 2, 2000, 128>}, {pipeline_mode = #tpu.pipeline_mode<synchronous>, transform_indices = @transform_3, window_bounds = array<i64: 1, 128>}, {pipeline_mode = #tpu.pipeline_mode<synchronous>, transform_indices = @transform_4, window_bounds = array<i64: 128, 128>}, {transform_indices = @transform_5, window_bounds = array<i64: 2000, 128>}, {transform_indices = @transform_6, window_bounds = array<i64: 2000, 128>}, {transform_indices = @transform_7, window_bounds = array<i64: 2000, 128>}]} {
    %get3A = arith.constant 0 : index
    %get3A_0 = arith.constant 0 : index
    %get3A_1 = arith.constant 0 : index
    %get3A_2 = vector.load %arg1[%get3A, %get3A_0, %get3A_1] : memref<2x2000x128xf32, #tpu.memory_space<vmem>>, vector<1x2000x128xf32>
    %get3A_3 = vector.shape_cast %get3A_2 : vector<1x2000x128xf32> to vector<2000x128xf32>
    %get3A_4 = arith.constant 1 : index
    %get3A_5 = arith.constant 0 : index
    %get3A_6 = arith.constant 0 : index
    %get3A_7 = vector.load %arg1[%get3A_4, %get3A_5, %get3A_6] : memref<2x2000x128xf32, #tpu.memory_space<vmem>>, vector<1x2000x128xf32>
    %get3A_8 = vector.shape_cast %get3A_7 : vector<1x2000x128xf32> to vector<2000x128xf32>
    %add3A = arith.addf %get3A_3, %get3A_8 : vector<2000x128xf32>
    %get3A_9 = arith.constant 0 : index
    %get3A_10 = arith.constant 0 : index
    %get3A_11 = vector.load %arg2[%get3A_9, %get3A_10] : memref<2000x128xf32, #tpu.memory_space<vmem>>, vector<2000x128xf32>
    %add3A_12 = arith.addf %add3A, %get3A_11 : vector<2000x128xf32>
    %get3A_13 = arith.constant 0 : index
    %get3A_14 = arith.constant 0 : index
    %get3A_15 = arith.constant 0 : index
    %get3A_16 = vector.load %arg3[%get3A_13, %get3A_14, %get3A_15] : memref<2x2000x128xf32, #tpu.memory_space<vmem>>, vector<1x2000x1xf32>
    %get3A_17 = vector.shape_cast %get3A_16 : vector<1x2000x1xf32> to vector<2000xf32>
    %get3A_18 = arith.constant 1 : index
    %get3A_19 = arith.constant 0 : index
    %get3A_20 = arith.constant 0 : index
    %get3A_21 = vector.load %arg3[%get3A_18, %get3A_19, %get3A_20] : memref<2x2000x128xf32, #tpu.memory_space<vmem>>, vector<1x2000x1xf32>
    %get3A_22 = vector.shape_cast %get3A_21 : vector<1x2000x1xf32> to vector<2000xf32>
    %add3A_23 = arith.addf %get3A_17, %get3A_22 : vector<2000xf32>
    %add3A_24 = arith.constant 1.000000e+00 : f32
    %add3A_25 = vector.broadcast %add3A_24 : f32 to vector<2000xf32>
    %add3A_26 = arith.addf %add3A_23, %add3A_25 : vector<2000xf32>
    %div3A = arith.constant 1.000000e+00 : f32
    %div3A_27 = vector.broadcast %div3A : f32 to vector<2000xf32>
    %div3A_28 = arith.divf %div3A_27, %add3A_26 : vector<2000xf32>
    %broadcast_in_dim3A = vector.shape_cast %div3A_28 : vector<2000xf32> to vector<2000x1xf32>
    %mul3A = vector.broadcast %broadcast_in_dim3A : vector<2000x1xf32> to vector<2000x128xf32>
    %mul3A_29 = arith.mulf %add3A_12, %mul3A : vector<2000x128xf32>
    %get3A_30 = arith.constant 0 : index
    %get3A_31 = arith.constant 0 : index
    %get3A_32 = vector.load %arg4[%get3A_30, %get3A_31] : memref<1x128xf32, #tpu.memory_space<vmem>>, vector<1x128xf32>
    %get3A_33 = vector.shape_cast %get3A_32 : vector<1x128xf32> to vector<128xf32>
    %broadcast_in_dim3A_34 = vector.shape_cast %get3A_33 : vector<128xf32> to vector<1x128xf32>
    %add3A_35 = vector.broadcast %broadcast_in_dim3A_34 : vector<1x128xf32> to vector<2000x128xf32>
    %add3A_36 = arith.addf %mul3A_29, %add3A_35 : vector<2000x128xf32>
    %max3A = arith.constant 0.000000e+00 : f32
    %max3A_37 = vector.broadcast %max3A : f32 to vector<2000x128xf32>
    %max3A_38 = arith.maximumf %add3A_36, %max3A_37 : vector<2000x128xf32>
    %get3A_39 = arith.constant 0 : index
    %get3A_40 = arith.constant 0 : index
    %get3A_41 = vector.load %arg6[%get3A_39, %get3A_40] : memref<2000x128xf32, #tpu.memory_space<vmem>>, vector<2000x128xf32>
    %add3A_42 = arith.addf %max3A_38, %get3A_41 : vector<2000x128xf32>
    %swap3A = arith.constant 0 : index
    %swap3A_43 = arith.constant 0 : index
    %swap3A_44 = vector.load %arg8[%swap3A, %swap3A_43] : memref<2000x128xf32, #tpu.memory_space<vmem>>, vector<2000x128xf32>
    tpu.vector_store %arg8[%swap3A, %swap3A_43], %add3A_42 {strides = array<i32>} : memref<2000x128xf32, #tpu.memory_space<vmem>>, vector<2000x128xf32>,
    %get3A_45 = arith.constant 0 : index
    %get3A_46 = arith.constant 0 : index
    %get3A_47 = vector.load %arg5[%get3A_45, %get3A_46] : memref<128x128xf32, #tpu.memory_space<vmem>>, vector<128x128xf32>
    %dot_general3A = arith.constant dense<0.000000e+00> : vector<2000x128xf32>
    %dot_general3A_48 = tpu.matmul %add3A_42, %get3A_47, %dot_general3A {dimension_numbers = #tpu.dot_dimension_numbers<[1], [0], [0], [1], [0, 0, 1, 1], [], []>, transpose_lhs_hint = false} : vector<2000x128xf32>, vector<128x128xf32>, vector<2000x128xf32> -> vector<2000x128xf32>
    %swap3A_49 = arith.constant 0 : index
    %swap3A_50 = arith.constant 0 : index
    %swap3A_51 = vector.load %arg7[%swap3A_49, %swap3A_50] : memref<2000x128xf32, #tpu.memory_space<vmem>>, vector<2000x128xf32>
    tpu.vector_store %arg7[%swap3A_49, %swap3A_50], %dot_general3A_48 {strides = array<i32>} : memref<2000x128xf32, #tpu.memory_space<vmem>>, vector<2000x128xf32>,
    return
  }
  func.func @transform_0(%arg0: i32) -> (i32, i32, i32) {
    %c0_i32 = arith.constant 0 : i32
    %c0_i32_0 = arith.constant 0 : i32
    %c0_i32_1 = arith.constant 0 : i32
    return %c0_i32, %arg0, %c0_i32_0 : i32, i32, i32
  }
  func.func @transform_1(%arg0: i32) -> (i32, i32) {
    %c0_i32 = arith.constant 0 : i32
    %c0_i32_0 = arith.constant 0 : i32
    return %arg0, %c0_i32 : i32, i32
  }
  func.func @transform_2(%arg0: i32) -> (i32, i32, i32) {
    %c0_i32 = arith.constant 0 : i32
    %c0_i32_0 = arith.constant 0 : i32
    %c0_i32_1 = arith.constant 0 : i32
    return %c0_i32, %arg0, %c0_i32_0 : i32, i32, i32
  }
  func.func @transform_3(%arg0: i32) -> (i32, i32) {
    %c0_i32 = arith.constant 0 : i32
    %c0_i32_0 = arith.constant 0 : i32
    %c0_i32_1 = arith.constant 0 : i32
    return %c0_i32, %c0_i32_0 : i32, i32
  }
  func.func @transform_4(%arg0: i32) -> (i32, i32) {
    %c0_i32 = arith.constant 0 : i32
    %c0_i32_0 = arith.constant 0 : i32
    %c0_i32_1 = arith.constant 0 : i32
    return %c0_i32, %c0_i32_0 : i32, i32
  }
  func.func @transform_5(%arg0: i32) -> (i32, i32) {
    %c0_i32 = arith.constant 0 : i32
    %c0_i32_0 = arith.constant 0 : i32
    return %arg0, %c0_i32 : i32, i32
  }
  func.func @transform_6(%arg0: i32) -> (i32, i32) {
    %c0_i32 = arith.constant 0 : i32
    %c0_i32_0 = arith.constant 0 : i32
    return %arg0, %c0_i32 : i32, i32
  }
  func.func @transform_7(%arg0: i32) -> (i32, i32) {
    %c0_i32 = arith.constant 0 : i32
    %c0_i32_0 = arith.constant 0 : i32
    return %arg0, %c0_i32 : i32, i32
  }
}

module attributes {stable_mosaic.version = 14 : i64} {
  func.func @_layer_a_body(%arg0: i32, %arg1: memref<2x2000x128xf32, #tpu.memory_space<vmem>>, %arg2: memref<2000x128xf32, #tpu.memory_space<vmem>>, %arg3: memref<2x2000x128xf32, #tpu.memory_space<vmem>>, %arg4: memref<1x128xf32, #tpu.memory_space<vmem>>, %arg5: memref<128x128xf32, #tpu.memory_space<vmem>>, %arg6: memref<2000x128xf32, #tpu.memory_space<vmem>>) attributes {dimension_semantics = [#tpu.dimension_semantics<arbitrary>], iteration_bounds = array<i64: 5>, scalar_prefetch = 0 : i64, scratch_operands = 0 : i64, tpu.core_type = #tpu.core_type<tc>, window_params = [{transform_indices = @transform_0, window_bounds = array<i64: 2, 2000, 128>}, {transform_indices = @transform_1, window_bounds = array<i64: 2000, 128>}, {transform_indices = @transform_2, window_bounds = array<i64: 2, 2000, 128>}, {pipeline_mode = #tpu.pipeline_mode<synchronous>, transform_indices = @transform_3, window_bounds = array<i64: 1, 128>}, {pipeline_mode = #tpu.pipeline_mode<synchronous>, transform_indices = @transform_4, window_bounds = array<i64: 128, 128>}, {transform_indices = @transform_5, window_bounds = array<i64: 2000, 128>}]} {
    %get3A = arith.constant 0 : index
    %get3A_0 = arith.constant 0 : index
    %get3A_1 = arith.constant 0 : index
    %get3A_2 = vector.load %arg1[%get3A, %get3A_0, %get3A_1] : memref<2x2000x128xf32, #tpu.memory_space<vmem>>, vector<1x2000x128xf32>
    %get3A_3 = vector.shape_cast %get3A_2 : vector<1x2000x128xf32> to vector<2000x128xf32>
    %get3A_4 = arith.constant 1 : index
    %get3A_5 = arith.constant 0 : index
    %get3A_6 = arith.constant 0 : index
    %get3A_7 = vector.load %arg1[%get3A_4, %get3A_5, %get3A_6] : memref<2x2000x128xf32, #tpu.memory_space<vmem>>, vector<1x2000x128xf32>
    %get3A_8 = vector.shape_cast %get3A_7 : vector<1x2000x128xf32> to vector<2000x128xf32>
    %add3A = arith.addf %get3A_3, %get3A_8 : vector<2000x128xf32>
    %get3A_9 = arith.constant 0 : index
    %get3A_10 = arith.constant 0 : index
    %get3A_11 = vector.load %arg2[%get3A_9, %get3A_10] : memref<2000x128xf32, #tpu.memory_space<vmem>>, vector<2000x128xf32>
    %add3A_12 = arith.addf %add3A, %get3A_11 : vector<2000x128xf32>
    %get3A_13 = arith.constant 0 : index
    %get3A_14 = arith.constant 0 : index
    %get3A_15 = arith.constant 0 : index
    %get3A_16 = vector.load %arg3[%get3A_13, %get3A_14, %get3A_15] : memref<2x2000x128xf32, #tpu.memory_space<vmem>>, vector<1x2000x1xf32>
    %get3A_17 = vector.shape_cast %get3A_16 : vector<1x2000x1xf32> to vector<2000xf32>
    %get3A_18 = arith.constant 1 : index
    %get3A_19 = arith.constant 0 : index
    %get3A_20 = arith.constant 0 : index
    %get3A_21 = vector.load %arg3[%get3A_18, %get3A_19, %get3A_20] : memref<2x2000x128xf32, #tpu.memory_space<vmem>>, vector<1x2000x1xf32>
    %get3A_22 = vector.shape_cast %get3A_21 : vector<1x2000x1xf32> to vector<2000xf32>
    %add3A_23 = arith.addf %get3A_17, %get3A_22 : vector<2000xf32>
    %add3A_24 = arith.constant 1.000000e+00 : f32
    %add3A_25 = vector.broadcast %add3A_24 : f32 to vector<2000xf32>
    %add3A_26 = arith.addf %add3A_23, %add3A_25 : vector<2000xf32>
    %div3A = arith.constant 1.000000e+00 : f32
    %div3A_27 = vector.broadcast %div3A : f32 to vector<2000xf32>
    %div3A_28 = arith.divf %div3A_27, %add3A_26 : vector<2000xf32>
    %broadcast_in_dim3A = vector.shape_cast %div3A_28 : vector<2000xf32> to vector<2000x1xf32>
    %mul3A = vector.broadcast %broadcast_in_dim3A : vector<2000x1xf32> to vector<2000x128xf32>
    %mul3A_29 = arith.mulf %add3A_12, %mul3A : vector<2000x128xf32>
    %get3A_30 = arith.constant 0 : index
    %get3A_31 = arith.constant 0 : index
    %get3A_32 = vector.load %arg4[%get3A_30, %get3A_31] : memref<1x128xf32, #tpu.memory_space<vmem>>, vector<1x128xf32>
    %get3A_33 = vector.shape_cast %get3A_32 : vector<1x128xf32> to vector<128xf32>
    %broadcast_in_dim3A_34 = vector.shape_cast %get3A_33 : vector<128xf32> to vector<1x128xf32>
    %add3A_35 = vector.broadcast %broadcast_in_dim3A_34 : vector<1x128xf32> to vector<2000x128xf32>
    %add3A_36 = arith.addf %mul3A_29, %add3A_35 : vector<2000x128xf32>
    %max3A = arith.constant 0.000000e+00 : f32
    %max3A_37 = vector.broadcast %max3A : f32 to vector<2000x128xf32>
    %max3A_38 = arith.maximumf %add3A_36, %max3A_37 : vector<2000x128xf32>
    %get3A_39 = arith.constant 0 : index
    %get3A_40 = arith.constant 0 : index
    %get3A_41 = vector.load %arg5[%get3A_39, %get3A_40] : memref<128x128xf32, #tpu.memory_space<vmem>>, vector<128x128xf32>
    %dot_general3A = arith.constant dense<0.000000e+00> : vector<2000x128xf32>
    %dot_general3A_42 = tpu.matmul %max3A_38, %get3A_41, %dot_general3A {dimension_numbers = #tpu.dot_dimension_numbers<[1], [0], [0], [1], [0, 0, 1, 1], [], []>, transpose_lhs_hint = false} : vector<2000x128xf32>, vector<128x128xf32>, vector<2000x128xf32> -> vector<2000x128xf32>
    %swap3A = arith.constant 0 : index
    %swap3A_43 = arith.constant 0 : index
    %swap3A_44 = vector.load %arg6[%swap3A, %swap3A_43] : memref<2000x128xf32, #tpu.memory_space<vmem>>, vector<2000x128xf32>
    tpu.vector_store %arg6[%swap3A, %swap3A_43], %dot_general3A_42 {strides = array<i32>} : memref<2000x128xf32, #tpu.memory_space<vmem>>, vector<2000x128xf32>,
    return
  }
  func.func @transform_0(%arg0: i32) -> (i32, i32, i32) {
    %c0_i32 = arith.constant 0 : i32
    %c0_i32_0 = arith.constant 0 : i32
    %c0_i32_1 = arith.constant 0 : i32
    return %c0_i32, %arg0, %c0_i32_0 : i32, i32, i32
  }
  func.func @transform_1(%arg0: i32) -> (i32, i32) {
    %c0_i32 = arith.constant 0 : i32
    %c0_i32_0 = arith.constant 0 : i32
    return %arg0, %c0_i32 : i32, i32
  }
  func.func @transform_2(%arg0: i32) -> (i32, i32, i32) {
    %c0_i32 = arith.constant 0 : i32
    %c0_i32_0 = arith.constant 0 : i32
    %c0_i32_1 = arith.constant 0 : i32
    return %c0_i32, %arg0, %c0_i32_0 : i32, i32, i32
  }
  func.func @transform_3(%arg0: i32) -> (i32, i32) {
    %c0_i32 = arith.constant 0 : i32
    %c0_i32_0 = arith.constant 0 : i32
    %c0_i32_1 = arith.constant 0 : i32
    return %c0_i32, %c0_i32_0 : i32, i32
  }
  func.func @transform_4(%arg0: i32) -> (i32, i32) {
    %c0_i32 = arith.constant 0 : i32
    %c0_i32_0 = arith.constant 0 : i32
    %c0_i32_1 = arith.constant 0 : i32
    return %c0_i32, %c0_i32_0 : i32, i32
  }
  func.func @transform_5(%arg0: i32) -> (i32, i32) {
    %c0_i32 = arith.constant 0 : i32
    %c0_i32_0 = arith.constant 0 : i32
    return %arg0, %c0_i32 : i32, i32
  }
}

</mosaic_0001>

<sc_bundles>
// kernel: closed_call.19.cloned.1.call-start
scs
__scs_entry_jumppad:
0x0: {  	(pc) =	sbr.rel $0x88, $3  }
0x1: {  	(tag) =	ssettag $0x0;
	lr =	simm.s32 $0x1  }
0x2: {  	[smem:$0x3F9D] =	sst lr;
	_ =	strace $0xD0000000  }
0x3: {  	_ = 	snop  }
0x4: {  	_ = 	snop  }
0x5: {  	_ = 	snop  }
0x6: {  	_ = 	snop  }
0x7: {  	_ = 	snop  }
__scs_overlays_trampoline_lowered:
0x8: {  	[smem:$0x3FAC] =	sst s0  }
0x9: {  	[smem:$0x3FAD] =	sst s1  }
0xa: {  	[smem:$0x3FAE] =	sst s2  }
0xb: {  	[smem:$0x3FAF] =	sst s3  }
0xc: {  	[smem:$0x3FB0] =	sst s4  }
0xd: {  	[smem:$0x3FB1] =	sst s5  }
0xe: {  	[smem:$0x3FB2] =	sst s6  }
0xf: {  	[smem:$0x3FB3] =	sst s7  }
0x10: {  	[smem:$0x3FB4] =	sst s8  }
0x11: {  	[smem:$0x3FB5] =	sst s9;
	s0 =	simm.s32 @!p0 $0x0  }
0x12: {  	s1 =	sld [smem:$0x3F9B];
	s0 =	simm.s32 @p0 $0x1  }
0x13: {  	[smem:$0x3FB6] =	sst s0;
	s0 =	simm.s32 @!p1 $0x0  }
0x14: {  	s2 =	sld [smem:$0x3F9A];
	s0 =	simm.s32 @p1 $0x1  }
0x15: {  	[smem:$0x3FB7] =	sst s0;
	s0 =	simm.s32 @!p2 $0x0  }
0x16: {  	s3 =	sld [smem:$0x3FDB];
	s0 =	simm.s32 @p2 $0x1  }
0x17: {  	s4 =	simm.s32 $0x1BF5;
	[smem:$0x3FB9] =	sst s0  }
0x18: {  	s0 =	sld [smem:$0x3F9C];
	_ =	swait.ge [sflag:s4], $0x0  }
0x19: {  	s7 =	sld [smem:$0x3F9D]  }
0x1a: {  	s8 =	sadd.s32 $0xFFFFE003, lr  }
0x1b: {  	s9 =	sadd.s32 $0xFFFFFEF7, lr;
	s5 =	simm.s32 $0xFFFFFFFF;
	p2 =	slt.u32 s8, $0xFFFFF086  }
0x1c: {  	p1 =	slt.u32 s9, $0xF7A;
	s5 =	simm.s32 @!p2 $0x0  }
0x1d: {  	s5 =	simm.s32 @p1 $0x1;
	p0 =	seq.s32 s7, s2  }
0x1e: {  	s7 =	smul.u32 @!p0 $0xF7A, s2;
	p2 =	seq.s32 @!p0 s5, $0x0  }
0x1f: {  	s9 =	smul.u32 $0xF7A, s1;
	s8 =	simm.s32 @!p0 $0x1BF5;
	p2 =	por !p2, p0  }
0x20: {  	[sflag:s8] =	ssyncset.s32 @!p0 $0xFFFFF086;
	s6 =	sadd.s32 @!p0 s3, s7;
	s7 =	simm.s32 @!p0 $0x108  }
0x21: {  	s3 =	sadd.s32 s3, s9;
	s6 =	sadd.s32 @!p0 $0x88, s6;
	s7 =	simm.s32 @p2 $0x1082  }
0x22: {  	[simem:s7], [sflag:s8] =	dma.local @!p0 [hbm:s6], $0xF7A  }
0x23: {  	s9 =	sor.u32 $0xD0000000, s2;
	s6 =	simm.s32 $0x108;
	_ =	swait.ge @!p0 [sflag:s8], $0x0  }
0x24: {  	s3 =	sadd.s32 $0x88, s3;
	s6 =	simm.s32 @!p1 $0x1082;
	[sflag:s4] =	ssyncset.s32 $0xFFFFF086  }
0x25: {  	[simem:s6], [sflag:s4] =	dma.local [hbm:s3], $0xF7A  }
0x26: {  	[smem:$0x3F9D] =	sst s1;
	(tag) =	ssettag s2;
	_ =	strace s9  }
0x27: {  	s1 =	sld [smem:$0x3FAD]  }
0x28: {  	s2 =	sld [smem:$0x3FAE]  }
0x29: {  	s4 =	sld [smem:$0x3FB0]  }
0x2a: {  	p0 =	seq.s32 s5, $0x0;
	s5 =	sld [smem:$0x3FB1]  }
0x2b: {  	s6 =	sld [smem:$0x3FB2]  }
0x2c: {  	s7 =	sld [smem:$0x3FB3]  }
0x2d: {  	s3 =	simm.s32 $0x108;
	s8 =	sld [smem:$0x3FB4]  }
0x2e: {  	s3 =	simm.s32 @!p0 $0x1082;
	s9 =	sld [smem:$0x3FB5]  }
0x2f: {  	lr =	sadd.s32 s0, s3;
	s0 =	sld [smem:$0x3FAC]  }
0x30: {  	s3 =	sld [smem:$0x3FAF]  }
0x31: {  	[smem:$0x3FB8] =	sst s10  }
0x32: {  	s10 =	sld [smem:$0x3FB6];
	_ =	sdelay $0x3  }
0x33: {  	p0 =	seq.s32 s10, $0x1;
	s10 =	sld [smem:$0x3FB8];
	_ =	sdelay $0x3  }
0x34: {  	[smem:$0x3FB8] =	sst s10  }
0x35: {  	s10 =	sld [smem:$0x3FB7];
	_ =	sdelay $0x3  }
0x36: {  	p1 =	seq.s32 s10, $0x1;
	s10 =	sld [smem:$0x3FB8];
	_ =	sdelay $0x3  }
0x37: {  	[smem:$0x3FB8] =	sst s10  }
0x38: {  	s10 =	sld [smem:$0x3FB9]  }
0x39: {  	_ = 	snop;
	(pc) =	sbr.ind lr, $3  }
0x3a: {  	_ = 	snop  }
0x3b: {  	_ = 	snop  }
0x3c: {  	p2 =	seq.s32 s10, $0x1;
	s10 =	sld [smem:$0x3FB8]  }
0x3d: {  	_ =	shalt  }
0x3e: {  	_ =	shalt  }
0x3f: {  	_ =	shalt  }
0x40: {  	_ =	shalt  }
0x41: {  	_ =	shalt  }
0x42: {  	_ =	shalt  }
0x43: {  	_ =	shalt  }
0x44: {  	_ =	shalt  }
0x45: {  	_ =	shalt  }
0x46: {  	_ =	shalt  }
0x47: {  	_ =	shalt  }
0x48: {  	_ =	shalt  }
0x49: {  	_ =	shalt  }
0x4a: {  	_ =	shalt  }
0x4b: {  	_ =	shalt  }
0x4c: {  	_ =	shalt  }
0x4d: {  	_ =	shalt  }
0x4e: {  	_ =	shalt  }
0x4f: {  	_ =	shalt  }
0x50: {  	_ =	shalt  }
0x51: {  	_ =	shalt  }
0x52: {  	_ =	shalt  }
0x53: {  	_ =	shalt  }
0x54: {  	_ =	shalt  }
0x55: {  	_ =	shalt  }
0x56: {  	_ =	shalt  }
0x57: {  	_ =	shalt  }
0x58: {  	_ =	shalt  }
0x59: {  	_ =	shalt  }
0x5a: {  	_ =	shalt  }
0x5b: {  	_ =	shalt  }
0x5c: {  	_ =	shalt  }
0x5d: {  	_ =	shalt  }
0x5e: {  	_ =	shalt  }
0x5f: {  	_ =	shalt  }
0x60: {  	_ =	shalt  }
0x61: {  	_ =	shalt  }
0x62: {  	_ =	shalt  }
0x63: {  	_ =	shalt  }
0x64: {  	_ =	shalt  }
0x65: {  	_ =	shalt  }
0x66: {  	_ =	shalt  }
0x67: {  	_ =	shalt  }
0x68: {  	_ =	shalt  }
0x69: {  	_ =	shalt  }
0x6a: {  	_ =	shalt  }
0x6b: {  	_ =	shalt  }
0x6c: {  	_ =	shalt  }
0x6d: {  	_ =	shalt  }
0x6e: {  	_ =	shalt  }
0x6f: {  	_ =	shalt  }
0x70: {  	_ =	shalt  }
0x71: {  	_ =	shalt  }
0x72: {  	_ =	shalt  }
0x73: {  	_ =	shalt  }
0x74: {  	_ =	shalt  }
0x75: {  	_ =	shalt  }
0x76: {  	_ =	shalt  }
0x77: {  	_ =	shalt  }
0x78: {  	_ =	shalt  }
0x79: {  	_ =	shalt  }
0x7a: {  	_ =	shalt  }
0x7b: {  	_ =	shalt  }
0x7c: {  	_ =	shalt  }
0x7d: {  	_ =	shalt  }
0x7e: {  	_ =	shalt  }
0x7f: {  	_ =	shalt  }
0x80: {  	_ =	shalt  }
0x81: {  	_ =	shalt  }
0x82: {  	_ =	shalt  }
0x83: {  	_ =	shalt  }
0x84: {  	_ =	shalt  }
0x85: {  	_ =	shalt  }
0x86: {  	_ =	shalt  }
0x87: {  	_ =	shalt  }
.Lfunc_end0:
.L_simem_size_0:
called_computation_lowered:
.L_overlay_start_0:
0x88: {  	s2 =	sld [smem:$0x3FD9]  }
0x89: {  	s3 =	sld [smem:$0x3FFE];
	_ =	sdelay $0x1  }
0x8a: {  	s1 =	srdreg.scid  }
0x8b: {  	s0 =	sand.u32 $0x1, s1  }
0x8c: {  	s16 =	sshll.u32 s0, $0xA;
	s2 =	sadd.s32 s3, s2  }
0x8d: {  	s2 =	sadd.s32 s2, s16  }
0x8e: {  	[smem:$0x3FC4] =	sst s2  }
0x8f: {  	_ = 	snop  }
0x90: {  	(tm) =	ssettm $0x1  }
0x91: {  	s17 =	sld [smem:$0x3FFB];
	_ =	sdelay $0x3  }
0x92: {  	_ =	strace s17  }
0x93: {  	s2 =	sld [smem:$0x3FFC];
	_ =	sdelay $0x3  }
0x94: {  	_ =	strace s2  }
0x95: {  	s2 =	sld [smem:$0x3FFD];
	_ =	sdelay $0x3  }
0x96: {  	_ =	strace s2  }
0x97: {  	_ =	strace $0x8FFFFFFF  }
0x98: {  	s18 =	sld [smem:$0x3FDB];
	_ =	sdelay $0x1  }
0x99: {  	s19 =	simm.s32 $_scs_section_size  }
0x9a: {  	s4 =	simm.s32 $_size__tile_overlayer_lowered;
	s5 =	simm.s32 $_tile_overlayer_lowered  }
0x9b: {  	s22 =	simm.s32 $0x1BFF;
	s21 =	sshll.u32 s5, $0x1;
	s2 =	sadd.s32 s19, s18  }
0x9c: {  	s6 =	simm.s32 $0x0;
	s20 =	sshll.u32 s4, $0x1;
	s4 =	sadd.s32 s21, s2  }
0x9d: {  	[timem:s6], [sflag:s22] =	dma.local [hbm:s4], s20  }
0x9e: {  	_ =	swait.ge [sflag:s22], s20  }
0x9f: {  	s3 =	ssub.s32 $0x0, s20;
	[sflag:s22] =	ssyncset.done $0x0  }
0xa0: {  	[sflag:s22] =	ssyncadd.s32 s3;
	_ =	sdelay $0x1  }
0xa1: {  	s23 =	simm.s32 $0x1B8B  }
0xa2: {  	_ =	swait.ge [sflag:s23], $0x1  }
0xa3: {  	[sflag:s23] =	ssyncset.done $0x0  }
0xa4: {  	s25 =	simm.s32 $0x1B8E;
	s24 =	sld [smem:$0x3FFE];
	[sflag:s23] =	ssyncadd.s32 $0xFFFFFFFF  }
0xa5: {  	s26 =	simm.s32 $execute0_lowered;
	[smem:$0x3FD2] =	sst s25  }
0xa6: {  	s4 =	sshll.u32 s26, $0x1;
	_ =	strace $0x80000049;
	[dreg:$0x1] =	wrdreg $0xFFFFFFFF  }
0xa7: {  	s28 =	simm.s32 $_size_execute0_lowered;
	s2 =	sadd.s32 s2, s4;
	[dreg:$0x0] =	wrdreg $0x0  }
0xa8: {  	s4 =	sshll.u32 s28, $0x1;
	[dreg:$0x2] =	wrdreg s2  }
0xa9: {  	[dreg:$0x3] =	wrdreg s4  }
0xaa: {  	[dreg:$0x4] =	wrdreg $0xC0  }
0xab: {  	_ =	task [dreg:s6], $0x5FFFF  }
0xac: {  	[dreg:$0x1] =	wrdreg $0xFFFFFFFF  }
0xad: {  	[dreg:$0x0] =	wrdreg $0x60  }
0xae: {  	[dreg:$0x2] =	wrdreg s24  }
0xaf: {  	[dreg:$0x3] =	wrdreg $0xAB000  }
0xb0: {  	[dreg:$0x4] =	wrdreg $0x9  }
0xb1: {  	_ =	task.clear_ibuf [dreg:s6], $0x5FFFF;
	_ =	strace $0x90000049  }
0xb2: {  	s29 =	simm.s32 $0x9;
	_ =	strace $0x8000004B  }
0xb3: {  	_ =	swait.ge [sflag:s29], $0x1  }
0xb4: {  	[sflag:s29] =	ssyncadd.s32 $0xFFFFFFFF  }
0xb5: {  	_ =	strace $0x9000004B  }
0xb6: {  	_ =	sfence  }
0xb7: {  	s30 =	sld [smem:$0x0];
	_ =	sdelay $0x2  }
0xb8: {  	s31 =	sshll.u32 s1, $0xD;
	s1 =	sshrl.u32 s1, $0x2  }
0xb9: {  	s3 =	sand.u32 $0x4000, s31;
	s1 =	sadd.s32 s1, s30  }
0xba: {  	s0 =	sor.u32 s3, s0;
	s1 =	sshll.u32 s1, $0x11  }
0xbb: {  	s0 =	sor.u32 s1, s0  }
0xbc: {  	s0 =	sadd.s32 $0x8F2B, s0  }
0xbd: {  	[sflag:s0] =	ssyncadd.remote.s32 $0x1  }
0xbe: {  	_ =	sfence.sel $0xFFFF  }
0xbf: {  	[dreg:$0x0] =	wrdreg $0xFFFFFFFF;
	(pc) =	sbr.abs _section_cstart, $3  }
0xc0: {  	[dreg:$0x1] =	wrdreg $0xFFFFFFFF  }
0xc1: {  	_ =	task.clear_ibuf [dreg:s6], $0x2FFFF;
	_ =	strace $0x9FFFFFFF  }
0xc2: {  	(tm) =	ssettm $0x7FFFFFFF  }
0xc3: {  	_ =	shalt  }
tec
execute0_lowered:
.L_overlay_start_1:
0x0: {  	(tag) =	ssettag $0x1  }
0x1: {  	s0 =	rddreg [dreg:$0x0]  }
0x2: {  	s1 =	rddreg [dreg:$0x1];
	s2 =	srdreg.scid;
	s3 =	simm.s32 $0x0  }
0x3: {  	s31 =	simm.s32 $0x8B00;
	s30 =	simm.s32 $0x0;
	s8 =	sand.u32 $0x1, s2  }
0x4: {  	[smem:$0x7FF] =	sst s3;
	s2 =	stileid.u32;
	s6 =	sadd.s32 $0x16800, s0  }
0x5: {  	s28 =	sadd.s32 $0x138000, s1;
	s4 =	sshll.u32 s8, $0x4;
	s12 =	smul.u32 $0x138800, s8  }
0x6: {  	_ =	strace $0x8000004A;
	s7 =	ssub.s32 $0x2, s8;
	s8 =	smul.u32 $0x27100, s8  }
0x7: {  	s25 =	sshll.u32 s2, $0xD;
	s29 =	smul.u32 $0x2710, s2;
	s15 =	sor.u32 $0x90, s2  }
0x8: {  	p2 =	sne.s32 s2, $0xC;
	[dreg:$0xb] =	wrdreg s28;
	s5 =	sor.u32 s2, s4  }
0x9: {  	s4 =	sadd.s32 $0xCA00, s0;
	s10 =	sshrl.u32 s7, $0x1;
	p0 =	sgt.u32 s15, $0x9B  }
0xa: {  	s9 =	smul.u32 $0x2710, s5;
	s5 =	sadd.s32 $0x2C00, s0;
	s0 =	sadd.s32 $0x8BE00, s0  }
0xb: {  	s10 =	ssub.s32 s7, s10;
	s20 =	sshrl.u32 s12, $0x3;
	s8 =	sadd.s32 s29, s8  }
0xc: {  	p1 =	sne.s32 @p0 s2, $0xC;
	s23 =	sadd.s32 s0, s20;
	s26 =	smax.u32 s10, $0x1  }
0xd: {  	s20 =	sadd.s32 $0x100, s8;
	p1 =	por p1, !p0;
	[dreg:$0xa] =	wrdreg s26  }
0xe: {  	s9 =	sshrl.u32 s9, $0x3;
	s24 =	sadd.s32 $0x27000, s23;
	[dreg:$0x11] =	wrdreg s20  }
0xf: {  	s10 =	simm.s32 $0x4;
	s16 =	sadd.s32 s4, s9;
	[dreg:$0x9] =	wrdreg s24  }
0x10: {  	s20 =	simm.s32 $0x2;
	s17 =	sadd.s32 s5, s9;
	[dreg:$0x3] =	wrdreg s16  }
0x11: {  	s11 =	sadd.s32 $0x10, s9;
	s9 =	sadd.s32 $0x4E0, s9;
	[dreg:$0x4] =	wrdreg s17  }
0x12: {  	s18 =	sadd.s32 s4, s11;
	s19 =	sadd.s32 s5, s11;
	s21 =	sadd.s32 s4, s9  }
0x13: {  	s22 =	sadd.s32 s5, s9;
	s16 =	sadd.s32 s25, s1;
	[dreg:$0x5] =	wrdreg s18  }
0x14: {  	s9 =	sadd.s32 s25, s12;
	s17 =	sadd.s32 $0x180, s8;
	[dreg:$0x6] =	wrdreg s19  }
0x15: {  	s8 =	simm.s32 $0x80;
	s12 =	simm.s32 $0x4100;
	[dreg:$0x7] =	wrdreg s21  }
0x16: {  	[dreg:$0x8] =	wrdreg s22;
	s21 =	sadd.s32 $0x20000, s16;
	s11 =	sadd.s32 $0x40000, s16  }
0x17: {  	s13 =	sadd.s32 $0x60000, s16;
	s14 =	sadd.s32 $0x80000, s16;
	[dreg:$0xc] =	wrdreg s11  }
0x18: {  	s9 =	sshrl.u32 s9, $0x3;
	s18 =	sshll.u32 s15, $0xD;
	[dreg:$0xd] =	wrdreg s13  }
0x19: {  	s19 =	sshrl.u32 s17, $0x3;
	s22 =	sadd.s32 $0xA0000, s16;
	[dreg:$0xe] =	wrdreg s14  }
0x1a: {  	s25 =	sadd.s32 $0xC0000, s16;
	s26 =	sadd.s32 $0xE0000, s16;
	[dreg:$0x12] =	wrdreg s22  }
0x1b: {  	s29 =	sadd.s32 $0x100000, s16;
	s15 =	simm.s32 $0x6;
	[dreg:$0x13] =	wrdreg s25  }
0x1c: {  	s0 =	sadd.s32 s9, s0;
	s23 =	sadd.s32 s19, s5;
	[dreg:$0x14] =	wrdreg s26  }
0x1d: {  	s24 =	sadd.s32 s19, s4;
	[dreg:$0x15] =	wrdreg s29;
	s9 =	simm.s32 $0x3  }
0x1e: {  	s11 =	simm.s32 $0x100;
	s13 =	simm.s32 $0x4180;
	s14 =	simm.s32 $0x5  }
0x1f: {  	s19 =	simm.s32 $0x1;
	[dreg:$0xf] =	wrdreg s0;
	s0 =	sadd.s32 s18, s1  }
0x20: {  	v0 =	vimm.f32 $0.0e+00;
	s18 =	simm.s32 $0x4200;
	[dreg:$0x10] =	wrdreg s0;
	s0 =	simm.s32 $0x7  }
.LBB2_1:
0x21: {  	s22 =	simm.s32 $0x0;
	s26 =	simm.s32 $0x200  }
.LBB2_2:
0x22: {  	p3 =	sne.s32 s26, $0x7E00;
	[tilespmem:s22+$0x8B70] =	vst v0  }
0x23: {  	[tilespmem:s22+$0x8B00] =	vst v0  }
0x24: {  	[tilespmem:s22+$0x8B10] =	vst v0  }
.Ltmp0:
0x25: {  	[tilespmem:s22+$0x8B20] =	vst v0;
	(pc) =	sbr.rel @p3 .LBB2_2-.Ltmp0, $4  }
0x26: {  	[tilespmem:s22+$0x8B30] =	vst v0  }
0x27: {  	[tilespmem:s22+$0x8B40] =	vst v0  }
0x28: {  	[tilespmem:s22+$0x8B50] =	vst v0  }
0x29: {  	[tilespmem:s22+$0x8B60] =	vst v0;
	s22 =	sshra.s32 s26, $0x2;
	s26 =	sadd.s32 $0x200, s26  }
0x2a: {  	[tilespmem:s22+$0x8B70] =	vst v0  }
0x2b: {  	[tilespmem:s22+$0x8B00] =	vst v0  }
0x2c: {  	[tilespmem:s22+$0x8B10] =	vst v0  }
0x2d: {  	[tilespmem:s22+$0x8B20] =	vst v0  }
0x2e: {  	[tilespmem:s22+$0x8B30] =	vst v0  }
0x2f: {  	[tilespmem:s22+$0x8B40] =	vst v0  }
0x30: {  	[tilespmem:s22+$0x8B50] =	vst v0  }
0x31: {  	[tilespmem:s22+$0x8B60] =	vst v0  }
0x32: {  	[spmem:s16] =	stream.linear.scatter [tilespmem:s31], [sflag:$0x7], $0x2000, $0x38;
	[tilespmem:$0x1E380] =	vst v63  }
0x33: {  	_ =	swait.ge [sflag:s0], $0x2000  }
0x34: {  	[sflag:s0] =	ssyncset.done $0x0  }
0x35: {  	[sflag:s0] =	ssyncadd.s32 $0xFFFFE000  }
0x36: {  	[spmem:s21] =	stream.linear.scatter [tilespmem:s31], [sflag:$0x7], $0x2000, $0x38;
	[tilespmem:$0x1E380] =	vst v63  }
0x37: {  	_ =	swait.ge [sflag:s0], $0x2000  }
0x38: {  	[sflag:s0] =	ssyncset.done $0x0  }
0x39: {  	s7 =	rddreg [dreg:$0xc];
	[sflag:s0] =	ssyncadd.s32 $0xFFFFE000  }
0x3a: {  	[spmem:s7] =	stream.linear.scatter [tilespmem:s31], [sflag:$0x7], $0x2000, $0x38;
	[tilespmem:$0x1E380] =	vst v63  }
0x3b: {  	_ =	swait.ge [sflag:s0], $0x2000  }
0x3c: {  	[sflag:s0] =	ssyncset.done $0x0  }
0x3d: {  	s29 =	rddreg [dreg:$0xd];
	[sflag:s0] =	ssyncadd.s32 $0xFFFFE000  }
0x3e: {  	[spmem:s29] =	stream.linear.scatter [tilespmem:s31], [sflag:$0x7], $0x2000, $0x38;
	[tilespmem:$0x1E380] =	vst v63  }
0x3f: {  	_ =	swait.ge [sflag:s0], $0x2000  }
0x40: {  	[sflag:s0] =	ssyncset.done $0x0  }
0x41: {  	s17 =	rddreg [dreg:$0xe];
	[sflag:s0] =	ssyncadd.s32 $0xFFFFE000  }
0x42: {  	[spmem:s17] =	stream.linear.scatter [tilespmem:s31], [sflag:$0x7], $0x2000, $0x38;
	[tilespmem:$0x1E380] =	vst v63  }
0x43: {  	_ =	swait.ge [sflag:s0], $0x2000  }
0x44: {  	[sflag:s0] =	ssyncset.done $0x0  }
0x45: {  	s22 =	rddreg [dreg:$0x12];
	[sflag:s0] =	ssyncadd.s32 $0xFFFFE000  }
0x46: {  	[spmem:s22] =	stream.linear.scatter [tilespmem:s31], [sflag:$0x7], $0x2000, $0x38;
	[tilespmem:$0x1E380] =	vst v63  }
0x47: {  	_ =	swait.ge [sflag:s0], $0x2000  }
0x48: {  	[sflag:s0] =	ssyncset.done $0x0  }
0x49: {  	s25 =	rddreg [dreg:$0x13];
	[sflag:s0] =	ssyncadd.s32 $0xFFFFE000  }
0x4a: {  	[spmem:s25] =	stream.linear.scatter [tilespmem:s31], [sflag:$0x7], $0x2000, $0x38;
	[tilespmem:$0x1E380] =	vst v63  }
0x4b: {  	_ =	swait.ge [sflag:s0], $0x2000  }
0x4c: {  	[sflag:s0] =	ssyncset.done $0x0  }
0x4d: {  	s26 =	rddreg [dreg:$0x14];
	[sflag:s0] =	ssyncadd.s32 $0xFFFFE000  }
0x4e: {  	[spmem:s26] =	stream.linear.scatter [tilespmem:s31], [sflag:$0x7], $0x2000, $0x38;
	[tilespmem:$0x1E380] =	vst v63  }
0x4f: {  	_ =	swait.ge [sflag:s0], $0x2000  }
0x50: {  	[sflag:s0] =	ssyncset.done $0x0  }
0x51: {  	s29 =	rddreg [dreg:$0x15];
	[sflag:s0] =	ssyncadd.s32 $0xFFFFE000  }
0x52: {  	[spmem:s29] =	stream.linear.scatter [tilespmem:s31], [sflag:$0x7], $0x2000, $0x38;
	[tilespmem:$0x1E380] =	vst v63  }
0x53: {  	_ =	swait.ge [sflag:s0], $0x2000  }
0x54: {  	[sflag:s0] =	ssyncset.done $0x0  }
0x55: {  	s22 =	simm.s32 @!p1 $0x8B00;
	[sflag:s0] =	ssyncadd.s32 $0xFFFFE000  }
0x56: {  	[spmem:s28] =	stream.linear.scatter @!p1 [tilespmem:s22], [sflag:$0x7], $0x800, $0x38;
	[tilespmem:$0x1E380] =	vst v63  }
0x57: {  	s22 =	simm.s32 @!p1 $0x7  }
0x58: {  	_ =	swait.ge @!p1 [sflag:s22], $0x800  }
0x59: {  	[sflag:s22] =	ssyncset.done @!p1 $0x0  }
0x5a: {  	s7 =	rddreg [dreg:$0x10];
	[sflag:s22] =	ssyncadd.s32 @!p1 $0xFFFFF800;
	s22 =	simm.s32 @!p0 $0x8B00  }
0x5b: {  	[spmem:s7] =	stream.linear.scatter @!p0 [tilespmem:s22], [sflag:$0x7], $0x2000, $0x38;
	[tilespmem:$0x1E380] =	vst v63  }
0x5c: {  	s22 =	simm.s32 @!p0 $0x7  }
0x5d: {  	_ =	swait.ge @!p0 [sflag:s22], $0x2000  }
0x5e: {  	[sflag:s22] =	ssyncset.done @!p0 $0x0  }
0x5f: {  	[sflag:s22] =	ssyncadd.s32 @!p0 $0xFFFFE000  }
0x60: {  	[bflag:$0x0] =	sbarrier.arrive $0xFFFF  }
0x61: {  	s22 =	simm.s32 $0x0;
	s17 =	rddreg [dreg:$0x3]  }
0x62: {  	[tilespmem:s22], [sflag:$0x3] =	stream.linear.gather [hbm4b:s17+s22], $0x80, $0x38;
	[tilespmem:$0x1E380] =	vst v63  }
0x63: {  	s25 =	rddreg [dreg:$0x4]  }
0x64: {  	[tilespmem:s8], [sflag:$0x4] =	stream.linear.gather [hbm4b:s25+s22], $0x80, $0x38;
	[tilespmem:$0x1E380] =	vst v63  }
0x65: {  	_ =	swait.ge [sflag:s9], $0x80  }
0x66: {  	[sflag:s9] =	ssyncset.done $0x0  }
0x67: {  	[sflag:s9] =	ssyncadd.s32 $0xFFFFFF80  }
0x68: {  	_ =	swait.ge [sflag:s10], $0x80  }
0x69: {  	[sflag:s10] =	ssyncset.done $0x0  }
0x6a: {  	[sflag:s10] =	ssyncadd.s32 $0xFFFFFF80  }
0x6b: {  	[tilespmem:s11], [sflag:$0x1] =	stream.indirect.gather [hbm4b:s6+s8], $0x80, s22, s8, $0xb8;
	[tilespmem:$0x1E380] =	vst v63  }
0x6c: {  	s26 =	rddreg [dreg:$0x5]  }
0x6d: {  	[tilespmem:s12], [sflag:$0x5] =	stream.linear.gather [hbm4b:s26+s22], $0x80, $0x38;
	[tilespmem:$0x1E380] =	vst v63  }
0x6e: {  	s29 =	rddreg [dreg:$0x6]  }
0x6f: {  	[tilespmem:s13], [sflag:$0x6] =	stream.linear.gather [hbm4b:s29+s22], $0x80, $0x38;
	[tilespmem:$0x1E380] =	vst v63  }
0x70: {  	_ =	swait.ge [sflag:s14], $0x80  }
0x71: {  	[sflag:s14] =	ssyncset.done $0x0  }
0x72: {  	[sflag:s14] =	ssyncadd.s32 $0xFFFFFF80  }
0x73: {  	_ =	swait.ge [sflag:s15], $0x80  }
0x74: {  	[sflag:s15] =	ssyncset.done $0x0  }
0x75: {  	[sflag:s15] =	ssyncadd.s32 $0xFFFFFF80  }
0x76: {  	[tilespmem:s18], [sflag:$0x2] =	stream.indirect.gather [hbm4b:s6+s8], $0x80, s12, s8, $0xb8;
	[tilespmem:$0x1E380] =	vst v63  }
0x77: {  	_ =	swait.ge [sflag:s19], $0x4000  }
0x78: {  	[sflag:s19] =	ssyncset.done $0x0  }
0x79: {  	[sflag:s19] =	ssyncadd.s32 $0xFFFFC000  }
0x7a: {  	[spmem:s1] =	stream.indirect.scatter.add.f32 [tilespmem:s11], [sflag:$0x7], $0x80, s8, s8, $0xb8;
	[tilespmem:$0x1E380] =	vst v63  }
0x7b: {  	_ =	swait.ge [sflag:s0], $0x4000  }
0x7c: {  	s17 =	rddreg [dreg:$0x11]  }
0x7d: {  	[sflag:s0] =	ssyncset.done $0x0;
	s25 =	sshrl.u32 s17, $0x3  }
0x7e: {  	[sflag:s0] =	ssyncadd.s32 $0xFFFFC000;
	s26 =	sadd.s32 s4, s25  }
0x7f: {  	[tilespmem:s3], [sflag:$0x3] =	stream.linear.gather [hbm4b:s26+s3], $0x80, $0x38;
	[tilespmem:$0x1E380] =	vst v63  }
0x80: {  	s22 =	sadd.s32 s5, s25  }
0x81: {  	[tilespmem:s8], [sflag:$0x4] =	stream.linear.gather [hbm4b:s22+s3], $0x80, $0x38;
	[tilespmem:$0x1E380] =	vst v63  }
0x82: {  	_ =	swait.ge [sflag:s9], $0x80  }
0x83: {  	[sflag:s9] =	ssyncset.done $0x0  }
0x84: {  	[sflag:s9] =	ssyncadd.s32 $0xFFFFFF80  }
0x85: {  	_ =	swait.ge [sflag:s10], $0x80  }
0x86: {  	[sflag:s10] =	ssyncset.done $0x0  }
0x87: {  	[sflag:s10] =	ssyncadd.s32 $0xFFFFFF80  }
0x88: {  	[tilespmem:s11], [sflag:$0x1] =	stream.indirect.gather [hbm4b:s6+s8], $0x80, s3, s8, $0xb8;
	[tilespmem:$0x1E380] =	vst v63  }
0x89: {  	_ =	swait.ge [sflag:s20], $0x4000  }
0x8a: {  	[sflag:s20] =	ssyncset.done $0x0  }
0x8b: {  	[sflag:s20] =	ssyncadd.s32 $0xFFFFC000  }
0x8c: {  	[spmem:s1] =	stream.indirect.scatter.add.f32 [tilespmem:s18], [sflag:$0x7], $0x80, s13, s8, $0xb8;
	[tilespmem:$0x1E380] =	vst v63  }
0x8d: {  	_ =	swait.ge [sflag:s0], $0x4000  }
0x8e: {  	s28 =	sadd.s32 $0x0, s23;
	s29 =	sadd.s32 $0x0, s24;
	[sflag:s0] =	ssyncset.done $0x0  }
0x8f: {  	s26 =	sadd.s32 $0x100, s17;
	s22 =	simm.s32 $0x20;
	[sflag:s0] =	ssyncadd.s32 $0xFFFFC000  }
0x90: {  	[tilespmem:s12], [sflag:$0x5] =	stream.linear.gather [hbm4b:s29+s3], $0x80, $0x38;
	[tilespmem:$0x1E380] =	vst v63  }
.LBB2_4:
0x91: {  	[tilespmem:s13], [sflag:$0x6] =	stream.linear.gather [hbm4b:s28+s3], $0x80, $0x38;
	[tilespmem:$0x1E380] =	vst v63  }
0x92: {  	s28 =	smov.u32 s22  }
0x93: {  	p3 =	sne.s32 s22, $0x4A0;
	s22 =	sadd.s32 $0x20, s22;
	_ =	swait.ge [sflag:s14], $0x80  }
0x94: {  	[sflag:s14] =	ssyncset.done $0x0  }
0x95: {  	[sflag:s14] =	ssyncadd.s32 $0xFFFFFF80  }
0x96: {  	_ =	swait.ge [sflag:s15], $0x80  }
0x97: {  	[sflag:s15] =	ssyncset.done $0x0  }
0x98: {  	[sflag:s15] =	ssyncadd.s32 $0xFFFFFF80  }
0x99: {  	[tilespmem:s18], [sflag:$0x2] =	stream.indirect.gather [hbm4b:s6+s8], $0x80, s12, s8, $0xb8;
	[tilespmem:$0x1E380] =	vst v63  }
0x9a: {  	_ =	swait.ge [sflag:s19], $0x4000  }
0x9b: {  	[sflag:s19] =	ssyncset.done $0x0  }
0x9c: {  	[sflag:s19] =	ssyncadd.s32 $0xFFFFC000  }
0x9d: {  	[spmem:s1] =	stream.indirect.scatter.add.f32 [tilespmem:s11], [sflag:$0x7], $0x80, s8, s8, $0xb8;
	[tilespmem:$0x1E380] =	vst v63  }
0x9e: {  	_ =	swait.ge [sflag:s0], $0x4000  }
0x9f: {  	s29 =	sshrl.u32 s26, $0x3;
	[sflag:s0] =	ssyncset.done $0x0  }
0xa0: {  	s7 =	sadd.s32 s4, s29;
	[sflag:s0] =	ssyncadd.s32 $0xFFFFC000  }
0xa1: {  	[tilespmem:s3], [sflag:$0x3] =	stream.linear.gather [hbm4b:s7+s3], $0x80, $0x38;
	[tilespmem:$0x1E380] =	vst v63  }
0xa2: {  	s7 =	sadd.s32 s5, s29  }
0xa3: {  	[tilespmem:s8], [sflag:$0x4] =	stream.linear.gather [hbm4b:s7+s3], $0x80, $0x38;
	[tilespmem:$0x1E380] =	vst v63  }
0xa4: {  	_ =	swait.ge [sflag:s9], $0x80  }
0xa5: {  	[sflag:s9] =	ssyncset.done $0x0  }
0xa6: {  	[sflag:s9] =	ssyncadd.s32 $0xFFFFFF80  }
0xa7: {  	_ =	swait.ge [sflag:s10], $0x80  }
0xa8: {  	[sflag:s10] =	ssyncset.done $0x0  }
0xa9: {  	[sflag:s10] =	ssyncadd.s32 $0xFFFFFF80  }
0xaa: {  	[tilespmem:s11], [sflag:$0x1] =	stream.indirect.gather [hbm4b:s6+s8], $0x80, s3, s8, $0xb8;
	[tilespmem:$0x1E380] =	vst v63  }
0xab: {  	_ =	swait.ge [sflag:s20], $0x4000  }
0xac: {  	[sflag:s20] =	ssyncset.done $0x0  }
0xad: {  	[sflag:s20] =	ssyncadd.s32 $0xFFFFC000  }
0xae: {  	[spmem:s1] =	stream.indirect.scatter.add.f32 [tilespmem:s18], [sflag:$0x7], $0x80, s13, s8, $0xb8;
	[tilespmem:$0x1E380] =	vst v63  }
.Ltmp1:
0xaf: {  	_ =	swait.ge [sflag:s0], $0x4000;
	(pc) =	sbr.rel @p3 .LBB2_4-.Ltmp1, $4  }
0xb0: {  	[sflag:s0] =	ssyncset.done $0x0  }
0xb1: {  	s7 =	sadd.s32 s28, s24;
	[sflag:s0] =	ssyncadd.s32 $0xFFFFC000  }
0xb2: {  	[tilespmem:s12], [sflag:$0x5] =	stream.linear.gather [hbm4b:s7+s3], $0x80, $0x38;
	[tilespmem:$0x1E380] =	vst v63  }
0xb3: {  	s26 =	sadd.s32 $0x100, s26;
	s28 =	sadd.s32 s28, s23  }
0xb4: {  	[tilespmem:s13], [sflag:$0x6] =	stream.linear.gather [hbm4b:s28+s3], $0x80, $0x38;
	[tilespmem:$0x1E380] =	vst v63  }
0xb5: {  	_ =	swait.ge [sflag:s14], $0x80  }
0xb6: {  	[sflag:s14] =	ssyncset.done $0x0  }
0xb7: {  	[sflag:s14] =	ssyncadd.s32 $0xFFFFFF80  }
0xb8: {  	_ =	swait.ge [sflag:s15], $0x80  }
0xb9: {  	[sflag:s15] =	ssyncset.done $0x0  }
0xba: {  	[sflag:s15] =	ssyncadd.s32 $0xFFFFFF80  }
0xbb: {  	[tilespmem:s18], [sflag:$0x2] =	stream.indirect.gather [hbm4b:s6+s8], $0x80, s12, s8, $0xb8;
	[tilespmem:$0x1E380] =	vst v63  }
0xbc: {  	_ =	swait.ge [sflag:s19], $0x4000  }
0xbd: {  	[sflag:s19] =	ssyncset.done $0x0  }
0xbe: {  	[sflag:s19] =	ssyncadd.s32 $0xFFFFC000  }
0xbf: {  	[spmem:s1] =	stream.indirect.scatter.add.f32 [tilespmem:s11], [sflag:$0x7], $0x80, s8, s8, $0xb8;
	[tilespmem:$0x1E380] =	vst v63  }
0xc0: {  	_ =	swait.ge [sflag:s0], $0x4000  }
0xc1: {  	[sflag:s0] =	ssyncset.done $0x0  }
0xc2: {  	[sflag:s0] =	ssyncadd.s32 $0xFFFFC000  }
0xc3: {  	_ =	swait.ge [sflag:s20], $0x4000  }
0xc4: {  	[sflag:s20] =	ssyncset.done $0x0  }
0xc5: {  	[sflag:s20] =	ssyncadd.s32 $0xFFFFC000  }
0xc6: {  	[spmem:s1] =	stream.indirect.scatter.add.f32 [tilespmem:s18], [sflag:$0x7], $0x80, s13, s8, $0xb8;
	[tilespmem:$0x1E380] =	vst v63  }
0xc7: {  	_ =	swait.ge [sflag:s0], $0x4000  }
0xc8: {  	s7 =	simm.s32 $0x0;
	[sflag:s0] =	ssyncset.done $0x0  }
0xc9: {  	s22 =	simm.s32 $0x8200;
	s17 =	rddreg [dreg:$0x7];
	[sflag:s0] =	ssyncadd.s32 $0xFFFFC000  }
0xca: {  	[tilespmem:s22], [sflag:$0x7] =	stream.linear.gather [hbm4b:s17+s7], $0x10, $0x38;
	[tilespmem:$0x1E380] =	vst v63  }
0xcb: {  	_ =	swait.ge [sflag:s0], $0x10  }
0xcc: {  	[sflag:s0] =	ssyncset.done $0x0  }
0xcd: {  	s25 =	simm.s32 $0x8280;
	s26 =	rddreg [dreg:$0x8];
	[sflag:s0] =	ssyncadd.s32 $0xFFFFFFF0  }
0xce: {  	[tilespmem:s25], [sflag:$0x7] =	stream.linear.gather [hbm4b:s26+s7], $0x10, $0x38;
	[tilespmem:$0x1E380] =	vst v63  }
0xcf: {  	_ =	swait.ge [sflag:s0], $0x10  }
0xd0: {  	[sflag:s0] =	ssyncset.done $0x0  }
0xd1: {  	s17 =	simm.s32 $0x10;
	s26 =	simm.s32 $0x8300;
	[sflag:s0] =	ssyncadd.s32 $0xFFFFFFF0  }
0xd2: {  	[tilespmem:s26], [sflag:$0x1] =	stream.indirect.gather [hbm4b:s6+s17], $0x80, s22, s17, $0xb8;
	[tilespmem:$0x1E380] =	vst v63  }
0xd3: {  	_ =	swait.ge [sflag:s19], $0x800  }
0xd4: {  	[sflag:s19] =	ssyncset.done $0x0  }
0xd5: {  	[sflag:s19] =	ssyncadd.s32 $0xFFFFF800  }
0xd6: {  	[spmem:s1] =	stream.indirect.scatter.add.f32 [tilespmem:s26], [sflag:$0x7], $0x80, s25, s17, $0xb8;
	[tilespmem:$0x1E380] =	vst v63  }
0xd7: {  	s26 =	sadd.s32 $0x0, s2;
	_ =	swait.ge [sflag:s0], $0x800  }
0xd8: {  	p3 =	sgt.u32 s26, $0x9B;
	[sflag:s0] =	ssyncset.done $0x0  }
0xd9: {  	s7 =	simm.s32 @!p3 $0x8B00;
	[sflag:s0] =	ssyncadd.s32 $0xFFFFF800  }
0xda: {  	s22 =	simm.s32 @!p3 $0x8;
	p3 =	por p3, p3;
	[bflag:$0x0] =	sbarrier.arrive $0xFFFF  }
0xdb: {  	[tilespmem:s7], [sflag:$0x8] =	stream.linear.gather @!p3 [spmem:s16], $0x2000, $0x38;
	[tilespmem:$0x1E380] =	vst v63  }
0xdc: {  	s28 =	smov.u32 s21;
	s25 =	smov.u32 s16;
	_ =	swait.ge @!p3 [sflag:s22], $0x2000  }
0xdd: {  	s17 =	sadd.s32 $0x10, s2;
	s29 =	simm.s32 @!p3 $0x7;
	[sflag:s22] =	ssyncset.done @!p3 $0x0  }
0xde: {  	s16 =	rddreg [dreg:$0xf];
	[sflag:s22] =	ssyncadd.s32 @!p3 $0xFFFFE000;
	s22 =	simm.s32 @!p3 $0x0  }
0xdf: {  	[hbm4b:s16+s22] =	stream.linear.scatter @!p3 [tilespmem:s7], [sflag:$0x7], $0x2000, $0x38;
	[tilespmem:$0x1E380] =	vst v63  }
0xe0: {  	s26 =	simm.s32 $0x20;
	p4 =	sgt.u32 s17, $0x9B;
	_ =	swait.ge @!p3 [sflag:s29], $0x2000  }
0xe1: {  	s22 =	sadd.s32 $0x4000, s16;
	s16 =	smov.u32 s21;
	[sflag:s29] =	ssyncset.done @!p3 $0x0  }
.LBB2_6:
0xe2: {  	s7 =	simm.s32 @!p4 $0x8B00;
	s17 =	simm.s32 @!p4 $0x8;
	[sflag:s29] =	ssyncadd.s32 @!p3 $0xFFFFE000  }
0xe3: {  	s21 =	smov.u32 s26;
	p3 =	por p4, p4;
	s26 =	sadd.s32 $0x10, s26  }
0xe4: {  	[tilespmem:s7], [sflag:$0x8] =	stream.linear.gather @!p3 [spmem:s28], $0x2000, $0x38;
	[tilespmem:$0x1E380] =	vst v63  }
0xe5: {  	p5 =	sne.s32 s26, $0xA0;
	_ =	swait.ge @!p3 [sflag:s17], $0x2000  }
.Ltmp2:
0xe6: {  	[sflag:s17] =	ssyncset.done @!p3 $0x0;
	(pc) =	sbr.rel @p5 .LBB2_6-.Ltmp2, $4  }
0xe7: {  	s29 =	simm.s32 @!p3 $0x7;
	[sflag:s17] =	ssyncadd.s32 @!p3 $0xFFFFE000;
	s17 =	simm.s32 @!p3 $0x0  }
0xe8: {  	[hbm4b:s22+s17] =	stream.linear.scatter @!p3 [tilespmem:s7], [sflag:$0x7], $0x2000, $0x38;
	[tilespmem:$0x1E380] =	vst v63  }
0xe9: {  	s7 =	sadd.s32 s21, s2;
	s22 =	sadd.s32 $0x4000, s22;
	_ =	swait.ge @!p3 [sflag:s29], $0x2000  }
0xea: {  	s28 =	sadd.s32 $0x20000, s28;
	p4 =	sgt.u32 s7, $0x9B;
	[sflag:s29] =	ssyncset.done @!p3 $0x0  }
0xeb: {  	s7 =	simm.s32 @!p4 $0x8B00  }
0xec: {  	s17 =	simm.s32 @!p4 $0x8;
	[sflag:s29] =	ssyncadd.s32 @!p3 $0xFFFFE000;
	p3 =	por p4, p4  }
0xed: {  	[tilespmem:s7], [sflag:$0x8] =	stream.linear.gather @!p3 [spmem:s28], $0x2000, $0x38;
	[tilespmem:$0x1E380] =	vst v63  }
0xee: {  	_ =	swait.ge @!p3 [sflag:s17], $0x2000  }
0xef: {  	[sflag:s17] =	ssyncset.done @!p3 $0x0  }
0xf0: {  	s21 =	simm.s32 @!p3 $0x7;
	[sflag:s17] =	ssyncadd.s32 @!p3 $0xFFFFE000;
	s17 =	simm.s32 @!p3 $0x0  }
0xf1: {  	[hbm4b:s22+s17] =	stream.linear.scatter @!p3 [tilespmem:s7], [sflag:$0x7], $0x2000, $0x38;
	[tilespmem:$0x1E380] =	vst v63  }
0xf2: {  	_ =	swait.ge @!p3 [sflag:s21], $0x2000  }
0xf3: {  	s7 =	simm.s32 @!p2 $0x8B00;
	[sflag:s21] =	ssyncset.done @!p3 $0x0  }
0xf4: {  	s17 =	simm.s32 @!p2 $0x7;
	s28 =	rddreg [dreg:$0xb];
	[sflag:s21] =	ssyncadd.s32 @!p3 $0xFFFFE000  }
0xf5: {  	[tilespmem:s7], [sflag:$0x7] =	stream.linear.gather @!p2 [spmem:s28], $0x800, $0x38;
	[tilespmem:$0x1E380] =	vst v63  }
0xf6: {  	_ =	swait.ge @!p2 [sflag:s17], $0x800  }
0xf7: {  	[sflag:s17] =	ssyncset.done @!p2 $0x0  }
0xf8: {  	s21 =	simm.s32 @!p2 $0x0;
	s22 =	rddreg [dreg:$0x9];
	[sflag:s17] =	ssyncadd.s32 @!p2 $0xFFFFF800  }
0xf9: {  	[hbm4b:s22+s21] =	stream.linear.scatter @!p2 [tilespmem:s7], [sflag:$0x7], $0x800, $0x38;
	[tilespmem:$0x1E380] =	vst v63  }
0xfa: {  	_ =	swait.ge @!p2 [sflag:s17], $0x800  }
0xfb: {  	s30 =	sadd.s32 $0x1, s30;
	s29 =	rddreg [dreg:$0xa]  }
0xfc: {  	p3 =	sne.s32 s30, s29  }
.Ltmp3:
0xfd: {  	_ = 	snop;
	(pc) =	sbr.rel @p3 .LBB2_1-.Ltmp3, $3  }
0xfe: {  	_ =	sdelay $0x1  }
0xff: {  	[sflag:s17] =	ssyncset.done @!p2 $0x0  }
0x100: {  	s21 =	smov.u32 s16;
	s16 =	smov.u32 s25;
	[sflag:s17] =	ssyncadd.s32 @!p2 $0xFFFFF800  }
0x101: {  	_ =	sfence.sel $0x180000  }
0x102: {  	[bflag:$0x0] =	sbarrier.arrive $0xFFFF  }
0x103: {  	_ =	strace $0x9000004A  }
0x104: {  	[bflag:$0x2] =	sbarrier.arrive $0xFFFF  }
0x105: {  	p0 =	sne.s32 s2, $0x0;
	s0 =	rddreg [dreg:$0x2]  }
0x106: {  	s0 =	sadd.s32 @!p0 $0x100000, s0  }
0x107: {  	[sflag:s0] =	ssyncadd.tile.s32 @!p0 $0x1;
	_ =	shalt  }
.Lfunc_end2:
_tile_overlayer_lowered:
.L_overlay_start_2:
0x108: {  	(tag) =	ssettag $0x2  }
0x109: {  	s0 =	rddreg [dreg:$0x0];
	s2 =	stileid.u32  }
0x10a: {  	s1 =	rddreg [dreg:$0x1];
	p0 =	sne.s32 s2, $0x0  }
0x10b: {  	s3 =	rddreg [dreg:$0x2];
	[bflag:$0x3] =	sbarrier.arrive $0xFFFF;
	s2 =	simm.s32 @!p0 $0x1C07  }
0x10c: {  	[timem:s3], [sflag:s2] =	dma.local @!p0 [hbm:s0], s1  }
0x10d: {  	s0 =	simm.s32 @!p0 $0x7  }
0x10e: {  	_ =	swait.ge @!p0 [sflag:s0], s1  }
0x10f: {  	s1 =	ssub.s32 @!p0 $0x0, s1;
	[sflag:s0] =	ssyncset.done @!p0 $0x0  }
0x110: {  	[sflag:s0] =	ssyncadd.s32 @!p0 s1  }
0x111: {  	[bflag:$0x3] =	sbarrier.arrive $0xFFFF  }
0x112: {  	_ =	shalt  }

// kernel: closed_call.22.cloned.1.call-start
scs
__scs_entry_jumppad:
0x0: {  	(pc) =	sbr.rel $0x88, $3  }
0x1: {  	(tag) =	ssettag $0x0;
	lr =	simm.s32 $0x1  }
0x2: {  	[smem:$0x3F9D] =	sst lr;
	_ =	strace $0xD0000000  }
0x3: {  	_ = 	snop  }
0x4: {  	_ = 	snop  }
0x5: {  	_ = 	snop  }
0x6: {  	_ = 	snop  }
0x7: {  	_ = 	snop  }
__scs_overlays_trampoline_lowered:
0x8: {  	[smem:$0x3FAC] =	sst s0  }
0x9: {  	[smem:$0x3FAD] =	sst s1  }
0xa: {  	[smem:$0x3FAE] =	sst s2  }
0xb: {  	[smem:$0x3FAF] =	sst s3  }
0xc: {  	[smem:$0x3FB0] =	sst s4  }
0xd: {  	[smem:$0x3FB1] =	sst s5  }
0xe: {  	[smem:$0x3FB2] =	sst s6  }
0xf: {  	[smem:$0x3FB3] =	sst s7  }
0x10: {  	[smem:$0x3FB4] =	sst s8  }
0x11: {  	[smem:$0x3FB5] =	sst s9;
	s0 =	simm.s32 @!p0 $0x0  }
0x12: {  	s1 =	sld [smem:$0x3F9B];
	s0 =	simm.s32 @p0 $0x1  }
0x13: {  	[smem:$0x3FB6] =	sst s0;
	s0 =	simm.s32 @!p1 $0x0  }
0x14: {  	s2 =	sld [smem:$0x3F9A];
	s0 =	simm.s32 @p1 $0x1  }
0x15: {  	[smem:$0x3FB7] =	sst s0;
	s0 =	simm.s32 @!p2 $0x0  }
0x16: {  	s3 =	sld [smem:$0x3FDB];
	s0 =	simm.s32 @p2 $0x1  }
0x17: {  	s4 =	simm.s32 $0x1BF5;
	[smem:$0x3FB9] =	sst s0  }
0x18: {  	s0 =	sld [smem:$0x3F9C];
	_ =	swait.ge [sflag:s4], $0x0  }
0x19: {  	s7 =	sld [smem:$0x3F9D]  }
0x1a: {  	s8 =	sadd.s32 $0xFFFFE003, lr  }
0x1b: {  	s9 =	sadd.s32 $0xFFFFFEF7, lr;
	s5 =	simm.s32 $0xFFFFFFFF;
	p2 =	slt.u32 s8, $0xFFFFF086  }
0x1c: {  	p1 =	slt.u32 s9, $0xF7A;
	s5 =	simm.s32 @!p2 $0x0  }
0x1d: {  	s5 =	simm.s32 @p1 $0x1;
	p0 =	seq.s32 s7, s2  }
0x1e: {  	s7 =	smul.u32 @!p0 $0xF7A, s2;
	p2 =	seq.s32 @!p0 s5, $0x0  }
0x1f: {  	s9 =	smul.u32 $0xF7A, s1;
	s8 =	simm.s32 @!p0 $0x1BF5;
	p2 =	por !p2, p0  }
0x20: {  	[sflag:s8] =	ssyncset.s32 @!p0 $0xFFFFF086;
	s6 =	sadd.s32 @!p0 s3, s7;
	s7 =	simm.s32 @!p0 $0x108  }
0x21: {  	s3 =	sadd.s32 s3, s9;
	s6 =	sadd.s32 @!p0 $0x88, s6;
	s7 =	simm.s32 @p2 $0x1082  }
0x22: {  	[simem:s7], [sflag:s8] =	dma.local @!p0 [hbm:s6], $0xF7A  }
0x23: {  	s9 =	sor.u32 $0xD0000000, s2;
	s6 =	simm.s32 $0x108;
	_ =	swait.ge @!p0 [sflag:s8], $0x0  }
0x24: {  	s3 =	sadd.s32 $0x88, s3;
	s6 =	simm.s32 @!p1 $0x1082;
	[sflag:s4] =	ssyncset.s32 $0xFFFFF086  }
0x25: {  	[simem:s6], [sflag:s4] =	dma.local [hbm:s3], $0xF7A  }
0x26: {  	[smem:$0x3F9D] =	sst s1;
	(tag) =	ssettag s2;
	_ =	strace s9  }
0x27: {  	s1 =	sld [smem:$0x3FAD]  }
0x28: {  	s2 =	sld [smem:$0x3FAE]  }
0x29: {  	s4 =	sld [smem:$0x3FB0]  }
0x2a: {  	p0 =	seq.s32 s5, $0x0;
	s5 =	sld [smem:$0x3FB1]  }
0x2b: {  	s6 =	sld [smem:$0x3FB2]  }
0x2c: {  	s7 =	sld [smem:$0x3FB3]  }
0x2d: {  	s3 =	simm.s32 $0x108;
	s8 =	sld [smem:$0x3FB4]  }
0x2e: {  	s3 =	simm.s32 @!p0 $0x1082;
	s9 =	sld [smem:$0x3FB5]  }
0x2f: {  	lr =	sadd.s32 s0, s3;
	s0 =	sld [smem:$0x3FAC]  }
0x30: {  	s3 =	sld [smem:$0x3FAF]  }
0x31: {  	[smem:$0x3FB8] =	sst s10  }
0x32: {  	s10 =	sld [smem:$0x3FB6];
	_ =	sdelay $0x3  }
0x33: {  	p0 =	seq.s32 s10, $0x1;
	s10 =	sld [smem:$0x3FB8];
	_ =	sdelay $0x3  }
0x34: {  	[smem:$0x3FB8] =	sst s10  }
0x35: {  	s10 =	sld [smem:$0x3FB7];
	_ =	sdelay $0x3  }
0x36: {  	p1 =	seq.s32 s10, $0x1;
	s10 =	sld [smem:$0x3FB8];
	_ =	sdelay $0x3  }
0x37: {  	[smem:$0x3FB8] =	sst s10  }
0x38: {  	s10 =	sld [smem:$0x3FB9]  }
0x39: {  	_ = 	snop;
	(pc) =	sbr.ind lr, $3  }
0x3a: {  	_ = 	snop  }
0x3b: {  	_ = 	snop  }
0x3c: {  	p2 =	seq.s32 s10, $0x1;
	s10 =	sld [smem:$0x3FB8]  }
0x3d: {  	_ =	shalt  }
0x3e: {  	_ =	shalt  }
0x3f: {  	_ =	shalt  }
0x40: {  	_ =	shalt  }
0x41: {  	_ =	shalt  }
0x42: {  	_ =	shalt  }
0x43: {  	_ =	shalt  }
0x44: {  	_ =	shalt  }
0x45: {  	_ =	shalt  }
0x46: {  	_ =	shalt  }
0x47: {  	_ =	shalt  }
0x48: {  	_ =	shalt  }
0x49: {  	_ =	shalt  }
0x4a: {  	_ =	shalt  }
0x4b: {  	_ =	shalt  }
0x4c: {  	_ =	shalt  }
0x4d: {  	_ =	shalt  }
0x4e: {  	_ =	shalt  }
0x4f: {  	_ =	shalt  }
0x50: {  	_ =	shalt  }
0x51: {  	_ =	shalt  }
0x52: {  	_ =	shalt  }
0x53: {  	_ =	shalt  }
0x54: {  	_ =	shalt  }
0x55: {  	_ =	shalt  }
0x56: {  	_ =	shalt  }
0x57: {  	_ =	shalt  }
0x58: {  	_ =	shalt  }
0x59: {  	_ =	shalt  }
0x5a: {  	_ =	shalt  }
0x5b: {  	_ =	shalt  }
0x5c: {  	_ =	shalt  }
0x5d: {  	_ =	shalt  }
0x5e: {  	_ =	shalt  }
0x5f: {  	_ =	shalt  }
0x60: {  	_ =	shalt  }
0x61: {  	_ =	shalt  }
0x62: {  	_ =	shalt  }
0x63: {  	_ =	shalt  }
0x64: {  	_ =	shalt  }
0x65: {  	_ =	shalt  }
0x66: {  	_ =	shalt  }
0x67: {  	_ =	shalt  }
0x68: {  	_ =	shalt  }
0x69: {  	_ =	shalt  }
0x6a: {  	_ =	shalt  }
0x6b: {  	_ =	shalt  }
0x6c: {  	_ =	shalt  }
0x6d: {  	_ =	shalt  }
0x6e: {  	_ =	shalt  }
0x6f: {  	_ =	shalt  }
0x70: {  	_ =	shalt  }
0x71: {  	_ =	shalt  }
0x72: {  	_ =	shalt  }
0x73: {  	_ =	shalt  }
0x74: {  	_ =	shalt  }
0x75: {  	_ =	shalt  }
0x76: {  	_ =	shalt  }
0x77: {  	_ =	shalt  }
0x78: {  	_ =	shalt  }
0x79: {  	_ =	shalt  }
0x7a: {  	_ =	shalt  }
0x7b: {  	_ =	shalt  }
0x7c: {  	_ =	shalt  }
0x7d: {  	_ =	shalt  }
0x7e: {  	_ =	shalt  }
0x7f: {  	_ =	shalt  }
0x80: {  	_ =	shalt  }
0x81: {  	_ =	shalt  }
0x82: {  	_ =	shalt  }
0x83: {  	_ =	shalt  }
0x84: {  	_ =	shalt  }
0x85: {  	_ =	shalt  }
0x86: {  	_ =	shalt  }
0x87: {  	_ =	shalt  }
.Lfunc_end0:
.L_simem_size_0:
called_computation.1_lowered:
.L_overlay_start_0:
0x88: {  	s2 =	sld [smem:$0x3FD9]  }
0x89: {  	s3 =	sld [smem:$0x3FFE];
	_ =	sdelay $0x1  }
0x8a: {  	s1 =	srdreg.scid  }
0x8b: {  	s0 =	sand.u32 $0x1, s1  }
0x8c: {  	s16 =	sshll.u32 s0, $0xA;
	s2 =	sadd.s32 s3, s2  }
0x8d: {  	s2 =	sadd.s32 s2, s16  }
0x8e: {  	[smem:$0x3FC4] =	sst s2  }
0x8f: {  	_ = 	snop  }
0x90: {  	(tm) =	ssettm $0x1  }
0x91: {  	s17 =	sld [smem:$0x3FFB];
	_ =	sdelay $0x3  }
0x92: {  	_ =	strace s17  }
0x93: {  	s2 =	sld [smem:$0x3FFC];
	_ =	sdelay $0x3  }
0x94: {  	_ =	strace s2  }
0x95: {  	s2 =	sld [smem:$0x3FFD];
	_ =	sdelay $0x3  }
0x96: {  	_ =	strace s2  }
0x97: {  	_ =	strace $0x8FFFFFFF  }
0x98: {  	s18 =	sld [smem:$0x3FDB];
	_ =	sdelay $0x1  }
0x99: {  	s19 =	simm.s32 $_scs_section_size  }
0x9a: {  	s4 =	simm.s32 $_size__tile_overlayer_lowered;
	s5 =	simm.s32 $_tile_overlayer_lowered  }
0x9b: {  	s22 =	simm.s32 $0x1BFF;
	s21 =	sshll.u32 s5, $0x1;
	s2 =	sadd.s32 s19, s18  }
0x9c: {  	s6 =	simm.s32 $0x0;
	s20 =	sshll.u32 s4, $0x1;
	s4 =	sadd.s32 s21, s2  }
0x9d: {  	[timem:s6], [sflag:s22] =	dma.local [hbm:s4], s20  }
0x9e: {  	_ =	swait.ge [sflag:s22], s20  }
0x9f: {  	s3 =	ssub.s32 $0x0, s20;
	[sflag:s22] =	ssyncset.done $0x0  }
0xa0: {  	[sflag:s22] =	ssyncadd.s32 s3;
	_ =	sdelay $0x1  }
0xa1: {  	s23 =	simm.s32 $0x1B8B  }
0xa2: {  	_ =	swait.ge [sflag:s23], $0x1  }
0xa3: {  	[sflag:s23] =	ssyncset.done $0x0  }
0xa4: {  	s25 =	simm.s32 $0x1B8E;
	s24 =	sld [smem:$0x3FFE];
	[sflag:s23] =	ssyncadd.s32 $0xFFFFFFFF  }
0xa5: {  	s26 =	simm.s32 $execute0_lowered;
	[smem:$0x3FD2] =	sst s25  }
0xa6: {  	s4 =	sshll.u32 s26, $0x1;
	_ =	strace $0x8000004C;
	[dreg:$0x1] =	wrdreg $0xFFFFFFFF  }
0xa7: {  	s28 =	simm.s32 $_size_execute0_lowered;
	s2 =	sadd.s32 s2, s4;
	[dreg:$0x0] =	wrdreg $0x0  }
0xa8: {  	s4 =	sshll.u32 s28, $0x1;
	[dreg:$0x2] =	wrdreg s2  }
0xa9: {  	[dreg:$0x3] =	wrdreg s4  }
0xaa: {  	[dreg:$0x4] =	wrdreg $0xC0  }
0xab: {  	_ =	task [dreg:s6], $0x5FFFF  }
0xac: {  	[dreg:$0x1] =	wrdreg $0xFFFFFFFF  }
0xad: {  	[dreg:$0x0] =	wrdreg $0x60  }
0xae: {  	[dreg:$0x2] =	wrdreg s24  }
0xaf: {  	[dreg:$0x3] =	wrdreg $0xAB000  }
0xb0: {  	[dreg:$0x4] =	wrdreg $0x9  }
0xb1: {  	_ =	task.clear_ibuf [dreg:s6], $0x5FFFF;
	_ =	strace $0x9000004C  }
0xb2: {  	s29 =	simm.s32 $0x9;
	_ =	strace $0x8000004E  }
0xb3: {  	_ =	swait.ge [sflag:s29], $0x1  }
0xb4: {  	[sflag:s29] =	ssyncadd.s32 $0xFFFFFFFF  }
0xb5: {  	_ =	strace $0x9000004E  }
0xb6: {  	_ =	sfence  }
0xb7: {  	s30 =	sld [smem:$0x0];
	_ =	sdelay $0x2  }
0xb8: {  	s31 =	sshll.u32 s1, $0xD;
	s1 =	sshrl.u32 s1, $0x2  }
0xb9: {  	s3 =	sand.u32 $0x4000, s31;
	s1 =	sadd.s32 s1, s30  }
0xba: {  	s0 =	sor.u32 s3, s0;
	s1 =	sshll.u32 s1, $0x11  }
0xbb: {  	s0 =	sor.u32 s1, s0  }
0xbc: {  	s0 =	sadd.s32 $0x8F2B, s0  }
0xbd: {  	[sflag:s0] =	ssyncadd.remote.s32 $0x1  }
0xbe: {  	_ =	sfence.sel $0xFFFF  }
0xbf: {  	[dreg:$0x0] =	wrdreg $0xFFFFFFFF;
	(pc) =	sbr.abs _section_cstart, $3  }
0xc0: {  	[dreg:$0x1] =	wrdreg $0xFFFFFFFF  }
0xc1: {  	_ =	task.clear_ibuf [dreg:s6], $0x2FFFF;
	_ =	strace $0x9FFFFFFF  }
0xc2: {  	(tm) =	ssettm $0x7FFFFFFF  }
0xc3: {  	_ =	shalt  }
tec
execute0_lowered:
.L_overlay_start_1:
0x0: {  	(tag) =	ssettag $0x1  }
0x1: {  	s0 =	rddreg [dreg:$0x0]  }
0x2: {  	s1 =	rddreg [dreg:$0x1];
	s2 =	srdreg.scid;
	s3 =	simm.s32 $0x0  }
0x3: {  	s31 =	simm.s32 $0x8B00;
	s30 =	simm.s32 $0x0;
	s8 =	sand.u32 $0x1, s2  }
0x4: {  	[smem:$0x7FF] =	sst s3;
	s2 =	stileid.u32;
	s6 =	sadd.s32 $0x16800, s0  }
0x5: {  	s28 =	sadd.s32 $0x138000, s1;
	s4 =	sshll.u32 s8, $0x4;
	s12 =	smul.u32 $0x138800, s8  }
0x6: {  	_ =	strace $0x8000004D;
	s7 =	ssub.s32 $0x2, s8;
	s8 =	smul.u32 $0x27100, s8  }
0x7: {  	s25 =	sshll.u32 s2, $0xD;
	s29 =	smul.u32 $0x2710, s2;
	s15 =	sor.u32 $0x90, s2  }
0x8: {  	p2 =	sne.s32 s2, $0xC;
	[dreg:$0xb] =	wrdreg s28;
	s5 =	sor.u32 s2, s4  }
0x9: {  	s4 =	sadd.s32 $0xCA00, s0;
	s10 =	sshrl.u32 s7, $0x1;
	p0 =	sgt.u32 s15, $0x9B  }
0xa: {  	s9 =	smul.u32 $0x2710, s5;
	s5 =	sadd.s32 $0x2C00, s0;
	s0 =	sadd.s32 $0x8BE00, s0  }
0xb: {  	s10 =	ssub.s32 s7, s10;
	s20 =	sshrl.u32 s12, $0x3;
	s8 =	sadd.s32 s29, s8  }
0xc: {  	p1 =	sne.s32 @p0 s2, $0xC;
	s23 =	sadd.s32 s0, s20;
	s26 =	smax.u32 s10, $0x1  }
0xd: {  	s20 =	sadd.s32 $0x100, s8;
	p1 =	por p1, !p0;
	[dreg:$0xa] =	wrdreg s26  }
0xe: {  	s9 =	sshrl.u32 s9, $0x3;
	s24 =	sadd.s32 $0x27000, s23;
	[dreg:$0x11] =	wrdreg s20  }
0xf: {  	s10 =	simm.s32 $0x4;
	s16 =	sadd.s32 s4, s9;
	[dreg:$0x9] =	wrdreg s24  }
0x10: {  	s20 =	simm.s32 $0x2;
	s17 =	sadd.s32 s5, s9;
	[dreg:$0x3] =	wrdreg s16  }
0x11: {  	s11 =	sadd.s32 $0x10, s9;
	s9 =	sadd.s32 $0x4E0, s9;
	[dreg:$0x4] =	wrdreg s17  }
0x12: {  	s18 =	sadd.s32 s4, s11;
	s19 =	sadd.s32 s5, s11;
	s21 =	sadd.s32 s4, s9  }
0x13: {  	s22 =	sadd.s32 s5, s9;
	s16 =	sadd.s32 s25, s1;
	[dreg:$0x5] =	wrdreg s18  }
0x14: {  	s9 =	sadd.s32 s25, s12;
	s17 =	sadd.s32 $0x180, s8;
	[dreg:$0x6] =	wrdreg s19  }
0x15: {  	s8 =	simm.s32 $0x80;
	s12 =	simm.s32 $0x4100;
	[dreg:$0x7] =	wrdreg s21  }
0x16: {  	[dreg:$0x8] =	wrdreg s22;
	s21 =	sadd.s32 $0x20000, s16;
	s11 =	sadd.s32 $0x40000, s16  }
0x17: {  	s13 =	sadd.s32 $0x60000, s16;
	s14 =	sadd.s32 $0x80000, s16;
	[dreg:$0xc] =	wrdreg s11  }
0x18: {  	s9 =	sshrl.u32 s9, $0x3;
	s18 =	sshll.u32 s15, $0xD;
	[dreg:$0xd] =	wrdreg s13  }
0x19: {  	s19 =	sshrl.u32 s17, $0x3;
	s22 =	sadd.s32 $0xA0000, s16;
	[dreg:$0xe] =	wrdreg s14  }
0x1a: {  	s25 =	sadd.s32 $0xC0000, s16;
	s26 =	sadd.s32 $0xE0000, s16;
	[dreg:$0x12] =	wrdreg s22  }
0x1b: {  	s29 =	sadd.s32 $0x100000, s16;
	s15 =	simm.s32 $0x6;
	[dreg:$0x13] =	wrdreg s25  }
0x1c: {  	s0 =	sadd.s32 s9, s0;
	s23 =	sadd.s32 s19, s5;
	[dreg:$0x14] =	wrdreg s26  }
0x1d: {  	s24 =	sadd.s32 s19, s4;
	[dreg:$0x15] =	wrdreg s29;
	s9 =	simm.s32 $0x3  }
0x1e: {  	s11 =	simm.s32 $0x100;
	s13 =	simm.s32 $0x4180;
	s14 =	simm.s32 $0x5  }
0x1f: {  	s19 =	simm.s32 $0x1;
	[dreg:$0xf] =	wrdreg s0;
	s0 =	sadd.s32 s18, s1  }
0x20: {  	v0 =	vimm.f32 $0.0e+00;
	s18 =	simm.s32 $0x4200;
	[dreg:$0x10] =	wrdreg s0;
	s0 =	simm.s32 $0x7  }
.LBB2_1:
0x21: {  	s22 =	simm.s32 $0x0;
	s26 =	simm.s32 $0x200  }
.LBB2_2:
0x22: {  	p3 =	sne.s32 s26, $0x7E00;
	[tilespmem:s22+$0x8B70] =	vst v0  }
0x23: {  	[tilespmem:s22+$0x8B00] =	vst v0  }
0x24: {  	[tilespmem:s22+$0x8B10] =	vst v0  }
.Ltmp0:
0x25: {  	[tilespmem:s22+$0x8B20] =	vst v0;
	(pc) =	sbr.rel @p3 .LBB2_2-.Ltmp0, $4  }
0x26: {  	[tilespmem:s22+$0x8B30] =	vst v0  }
0x27: {  	[tilespmem:s22+$0x8B40] =	vst v0  }
0x28: {  	[tilespmem:s22+$0x8B50] =	vst v0  }
0x29: {  	[tilespmem:s22+$0x8B60] =	vst v0;
	s22 =	sshra.s32 s26, $0x2;
	s26 =	sadd.s32 $0x200, s26  }
0x2a: {  	[tilespmem:s22+$0x8B70] =	vst v0  }
0x2b: {  	[tilespmem:s22+$0x8B00] =	vst v0  }
0x2c: {  	[tilespmem:s22+$0x8B10] =	vst v0  }
0x2d: {  	[tilespmem:s22+$0x8B20] =	vst v0  }
0x2e: {  	[tilespmem:s22+$0x8B30] =	vst v0  }
0x2f: {  	[tilespmem:s22+$0x8B40] =	vst v0  }
0x30: {  	[tilespmem:s22+$0x8B50] =	vst v0  }
0x31: {  	[tilespmem:s22+$0x8B60] =	vst v0  }
0x32: {  	[spmem:s16] =	stream.linear.scatter [tilespmem:s31], [sflag:$0x7], $0x2000, $0x38;
	[tilespmem:$0x1E380] =	vst v63  }
0x33: {  	_ =	swait.ge [sflag:s0], $0x2000  }
0x34: {  	[sflag:s0] =	ssyncset.done $0x0  }
0x35: {  	[sflag:s0] =	ssyncadd.s32 $0xFFFFE000  }
0x36: {  	[spmem:s21] =	stream.linear.scatter [tilespmem:s31], [sflag:$0x7], $0x2000, $0x38;
	[tilespmem:$0x1E380] =	vst v63  }
0x37: {  	_ =	swait.ge [sflag:s0], $0x2000  }
0x38: {  	[sflag:s0] =	ssyncset.done $0x0  }
0x39: {  	s7 =	rddreg [dreg:$0xc];
	[sflag:s0] =	ssyncadd.s32 $0xFFFFE000  }
0x3a: {  	[spmem:s7] =	stream.linear.scatter [tilespmem:s31], [sflag:$0x7], $0x2000, $0x38;
	[tilespmem:$0x1E380] =	vst v63  }
0x3b: {  	_ =	swait.ge [sflag:s0], $0x2000  }
0x3c: {  	[sflag:s0] =	ssyncset.done $0x0  }
0x3d: {  	s29 =	rddreg [dreg:$0xd];
	[sflag:s0] =	ssyncadd.s32 $0xFFFFE000  }
0x3e: {  	[spmem:s29] =	stream.linear.scatter [tilespmem:s31], [sflag:$0x7], $0x2000, $0x38;
	[tilespmem:$0x1E380] =	vst v63  }
0x3f: {  	_ =	swait.ge [sflag:s0], $0x2000  }
0x40: {  	[sflag:s0] =	ssyncset.done $0x0  }
0x41: {  	s17 =	rddreg [dreg:$0xe];
	[sflag:s0] =	ssyncadd.s32 $0xFFFFE000  }
0x42: {  	[spmem:s17] =	stream.linear.scatter [tilespmem:s31], [sflag:$0x7], $0x2000, $0x38;
	[tilespmem:$0x1E380] =	vst v63  }
0x43: {  	_ =	swait.ge [sflag:s0], $0x2000  }
0x44: {  	[sflag:s0] =	ssyncset.done $0x0  }
0x45: {  	s22 =	rddreg [dreg:$0x12];
	[sflag:s0] =	ssyncadd.s32 $0xFFFFE000  }
0x46: {  	[spmem:s22] =	stream.linear.scatter [tilespmem:s31], [sflag:$0x7], $0x2000, $0x38;
	[tilespmem:$0x1E380] =	vst v63  }
0x47: {  	_ =	swait.ge [sflag:s0], $0x2000  }
0x48: {  	[sflag:s0] =	ssyncset.done $0x0  }
0x49: {  	s25 =	rddreg [dreg:$0x13];
	[sflag:s0] =	ssyncadd.s32 $0xFFFFE000  }
0x4a: {  	[spmem:s25] =	stream.linear.scatter [tilespmem:s31], [sflag:$0x7], $0x2000, $0x38;
	[tilespmem:$0x1E380] =	vst v63  }
0x4b: {  	_ =	swait.ge [sflag:s0], $0x2000  }
0x4c: {  	[sflag:s0] =	ssyncset.done $0x0  }
0x4d: {  	s26 =	rddreg [dreg:$0x14];
	[sflag:s0] =	ssyncadd.s32 $0xFFFFE000  }
0x4e: {  	[spmem:s26] =	stream.linear.scatter [tilespmem:s31], [sflag:$0x7], $0x2000, $0x38;
	[tilespmem:$0x1E380] =	vst v63  }
0x4f: {  	_ =	swait.ge [sflag:s0], $0x2000  }
0x50: {  	[sflag:s0] =	ssyncset.done $0x0  }
0x51: {  	s29 =	rddreg [dreg:$0x15];
	[sflag:s0] =	ssyncadd.s32 $0xFFFFE000  }
0x52: {  	[spmem:s29] =	stream.linear.scatter [tilespmem:s31], [sflag:$0x7], $0x2000, $0x38;
	[tilespmem:$0x1E380] =	vst v63  }
0x53: {  	_ =	swait.ge [sflag:s0], $0x2000  }
0x54: {  	[sflag:s0] =	ssyncset.done $0x0  }
0x55: {  	s22 =	simm.s32 @!p1 $0x8B00;
	[sflag:s0] =	ssyncadd.s32 $0xFFFFE000  }
0x56: {  	[spmem:s28] =	stream.linear.scatter @!p1 [tilespmem:s22], [sflag:$0x7], $0x800, $0x38;
	[tilespmem:$0x1E380] =	vst v63  }
0x57: {  	s22 =	simm.s32 @!p1 $0x7  }
0x58: {  	_ =	swait.ge @!p1 [sflag:s22], $0x800  }
0x59: {  	[sflag:s22] =	ssyncset.done @!p1 $0x0  }
0x5a: {  	s7 =	rddreg [dreg:$0x10];
	[sflag:s22] =	ssyncadd.s32 @!p1 $0xFFFFF800;
	s22 =	simm.s32 @!p0 $0x8B00  }
0x5b: {  	[spmem:s7] =	stream.linear.scatter @!p0 [tilespmem:s22], [sflag:$0x7], $0x2000, $0x38;
	[tilespmem:$0x1E380] =	vst v63  }
0x5c: {  	s22 =	simm.s32 @!p0 $0x7  }
0x5d: {  	_ =	swait.ge @!p0 [sflag:s22], $0x2000  }
0x5e: {  	[sflag:s22] =	ssyncset.done @!p0 $0x0  }
0x5f: {  	[sflag:s22] =	ssyncadd.s32 @!p0 $0xFFFFE000  }
0x60: {  	[bflag:$0x0] =	sbarrier.arrive $0xFFFF  }
0x61: {  	s22 =	simm.s32 $0x0;
	s17 =	rddreg [dreg:$0x3]  }
0x62: {  	[tilespmem:s22], [sflag:$0x3] =	stream.linear.gather [hbm4b:s17+s22], $0x80, $0x38;
	[tilespmem:$0x1E380] =	vst v63  }
0x63: {  	s25 =	rddreg [dreg:$0x4]  }
0x64: {  	[tilespmem:s8], [sflag:$0x4] =	stream.linear.gather [hbm4b:s25+s22], $0x80, $0x38;
	[tilespmem:$0x1E380] =	vst v63  }
0x65: {  	_ =	swait.ge [sflag:s9], $0x80  }
0x66: {  	[sflag:s9] =	ssyncset.done $0x0  }
0x67: {  	[sflag:s9] =	ssyncadd.s32 $0xFFFFFF80  }
0x68: {  	_ =	swait.ge [sflag:s10], $0x80  }
0x69: {  	[sflag:s10] =	ssyncset.done $0x0  }
0x6a: {  	[sflag:s10] =	ssyncadd.s32 $0xFFFFFF80  }
0x6b: {  	[tilespmem:s11], [sflag:$0x1] =	stream.indirect.gather [hbm4b:s6+s8], $0x80, s22, s8, $0xb8;
	[tilespmem:$0x1E380] =	vst v63  }
0x6c: {  	s26 =	rddreg [dreg:$0x5]  }
0x6d: {  	[tilespmem:s12], [sflag:$0x5] =	stream.linear.gather [hbm4b:s26+s22], $0x80, $0x38;
	[tilespmem:$0x1E380] =	vst v63  }
0x6e: {  	s29 =	rddreg [dreg:$0x6]  }
0x6f: {  	[tilespmem:s13], [sflag:$0x6] =	stream.linear.gather [hbm4b:s29+s22], $0x80, $0x38;
	[tilespmem:$0x1E380] =	vst v63  }
0x70: {  	_ =	swait.ge [sflag:s14], $0x80  }
0x71: {  	[sflag:s14] =	ssyncset.done $0x0  }
0x72: {  	[sflag:s14] =	ssyncadd.s32 $0xFFFFFF80  }
0x73: {  	_ =	swait.ge [sflag:s15], $0x80  }
0x74: {  	[sflag:s15] =	ssyncset.done $0x0  }
0x75: {  	[sflag:s15] =	ssyncadd.s32 $0xFFFFFF80  }
0x76: {  	[tilespmem:s18], [sflag:$0x2] =	stream.indirect.gather [hbm4b:s6+s8], $0x80, s12, s8, $0xb8;
	[tilespmem:$0x1E380] =	vst v63  }
0x77: {  	_ =	swait.ge [sflag:s19], $0x4000  }
0x78: {  	[sflag:s19] =	ssyncset.done $0x0  }
0x79: {  	[sflag:s19] =	ssyncadd.s32 $0xFFFFC000  }
0x7a: {  	[spmem:s1] =	stream.indirect.scatter.add.f32 [tilespmem:s11], [sflag:$0x7], $0x80, s8, s8, $0xb8;
	[tilespmem:$0x1E380] =	vst v63  }
0x7b: {  	_ =	swait.ge [sflag:s0], $0x4000  }
0x7c: {  	s17 =	rddreg [dreg:$0x11]  }
0x7d: {  	[sflag:s0] =	ssyncset.done $0x0;
	s25 =	sshrl.u32 s17, $0x3  }
0x7e: {  	[sflag:s0] =	ssyncadd.s32 $0xFFFFC000;
	s26 =	sadd.s32 s4, s25  }
0x7f: {  	[tilespmem:s3], [sflag:$0x3] =	stream.linear.gather [hbm4b:s26+s3], $0x80, $0x38;
	[tilespmem:$0x1E380] =	vst v63  }
0x80: {  	s22 =	sadd.s32 s5, s25  }
0x81: {  	[tilespmem:s8], [sflag:$0x4] =	stream.linear.gather [hbm4b:s22+s3], $0x80, $0x38;
	[tilespmem:$0x1E380] =	vst v63  }
0x82: {  	_ =	swait.ge [sflag:s9], $0x80  }
0x83: {  	[sflag:s9] =	ssyncset.done $0x0  }
0x84: {  	[sflag:s9] =	ssyncadd.s32 $0xFFFFFF80  }
0x85: {  	_ =	swait.ge [sflag:s10], $0x80  }
0x86: {  	[sflag:s10] =	ssyncset.done $0x0  }
0x87: {  	[sflag:s10] =	ssyncadd.s32 $0xFFFFFF80  }
0x88: {  	[tilespmem:s11], [sflag:$0x1] =	stream.indirect.gather [hbm4b:s6+s8], $0x80, s3, s8, $0xb8;
	[tilespmem:$0x1E380] =	vst v63  }
0x89: {  	_ =	swait.ge [sflag:s20], $0x4000  }
0x8a: {  	[sflag:s20] =	ssyncset.done $0x0  }
0x8b: {  	[sflag:s20] =	ssyncadd.s32 $0xFFFFC000  }
0x8c: {  	[spmem:s1] =	stream.indirect.scatter.add.f32 [tilespmem:s18], [sflag:$0x7], $0x80, s13, s8, $0xb8;
	[tilespmem:$0x1E380] =	vst v63  }
0x8d: {  	_ =	swait.ge [sflag:s0], $0x4000  }
0x8e: {  	s28 =	sadd.s32 $0x0, s23;
	s29 =	sadd.s32 $0x0, s24;
	[sflag:s0] =	ssyncset.done $0x0  }
0x8f: {  	s26 =	sadd.s32 $0x100, s17;
	s22 =	simm.s32 $0x20;
	[sflag:s0] =	ssyncadd.s32 $0xFFFFC000  }
0x90: {  	[tilespmem:s12], [sflag:$0x5] =	stream.linear.gather [hbm4b:s29+s3], $0x80, $0x38;
	[tilespmem:$0x1E380] =	vst v63  }
.LBB2_4:
0x91: {  	[tilespmem:s13], [sflag:$0x6] =	stream.linear.gather [hbm4b:s28+s3], $0x80, $0x38;
	[tilespmem:$0x1E380] =	vst v63  }
0x92: {  	s28 =	smov.u32 s22  }
0x93: {  	p3 =	sne.s32 s22, $0x4A0;
	s22 =	sadd.s32 $0x20, s22;
	_ =	swait.ge [sflag:s14], $0x80  }
0x94: {  	[sflag:s14] =	ssyncset.done $0x0  }
0x95: {  	[sflag:s14] =	ssyncadd.s32 $0xFFFFFF80  }
0x96: {  	_ =	swait.ge [sflag:s15], $0x80  }
0x97: {  	[sflag:s15] =	ssyncset.done $0x0  }
0x98: {  	[sflag:s15] =	ssyncadd.s32 $0xFFFFFF80  }
0x99: {  	[tilespmem:s18], [sflag:$0x2] =	stream.indirect.gather [hbm4b:s6+s8], $0x80, s12, s8, $0xb8;
	[tilespmem:$0x1E380] =	vst v63  }
0x9a: {  	_ =	swait.ge [sflag:s19], $0x4000  }
0x9b: {  	[sflag:s19] =	ssyncset.done $0x0  }
0x9c: {  	[sflag:s19] =	ssyncadd.s32 $0xFFFFC000  }
0x9d: {  	[spmem:s1] =	stream.indirect.scatter.add.f32 [tilespmem:s11], [sflag:$0x7], $0x80, s8, s8, $0xb8;
	[tilespmem:$0x1E380] =	vst v63  }
0x9e: {  	_ =	swait.ge [sflag:s0], $0x4000  }
0x9f: {  	s29 =	sshrl.u32 s26, $0x3;
	[sflag:s0] =	ssyncset.done $0x0  }
0xa0: {  	s7 =	sadd.s32 s4, s29;
	[sflag:s0] =	ssyncadd.s32 $0xFFFFC000  }
0xa1: {  	[tilespmem:s3], [sflag:$0x3] =	stream.linear.gather [hbm4b:s7+s3], $0x80, $0x38;
	[tilespmem:$0x1E380] =	vst v63  }
0xa2: {  	s7 =	sadd.s32 s5, s29  }
0xa3: {  	[tilespmem:s8], [sflag:$0x4] =	stream.linear.gather [hbm4b:s7+s3], $0x80, $0x38;
	[tilespmem:$0x1E380] =	vst v63  }
0xa4: {  	_ =	swait.ge [sflag:s9], $0x80  }
0xa5: {  	[sflag:s9] =	ssyncset.done $0x0  }
0xa6: {  	[sflag:s9] =	ssyncadd.s32 $0xFFFFFF80  }
0xa7: {  	_ =	swait.ge [sflag:s10], $0x80  }
0xa8: {  	[sflag:s10] =	ssyncset.done $0x0  }
0xa9: {  	[sflag:s10] =	ssyncadd.s32 $0xFFFFFF80  }
0xaa: {  	[tilespmem:s11], [sflag:$0x1] =	stream.indirect.gather [hbm4b:s6+s8], $0x80, s3, s8, $0xb8;
	[tilespmem:$0x1E380] =	vst v63  }
0xab: {  	_ =	swait.ge [sflag:s20], $0x4000  }
0xac: {  	[sflag:s20] =	ssyncset.done $0x0  }
0xad: {  	[sflag:s20] =	ssyncadd.s32 $0xFFFFC000  }
0xae: {  	[spmem:s1] =	stream.indirect.scatter.add.f32 [tilespmem:s18], [sflag:$0x7], $0x80, s13, s8, $0xb8;
	[tilespmem:$0x1E380] =	vst v63  }
.Ltmp1:
0xaf: {  	_ =	swait.ge [sflag:s0], $0x4000;
	(pc) =	sbr.rel @p3 .LBB2_4-.Ltmp1, $4  }
0xb0: {  	[sflag:s0] =	ssyncset.done $0x0  }
0xb1: {  	s7 =	sadd.s32 s28, s24;
	[sflag:s0] =	ssyncadd.s32 $0xFFFFC000  }
0xb2: {  	[tilespmem:s12], [sflag:$0x5] =	stream.linear.gather [hbm4b:s7+s3], $0x80, $0x38;
	[tilespmem:$0x1E380] =	vst v63  }
0xb3: {  	s26 =	sadd.s32 $0x100, s26;
	s28 =	sadd.s32 s28, s23  }
0xb4: {  	[tilespmem:s13], [sflag:$0x6] =	stream.linear.gather [hbm4b:s28+s3], $0x80, $0x38;
	[tilespmem:$0x1E380] =	vst v63  }
0xb5: {  	_ =	swait.ge [sflag:s14], $0x80  }
0xb6: {  	[sflag:s14] =	ssyncset.done $0x0  }
0xb7: {  	[sflag:s14] =	ssyncadd.s32 $0xFFFFFF80  }
0xb8: {  	_ =	swait.ge [sflag:s15], $0x80  }
0xb9: {  	[sflag:s15] =	ssyncset.done $0x0  }
0xba: {  	[sflag:s15] =	ssyncadd.s32 $0xFFFFFF80  }
0xbb: {  	[tilespmem:s18], [sflag:$0x2] =	stream.indirect.gather [hbm4b:s6+s8], $0x80, s12, s8, $0xb8;
	[tilespmem:$0x1E380] =	vst v63  }
0xbc: {  	_ =	swait.ge [sflag:s19], $0x4000  }
0xbd: {  	[sflag:s19] =	ssyncset.done $0x0  }
0xbe: {  	[sflag:s19] =	ssyncadd.s32 $0xFFFFC000  }
0xbf: {  	[spmem:s1] =	stream.indirect.scatter.add.f32 [tilespmem:s11], [sflag:$0x7], $0x80, s8, s8, $0xb8;
	[tilespmem:$0x1E380] =	vst v63  }
0xc0: {  	_ =	swait.ge [sflag:s0], $0x4000  }
0xc1: {  	[sflag:s0] =	ssyncset.done $0x0  }
0xc2: {  	[sflag:s0] =	ssyncadd.s32 $0xFFFFC000  }
0xc3: {  	_ =	swait.ge [sflag:s20], $0x4000  }
0xc4: {  	[sflag:s20] =	ssyncset.done $0x0  }
0xc5: {  	[sflag:s20] =	ssyncadd.s32 $0xFFFFC000  }
0xc6: {  	[spmem:s1] =	stream.indirect.scatter.add.f32 [tilespmem:s18], [sflag:$0x7], $0x80, s13, s8, $0xb8;
	[tilespmem:$0x1E380] =	vst v63  }
0xc7: {  	_ =	swait.ge [sflag:s0], $0x4000  }
0xc8: {  	s7 =	simm.s32 $0x0;
	[sflag:s0] =	ssyncset.done $0x0  }
0xc9: {  	s22 =	simm.s32 $0x8200;
	s17 =	rddreg [dreg:$0x7];
	[sflag:s0] =	ssyncadd.s32 $0xFFFFC000  }
0xca: {  	[tilespmem:s22], [sflag:$0x7] =	stream.linear.gather [hbm4b:s17+s7], $0x10, $0x38;
	[tilespmem:$0x1E380] =	vst v63  }
0xcb: {  	_ =	swait.ge [sflag:s0], $0x10  }
0xcc: {  	[sflag:s0] =	ssyncset.done $0x0  }
0xcd: {  	s25 =	simm.s32 $0x8280;
	s26 =	rddreg [dreg:$0x8];
	[sflag:s0] =	ssyncadd.s32 $0xFFFFFFF0  }
0xce: {  	[tilespmem:s25], [sflag:$0x7] =	stream.linear.gather [hbm4b:s26+s7], $0x10, $0x38;
	[tilespmem:$0x1E380] =	vst v63  }
0xcf: {  	_ =	swait.ge [sflag:s0], $0x10  }
0xd0: {  	[sflag:s0] =	ssyncset.done $0x0  }
0xd1: {  	s17 =	simm.s32 $0x10;
	s26 =	simm.s32 $0x8300;
	[sflag:s0] =	ssyncadd.s32 $0xFFFFFFF0  }
0xd2: {  	[tilespmem:s26], [sflag:$0x1] =	stream.indirect.gather [hbm4b:s6+s17], $0x80, s22, s17, $0xb8;
	[tilespmem:$0x1E380] =	vst v63  }
0xd3: {  	_ =	swait.ge [sflag:s19], $0x800  }
0xd4: {  	[sflag:s19] =	ssyncset.done $0x0  }
0xd5: {  	[sflag:s19] =	ssyncadd.s32 $0xFFFFF800  }
0xd6: {  	[spmem:s1] =	stream.indirect.scatter.add.f32 [tilespmem:s26], [sflag:$0x7], $0x80, s25, s17, $0xb8;
	[tilespmem:$0x1E380] =	vst v63  }
0xd7: {  	s26 =	sadd.s32 $0x0, s2;
	_ =	swait.ge [sflag:s0], $0x800  }
0xd8: {  	p3 =	sgt.u32 s26, $0x9B;
	[sflag:s0] =	ssyncset.done $0x0  }
0xd9: {  	s7 =	simm.s32 @!p3 $0x8B00;
	[sflag:s0] =	ssyncadd.s32 $0xFFFFF800  }
0xda: {  	s22 =	simm.s32 @!p3 $0x8;
	p3 =	por p3, p3;
	[bflag:$0x0] =	sbarrier.arrive $0xFFFF  }
0xdb: {  	[tilespmem:s7], [sflag:$0x8] =	stream.linear.gather @!p3 [spmem:s16], $0x2000, $0x38;
	[tilespmem:$0x1E380] =	vst v63  }
0xdc: {  	s28 =	smov.u32 s21;
	s25 =	smov.u32 s16;
	_ =	swait.ge @!p3 [sflag:s22], $0x2000  }
0xdd: {  	s17 =	sadd.s32 $0x10, s2;
	s29 =	simm.s32 @!p3 $0x7;
	[sflag:s22] =	ssyncset.done @!p3 $0x0  }
0xde: {  	s16 =	rddreg [dreg:$0xf];
	[sflag:s22] =	ssyncadd.s32 @!p3 $0xFFFFE000;
	s22 =	simm.s32 @!p3 $0x0  }
0xdf: {  	[hbm4b:s16+s22] =	stream.linear.scatter @!p3 [tilespmem:s7], [sflag:$0x7], $0x2000, $0x38;
	[tilespmem:$0x1E380] =	vst v63  }
0xe0: {  	s26 =	simm.s32 $0x20;
	p4 =	sgt.u32 s17, $0x9B;
	_ =	swait.ge @!p3 [sflag:s29], $0x2000  }
0xe1: {  	s22 =	sadd.s32 $0x4000, s16;
	s16 =	smov.u32 s21;
	[sflag:s29] =	ssyncset.done @!p3 $0x0  }
.LBB2_6:
0xe2: {  	s7 =	simm.s32 @!p4 $0x8B00;
	s17 =	simm.s32 @!p4 $0x8;
	[sflag:s29] =	ssyncadd.s32 @!p3 $0xFFFFE000  }
0xe3: {  	s21 =	smov.u32 s26;
	p3 =	por p4, p4;
	s26 =	sadd.s32 $0x10, s26  }
0xe4: {  	[tilespmem:s7], [sflag:$0x8] =	stream.linear.gather @!p3 [spmem:s28], $0x2000, $0x38;
	[tilespmem:$0x1E380] =	vst v63  }
0xe5: {  	p5 =	sne.s32 s26, $0xA0;
	_ =	swait.ge @!p3 [sflag:s17], $0x2000  }
.Ltmp2:
0xe6: {  	[sflag:s17] =	ssyncset.done @!p3 $0x0;
	(pc) =	sbr.rel @p5 .LBB2_6-.Ltmp2, $4  }
0xe7: {  	s29 =	simm.s32 @!p3 $0x7;
	[sflag:s17] =	ssyncadd.s32 @!p3 $0xFFFFE000;
	s17 =	simm.s32 @!p3 $0x0  }
0xe8: {  	[hbm4b:s22+s17] =	stream.linear.scatter @!p3 [tilespmem:s7], [sflag:$0x7], $0x2000, $0x38;
	[tilespmem:$0x1E380] =	vst v63  }
0xe9: {  	s7 =	sadd.s32 s21, s2;
	s22 =	sadd.s32 $0x4000, s22;
	_ =	swait.ge @!p3 [sflag:s29], $0x2000  }
0xea: {  	s28 =	sadd.s32 $0x20000, s28;
	p4 =	sgt.u32 s7, $0x9B;
	[sflag:s29] =	ssyncset.done @!p3 $0x0  }
0xeb: {  	s7 =	simm.s32 @!p4 $0x8B00  }
0xec: {  	s17 =	simm.s32 @!p4 $0x8;
	[sflag:s29] =	ssyncadd.s32 @!p3 $0xFFFFE000;
	p3 =	por p4, p4  }
0xed: {  	[tilespmem:s7], [sflag:$0x8] =	stream.linear.gather @!p3 [spmem:s28], $0x2000, $0x38;
	[tilespmem:$0x1E380] =	vst v63  }
0xee: {  	_ =	swait.ge @!p3 [sflag:s17], $0x2000  }
0xef: {  	[sflag:s17] =	ssyncset.done @!p3 $0x0  }
0xf0: {  	s21 =	simm.s32 @!p3 $0x7;
	[sflag:s17] =	ssyncadd.s32 @!p3 $0xFFFFE000;
	s17 =	simm.s32 @!p3 $0x0  }
0xf1: {  	[hbm4b:s22+s17] =	stream.linear.scatter @!p3 [tilespmem:s7], [sflag:$0x7], $0x2000, $0x38;
	[tilespmem:$0x1E380] =	vst v63  }
0xf2: {  	_ =	swait.ge @!p3 [sflag:s21], $0x2000  }
0xf3: {  	s7 =	simm.s32 @!p2 $0x8B00;
	[sflag:s21] =	ssyncset.done @!p3 $0x0  }
0xf4: {  	s17 =	simm.s32 @!p2 $0x7;
	s28 =	rddreg [dreg:$0xb];
	[sflag:s21] =	ssyncadd.s32 @!p3 $0xFFFFE000  }
0xf5: {  	[tilespmem:s7], [sflag:$0x7] =	stream.linear.gather @!p2 [spmem:s28], $0x800, $0x38;
	[tilespmem:$0x1E380] =	vst v63  }
0xf6: {  	_ =	swait.ge @!p2 [sflag:s17], $0x800  }
0xf7: {  	[sflag:s17] =	ssyncset.done @!p2 $0x0  }
0xf8: {  	s21 =	simm.s32 @!p2 $0x0;
	s22 =	rddreg [dreg:$0x9];
	[sflag:s17] =	ssyncadd.s32 @!p2 $0xFFFFF800  }
0xf9: {  	[hbm4b:s22+s21] =	stream.linear.scatter @!p2 [tilespmem:s7], [sflag:$0x7], $0x800, $0x38;
	[tilespmem:$0x1E380] =	vst v63  }
0xfa: {  	_ =	swait.ge @!p2 [sflag:s17], $0x800  }
0xfb: {  	s30 =	sadd.s32 $0x1, s30;
	s29 =	rddreg [dreg:$0xa]  }
0xfc: {  	p3 =	sne.s32 s30, s29  }
.Ltmp3:
0xfd: {  	_ = 	snop;
	(pc) =	sbr.rel @p3 .LBB2_1-.Ltmp3, $3  }
0xfe: {  	_ =	sdelay $0x1  }
0xff: {  	[sflag:s17] =	ssyncset.done @!p2 $0x0  }
0x100: {  	s21 =	smov.u32 s16;
	s16 =	smov.u32 s25;
	[sflag:s17] =	ssyncadd.s32 @!p2 $0xFFFFF800  }
0x101: {  	_ =	sfence.sel $0x180000  }
0x102: {  	[bflag:$0x0] =	sbarrier.arrive $0xFFFF  }
0x103: {  	_ =	strace $0x9000004D  }
0x104: {  	[bflag:$0x2] =	sbarrier.arrive $0xFFFF  }
0x105: {  	p0 =	sne.s32 s2, $0x0;
	s0 =	rddreg [dreg:$0x2]  }
0x106: {  	s0 =	sadd.s32 @!p0 $0x100000, s0  }
0x107: {  	[sflag:s0] =	ssyncadd.tile.s32 @!p0 $0x1;
	_ =	shalt  }
.Lfunc_end2:
_tile_overlayer_lowered:
.L_overlay_start_2:
0x108: {  	(tag) =	ssettag $0x2  }
0x109: {  	s0 =	rddreg [dreg:$0x0];
	s2 =	stileid.u32  }
0x10a: {  	s1 =	rddreg [dreg:$0x1];
	p0 =	sne.s32 s2, $0x0  }
0x10b: {  	s3 =	rddreg [dreg:$0x2];
	[bflag:$0x3] =	sbarrier.arrive $0xFFFF;
	s2 =	simm.s32 @!p0 $0x1C07  }
0x10c: {  	[timem:s3], [sflag:s2] =	dma.local @!p0 [hbm:s0], s1  }
0x10d: {  	s0 =	simm.s32 @!p0 $0x7  }
0x10e: {  	_ =	swait.ge @!p0 [sflag:s0], s1  }
0x10f: {  	s1 =	ssub.s32 @!p0 $0x0, s1;
	[sflag:s0] =	ssyncset.done @!p0 $0x0  }
0x110: {  	[sflag:s0] =	ssyncadd.s32 @!p0 s1  }
0x111: {  	[bflag:$0x3] =	sbarrier.arrive $0xFFFF  }
0x112: {  	_ =	shalt  }

// kernel: kernel.4.cloned.1.call-start
scs
__scs_entry_jumppad:
0x0: {  	(pc) =	sbr.rel $0x88, $3  }
0x1: {  	(tag) =	ssettag $0x0;
	lr =	simm.s32 $0x1  }
0x2: {  	[smem:$0x3F9D] =	sst lr;
	_ =	strace $0xD0000000  }
0x3: {  	_ = 	snop  }
0x4: {  	_ = 	snop  }
0x5: {  	_ = 	snop  }
0x6: {  	_ = 	snop  }
0x7: {  	_ = 	snop  }
__scs_overlays_trampoline_lowered:
0x8: {  	[smem:$0x3FAC] =	sst s0  }
0x9: {  	[smem:$0x3FAD] =	sst s1  }
0xa: {  	[smem:$0x3FAE] =	sst s2  }
0xb: {  	[smem:$0x3FAF] =	sst s3  }
0xc: {  	[smem:$0x3FB0] =	sst s4  }
0xd: {  	[smem:$0x3FB1] =	sst s5  }
0xe: {  	[smem:$0x3FB2] =	sst s6  }
0xf: {  	[smem:$0x3FB3] =	sst s7  }
0x10: {  	[smem:$0x3FB4] =	sst s8  }
0x11: {  	[smem:$0x3FB5] =	sst s9;
	s0 =	simm.s32 @!p0 $0x0  }
0x12: {  	s1 =	sld [smem:$0x3F9B];
	s0 =	simm.s32 @p0 $0x1  }
0x13: {  	[smem:$0x3FB6] =	sst s0;
	s0 =	simm.s32 @!p1 $0x0  }
0x14: {  	s2 =	sld [smem:$0x3F9A];
	s0 =	simm.s32 @p1 $0x1  }
0x15: {  	[smem:$0x3FB7] =	sst s0;
	s0 =	simm.s32 @!p2 $0x0  }
0x16: {  	s3 =	sld [smem:$0x3FDB];
	s0 =	simm.s32 @p2 $0x1  }
0x17: {  	s4 =	simm.s32 $0x1BF5;
	[smem:$0x3FB9] =	sst s0  }
0x18: {  	s0 =	sld [smem:$0x3F9C];
	_ =	swait.ge [sflag:s4], $0x0  }
0x19: {  	s7 =	sld [smem:$0x3F9D]  }
0x1a: {  	s8 =	sadd.s32 $0xFFFFE003, lr  }
0x1b: {  	s9 =	sadd.s32 $0xFFFFFEF7, lr;
	s5 =	simm.s32 $0xFFFFFFFF;
	p2 =	slt.u32 s8, $0xFFFFF086  }
0x1c: {  	p1 =	slt.u32 s9, $0xF7A;
	s5 =	simm.s32 @!p2 $0x0  }
0x1d: {  	s5 =	simm.s32 @p1 $0x1;
	p0 =	seq.s32 s7, s2  }
0x1e: {  	s7 =	smul.u32 @!p0 $0xF7A, s2;
	p2 =	seq.s32 @!p0 s5, $0x0  }
0x1f: {  	s9 =	smul.u32 $0xF7A, s1;
	s8 =	simm.s32 @!p0 $0x1BF5;
	p2 =	por !p2, p0  }
0x20: {  	[sflag:s8] =	ssyncset.s32 @!p0 $0xFFFFF086;
	s6 =	sadd.s32 @!p0 s3, s7;
	s7 =	simm.s32 @!p0 $0x108  }
0x21: {  	s3 =	sadd.s32 s3, s9;
	s6 =	sadd.s32 @!p0 $0x88, s6;
	s7 =	simm.s32 @p2 $0x1082  }
0x22: {  	[simem:s7], [sflag:s8] =	dma.local @!p0 [hbm:s6], $0xF7A  }
0x23: {  	s9 =	sor.u32 $0xD0000000, s2;
	s6 =	simm.s32 $0x108;
	_ =	swait.ge @!p0 [sflag:s8], $0x0  }
0x24: {  	s3 =	sadd.s32 $0x88, s3;
	s6 =	simm.s32 @!p1 $0x1082;
	[sflag:s4] =	ssyncset.s32 $0xFFFFF086  }
0x25: {  	[simem:s6], [sflag:s4] =	dma.local [hbm:s3], $0xF7A  }
0x26: {  	[smem:$0x3F9D] =	sst s1;
	(tag) =	ssettag s2;
	_ =	strace s9  }
0x27: {  	s1 =	sld [smem:$0x3FAD]  }
0x28: {  	s2 =	sld [smem:$0x3FAE]  }
0x29: {  	s4 =	sld [smem:$0x3FB0]  }
0x2a: {  	p0 =	seq.s32 s5, $0x0;
	s5 =	sld [smem:$0x3FB1]  }
0x2b: {  	s6 =	sld [smem:$0x3FB2]  }
0x2c: {  	s7 =	sld [smem:$0x3FB3]  }
0x2d: {  	s3 =	simm.s32 $0x108;
	s8 =	sld [smem:$0x3FB4]  }
0x2e: {  	s3 =	simm.s32 @!p0 $0x1082;
	s9 =	sld [smem:$0x3FB5]  }
0x2f: {  	lr =	sadd.s32 s0, s3;
	s0 =	sld [smem:$0x3FAC]  }
0x30: {  	s3 =	sld [smem:$0x3FAF]  }
0x31: {  	[smem:$0x3FB8] =	sst s10  }
0x32: {  	s10 =	sld [smem:$0x3FB6];
	_ =	sdelay $0x3  }
0x33: {  	p0 =	seq.s32 s10, $0x1;
	s10 =	sld [smem:$0x3FB8];
	_ =	sdelay $0x3  }
0x34: {  	[smem:$0x3FB8] =	sst s10  }
0x35: {  	s10 =	sld [smem:$0x3FB7];
	_ =	sdelay $0x3  }
0x36: {  	p1 =	seq.s32 s10, $0x1;
	s10 =	sld [smem:$0x3FB8];
	_ =	sdelay $0x3  }
0x37: {  	[smem:$0x3FB8] =	sst s10  }
0x38: {  	s10 =	sld [smem:$0x3FB9]  }
0x39: {  	_ = 	snop;
	(pc) =	sbr.ind lr, $3  }
0x3a: {  	_ = 	snop  }
0x3b: {  	_ = 	snop  }
0x3c: {  	p2 =	seq.s32 s10, $0x1;
	s10 =	sld [smem:$0x3FB8]  }
0x3d: {  	_ =	shalt  }
0x3e: {  	_ =	shalt  }
0x3f: {  	_ =	shalt  }
0x40: {  	_ =	shalt  }
0x41: {  	_ =	shalt  }
0x42: {  	_ =	shalt  }
0x43: {  	_ =	shalt  }
0x44: {  	_ =	shalt  }
0x45: {  	_ =	shalt  }
0x46: {  	_ =	shalt  }
0x47: {  	_ =	shalt  }
0x48: {  	_ =	shalt  }
0x49: {  	_ =	shalt  }
0x4a: {  	_ =	shalt  }
0x4b: {  	_ =	shalt  }
0x4c: {  	_ =	shalt  }
0x4d: {  	_ =	shalt  }
0x4e: {  	_ =	shalt  }
0x4f: {  	_ =	shalt  }
0x50: {  	_ =	shalt  }
0x51: {  	_ =	shalt  }
0x52: {  	_ =	shalt  }
0x53: {  	_ =	shalt  }
0x54: {  	_ =	shalt  }
0x55: {  	_ =	shalt  }
0x56: {  	_ =	shalt  }
0x57: {  	_ =	shalt  }
0x58: {  	_ =	shalt  }
0x59: {  	_ =	shalt  }
0x5a: {  	_ =	shalt  }
0x5b: {  	_ =	shalt  }
0x5c: {  	_ =	shalt  }
0x5d: {  	_ =	shalt  }
0x5e: {  	_ =	shalt  }
0x5f: {  	_ =	shalt  }
0x60: {  	_ =	shalt  }
0x61: {  	_ =	shalt  }
0x62: {  	_ =	shalt  }
0x63: {  	_ =	shalt  }
0x64: {  	_ =	shalt  }
0x65: {  	_ =	shalt  }
0x66: {  	_ =	shalt  }
0x67: {  	_ =	shalt  }
0x68: {  	_ =	shalt  }
0x69: {  	_ =	shalt  }
0x6a: {  	_ =	shalt  }
0x6b: {  	_ =	shalt  }
0x6c: {  	_ =	shalt  }
0x6d: {  	_ =	shalt  }
0x6e: {  	_ =	shalt  }
0x6f: {  	_ =	shalt  }
0x70: {  	_ =	shalt  }
0x71: {  	_ =	shalt  }
0x72: {  	_ =	shalt  }
0x73: {  	_ =	shalt  }
0x74: {  	_ =	shalt  }
0x75: {  	_ =	shalt  }
0x76: {  	_ =	shalt  }
0x77: {  	_ =	shalt  }
0x78: {  	_ =	shalt  }
0x79: {  	_ =	shalt  }
0x7a: {  	_ =	shalt  }
0x7b: {  	_ =	shalt  }
0x7c: {  	_ =	shalt  }
0x7d: {  	_ =	shalt  }
0x7e: {  	_ =	shalt  }
0x7f: {  	_ =	shalt  }
0x80: {  	_ =	shalt  }
0x81: {  	_ =	shalt  }
0x82: {  	_ =	shalt  }
0x83: {  	_ =	shalt  }
0x84: {  	_ =	shalt  }
0x85: {  	_ =	shalt  }
0x86: {  	_ =	shalt  }
0x87: {  	_ =	shalt  }
.Lfunc_end0:
.L_simem_size_0:
called_computation.2_lowered:
.L_overlay_start_0:
0x88: {  	s2 =	sld [smem:$0x3FD9]  }
0x89: {  	s3 =	sld [smem:$0x3FFE];
	_ =	sdelay $0x1  }
0x8a: {  	s1 =	srdreg.scid  }
0x8b: {  	s0 =	sand.u32 $0x1, s1  }
0x8c: {  	s16 =	sshll.u32 s0, $0xA;
	s2 =	sadd.s32 s3, s2  }
0x8d: {  	s2 =	sadd.s32 s2, s16  }
0x8e: {  	[smem:$0x3FC4] =	sst s2  }
0x8f: {  	_ = 	snop  }
0x90: {  	(tm) =	ssettm $0x1  }
0x91: {  	s17 =	sld [smem:$0x3FFB];
	_ =	sdelay $0x3  }
0x92: {  	_ =	strace s17  }
0x93: {  	s2 =	sld [smem:$0x3FFC];
	_ =	sdelay $0x3  }
0x94: {  	_ =	strace s2  }
0x95: {  	s2 =	sld [smem:$0x3FFD];
	_ =	sdelay $0x3  }
0x96: {  	_ =	strace s2  }
0x97: {  	_ =	strace $0x8FFFFFFF  }
0x98: {  	s18 =	sld [smem:$0x3FDB];
	_ =	sdelay $0x1  }
0x99: {  	s19 =	simm.s32 $_scs_section_size  }
0x9a: {  	s4 =	simm.s32 $_size__tile_overlayer_lowered;
	s5 =	simm.s32 $_tile_overlayer_lowered  }
0x9b: {  	s22 =	simm.s32 $0x1BFF;
	s21 =	sshll.u32 s5, $0x1;
	s2 =	sadd.s32 s19, s18  }
0x9c: {  	s6 =	simm.s32 $0x0;
	s20 =	sshll.u32 s4, $0x1;
	s4 =	sadd.s32 s21, s2  }
0x9d: {  	[timem:s6], [sflag:s22] =	dma.local [hbm:s4], s20  }
0x9e: {  	_ =	swait.ge [sflag:s22], s20  }
0x9f: {  	s3 =	ssub.s32 $0x0, s20;
	[sflag:s22] =	ssyncset.done $0x0  }
0xa0: {  	[sflag:s22] =	ssyncadd.s32 s3;
	_ =	sdelay $0x1  }
0xa1: {  	s23 =	simm.s32 $0x1B8B  }
0xa2: {  	_ =	swait.ge [sflag:s23], $0x1  }
0xa3: {  	[sflag:s23] =	ssyncset.done $0x0  }
0xa4: {  	s25 =	simm.s32 $0x1B8E;
	s24 =	sld [smem:$0x3FFE];
	[sflag:s23] =	ssyncadd.s32 $0xFFFFFFFF  }
0xa5: {  	s26 =	simm.s32 $execute0_lowered;
	[smem:$0x3FD2] =	sst s25  }
0xa6: {  	s4 =	sshll.u32 s26, $0x1;
	_ =	strace $0x80000046;
	[dreg:$0x1] =	wrdreg $0xFFFFFFFF  }
0xa7: {  	s28 =	simm.s32 $_size_execute0_lowered;
	s2 =	sadd.s32 s2, s4;
	[dreg:$0x0] =	wrdreg $0x0  }
0xa8: {  	s4 =	sshll.u32 s28, $0x1;
	[dreg:$0x2] =	wrdreg s2  }
0xa9: {  	[dreg:$0x3] =	wrdreg s4  }
0xaa: {  	[dreg:$0x4] =	wrdreg $0xC0  }
0xab: {  	_ =	task [dreg:s6], $0x5FFFF  }
0xac: {  	[dreg:$0x1] =	wrdreg $0xFFFFFFFF  }
0xad: {  	[dreg:$0x0] =	wrdreg $0x60  }
0xae: {  	[dreg:$0x2] =	wrdreg s24  }
0xaf: {  	[dreg:$0x3] =	wrdreg $0xAB000  }
0xb0: {  	[dreg:$0x4] =	wrdreg $0x9  }
0xb1: {  	_ =	task.clear_ibuf [dreg:s6], $0x5FFFF;
	_ =	strace $0x90000046  }
0xb2: {  	s29 =	simm.s32 $0x9;
	_ =	strace $0x80000048  }
0xb3: {  	_ =	swait.ge [sflag:s29], $0x1  }
0xb4: {  	[sflag:s29] =	ssyncadd.s32 $0xFFFFFFFF  }
0xb5: {  	_ =	strace $0x90000048  }
0xb6: {  	_ =	sfence  }
0xb7: {  	s30 =	sld [smem:$0x0];
	_ =	sdelay $0x2  }
0xb8: {  	s31 =	sshll.u32 s1, $0xD;
	s1 =	sshrl.u32 s1, $0x2  }
0xb9: {  	s3 =	sand.u32 $0x4000, s31;
	s1 =	sadd.s32 s1, s30  }
0xba: {  	s0 =	sor.u32 s3, s0;
	s1 =	sshll.u32 s1, $0x11  }
0xbb: {  	s0 =	sor.u32 s1, s0  }
0xbc: {  	s0 =	sadd.s32 $0x8F2B, s0  }
0xbd: {  	[sflag:s0] =	ssyncadd.remote.s32 $0x1  }
0xbe: {  	_ =	sfence.sel $0xFFFF  }
0xbf: {  	[dreg:$0x0] =	wrdreg $0xFFFFFFFF;
	(pc) =	sbr.abs _section_cstart, $3  }
0xc0: {  	[dreg:$0x1] =	wrdreg $0xFFFFFFFF  }
0xc1: {  	_ =	task.clear_ibuf [dreg:s6], $0x2FFFF;
	_ =	strace $0x9FFFFFFF  }
0xc2: {  	(tm) =	ssettm $0x7FFFFFFF  }
0xc3: {  	_ =	shalt  }
tec
execute0_lowered:
.L_overlay_start_1:
0x0: {  	(tag) =	ssettag $0x1  }
0x1: {  	s0 =	rddreg [dreg:$0x0]  }
0x2: {  	s1 =	rddreg [dreg:$0x1];
	s2 =	srdreg.scid;
	s3 =	simm.s32 $0x0  }
0x3: {  	s31 =	simm.s32 $0x8B00;
	s30 =	simm.s32 $0x0;
	s8 =	sand.u32 $0x1, s2  }
0x4: {  	[smem:$0x7FF] =	sst s3;
	s2 =	stileid.u32;
	s6 =	sadd.s32 $0x16800, s0  }
0x5: {  	s28 =	sadd.s32 $0x138000, s1;
	s4 =	sshll.u32 s8, $0x4;
	s12 =	smul.u32 $0x138800, s8  }
0x6: {  	_ =	strace $0x80000047;
	s7 =	ssub.s32 $0x2, s8;
	s8 =	smul.u32 $0x27100, s8  }
0x7: {  	s25 =	sshll.u32 s2, $0xD;
	s29 =	smul.u32 $0x2710, s2;
	s15 =	sor.u32 $0x90, s2  }
0x8: {  	p2 =	sne.s32 s2, $0xC;
	[dreg:$0xb] =	wrdreg s28;
	s5 =	sor.u32 s2, s4  }
0x9: {  	s4 =	sadd.s32 $0xCA00, s0;
	s10 =	sshrl.u32 s7, $0x1;
	p0 =	sgt.u32 s15, $0x9B  }
0xa: {  	s9 =	smul.u32 $0x2710, s5;
	s5 =	sadd.s32 $0x2C00, s0;
	s0 =	sadd.s32 $0x3DA00, s0  }
0xb: {  	s10 =	ssub.s32 s7, s10;
	s20 =	sshrl.u32 s12, $0x3;
	s8 =	sadd.s32 s29, s8  }
0xc: {  	p1 =	sne.s32 @p0 s2, $0xC;
	s23 =	sadd.s32 s0, s20;
	s26 =	smax.u32 s10, $0x1  }
0xd: {  	s20 =	sadd.s32 $0x100, s8;
	p1 =	por p1, !p0;
	[dreg:$0xa] =	wrdreg s26  }
0xe: {  	s9 =	sshrl.u32 s9, $0x3;
	s24 =	sadd.s32 $0x27000, s23;
	[dreg:$0x11] =	wrdreg s20  }
0xf: {  	s10 =	simm.s32 $0x4;
	s16 =	sadd.s32 s4, s9;
	[dreg:$0x9] =	wrdreg s24  }
0x10: {  	s20 =	simm.s32 $0x2;
	s17 =	sadd.s32 s5, s9;
	[dreg:$0x3] =	wrdreg s16  }
0x11: {  	s11 =	sadd.s32 $0x10, s9;
	s9 =	sadd.s32 $0x4E0, s9;
	[dreg:$0x4] =	wrdreg s17  }
0x12: {  	s18 =	sadd.s32 s4, s11;
	s19 =	sadd.s32 s5, s11;
	s21 =	sadd.s32 s4, s9  }
0x13: {  	s22 =	sadd.s32 s5, s9;
	s16 =	sadd.s32 s25, s1;
	[dreg:$0x5] =	wrdreg s18  }
0x14: {  	s9 =	sadd.s32 s25, s12;
	s17 =	sadd.s32 $0x180, s8;
	[dreg:$0x6] =	wrdreg s19  }
0x15: {  	s8 =	simm.s32 $0x80;
	s12 =	simm.s32 $0x4100;
	[dreg:$0x7] =	wrdreg s21  }
0x16: {  	[dreg:$0x8] =	wrdreg s22;
	s21 =	sadd.s32 $0x20000, s16;
	s11 =	sadd.s32 $0x40000, s16  }
0x17: {  	s13 =	sadd.s32 $0x60000, s16;
	s14 =	sadd.s32 $0x80000, s16;
	[dreg:$0xc] =	wrdreg s11  }
0x18: {  	s9 =	sshrl.u32 s9, $0x3;
	s18 =	sshll.u32 s15, $0xD;
	[dreg:$0xd] =	wrdreg s13  }
0x19: {  	s19 =	sshrl.u32 s17, $0x3;
	s22 =	sadd.s32 $0xA0000, s16;
	[dreg:$0xe] =	wrdreg s14  }
0x1a: {  	s25 =	sadd.s32 $0xC0000, s16;
	s26 =	sadd.s32 $0xE0000, s16;
	[dreg:$0x12] =	wrdreg s22  }
0x1b: {  	s29 =	sadd.s32 $0x100000, s16;
	s15 =	simm.s32 $0x6;
	[dreg:$0x13] =	wrdreg s25  }
0x1c: {  	s0 =	sadd.s32 s9, s0;
	s23 =	sadd.s32 s19, s5;
	[dreg:$0x14] =	wrdreg s26  }
0x1d: {  	s24 =	sadd.s32 s19, s4;
	[dreg:$0x15] =	wrdreg s29;
	s9 =	simm.s32 $0x3  }
0x1e: {  	s11 =	simm.s32 $0x100;
	s13 =	simm.s32 $0x4180;
	s14 =	simm.s32 $0x5  }
0x1f: {  	s19 =	simm.s32 $0x1;
	[dreg:$0xf] =	wrdreg s0;
	s0 =	sadd.s32 s18, s1  }
0x20: {  	v0 =	vimm.f32 $0.0e+00;
	s18 =	simm.s32 $0x4200;
	[dreg:$0x10] =	wrdreg s0;
	s0 =	simm.s32 $0x7  }
.LBB2_1:
0x21: {  	s22 =	simm.s32 $0x0;
	s26 =	simm.s32 $0x200  }
.LBB2_2:
0x22: {  	p3 =	sne.s32 s26, $0x7E00;
	[tilespmem:s22+$0x8B70] =	vst v0  }
0x23: {  	[tilespmem:s22+$0x8B00] =	vst v0  }
0x24: {  	[tilespmem:s22+$0x8B10] =	vst v0  }
.Ltmp0:
0x25: {  	[tilespmem:s22+$0x8B20] =	vst v0;
	(pc) =	sbr.rel @p3 .LBB2_2-.Ltmp0, $4  }
0x26: {  	[tilespmem:s22+$0x8B30] =	vst v0  }
0x27: {  	[tilespmem:s22+$0x8B40] =	vst v0  }
0x28: {  	[tilespmem:s22+$0x8B50] =	vst v0  }
0x29: {  	[tilespmem:s22+$0x8B60] =	vst v0;
	s22 =	sshra.s32 s26, $0x2;
	s26 =	sadd.s32 $0x200, s26  }
0x2a: {  	[tilespmem:s22+$0x8B70] =	vst v0  }
0x2b: {  	[tilespmem:s22+$0x8B00] =	vst v0  }
0x2c: {  	[tilespmem:s22+$0x8B10] =	vst v0  }
0x2d: {  	[tilespmem:s22+$0x8B20] =	vst v0  }
0x2e: {  	[tilespmem:s22+$0x8B30] =	vst v0  }
0x2f: {  	[tilespmem:s22+$0x8B40] =	vst v0  }
0x30: {  	[tilespmem:s22+$0x8B50] =	vst v0  }
0x31: {  	[tilespmem:s22+$0x8B60] =	vst v0  }
0x32: {  	[spmem:s16] =	stream.linear.scatter [tilespmem:s31], [sflag:$0x7], $0x2000, $0x38;
	[tilespmem:$0x1E380] =	vst v63  }
0x33: {  	_ =	swait.ge [sflag:s0], $0x2000  }
0x34: {  	[sflag:s0] =	ssyncset.done $0x0  }
0x35: {  	[sflag:s0] =	ssyncadd.s32 $0xFFFFE000  }
0x36: {  	[spmem:s21] =	stream.linear.scatter [tilespmem:s31], [sflag:$0x7], $0x2000, $0x38;
	[tilespmem:$0x1E380] =	vst v63  }
0x37: {  	_ =	swait.ge [sflag:s0], $0x2000  }
0x38: {  	[sflag:s0] =	ssyncset.done $0x0  }
0x39: {  	s7 =	rddreg [dreg:$0xc];
	[sflag:s0] =	ssyncadd.s32 $0xFFFFE000  }
0x3a: {  	[spmem:s7] =	stream.linear.scatter [tilespmem:s31], [sflag:$0x7], $0x2000, $0x38;
	[tilespmem:$0x1E380] =	vst v63  }
0x3b: {  	_ =	swait.ge [sflag:s0], $0x2000  }
0x3c: {  	[sflag:s0] =	ssyncset.done $0x0  }
0x3d: {  	s29 =	rddreg [dreg:$0xd];
	[sflag:s0] =	ssyncadd.s32 $0xFFFFE000  }
0x3e: {  	[spmem:s29] =	stream.linear.scatter [tilespmem:s31], [sflag:$0x7], $0x2000, $0x38;
	[tilespmem:$0x1E380] =	vst v63  }
0x3f: {  	_ =	swait.ge [sflag:s0], $0x2000  }
0x40: {  	[sflag:s0] =	ssyncset.done $0x0  }
0x41: {  	s17 =	rddreg [dreg:$0xe];
	[sflag:s0] =	ssyncadd.s32 $0xFFFFE000  }
0x42: {  	[spmem:s17] =	stream.linear.scatter [tilespmem:s31], [sflag:$0x7], $0x2000, $0x38;
	[tilespmem:$0x1E380] =	vst v63  }
0x43: {  	_ =	swait.ge [sflag:s0], $0x2000  }
0x44: {  	[sflag:s0] =	ssyncset.done $0x0  }
0x45: {  	s22 =	rddreg [dreg:$0x12];
	[sflag:s0] =	ssyncadd.s32 $0xFFFFE000  }
0x46: {  	[spmem:s22] =	stream.linear.scatter [tilespmem:s31], [sflag:$0x7], $0x2000, $0x38;
	[tilespmem:$0x1E380] =	vst v63  }
0x47: {  	_ =	swait.ge [sflag:s0], $0x2000  }
0x48: {  	[sflag:s0] =	ssyncset.done $0x0  }
0x49: {  	s25 =	rddreg [dreg:$0x13];
	[sflag:s0] =	ssyncadd.s32 $0xFFFFE000  }
0x4a: {  	[spmem:s25] =	stream.linear.scatter [tilespmem:s31], [sflag:$0x7], $0x2000, $0x38;
	[tilespmem:$0x1E380] =	vst v63  }
0x4b: {  	_ =	swait.ge [sflag:s0], $0x2000  }
0x4c: {  	[sflag:s0] =	ssyncset.done $0x0  }
0x4d: {  	s26 =	rddreg [dreg:$0x14];
	[sflag:s0] =	ssyncadd.s32 $0xFFFFE000  }
0x4e: {  	[spmem:s26] =	stream.linear.scatter [tilespmem:s31], [sflag:$0x7], $0x2000, $0x38;
	[tilespmem:$0x1E380] =	vst v63  }
0x4f: {  	_ =	swait.ge [sflag:s0], $0x2000  }
0x50: {  	[sflag:s0] =	ssyncset.done $0x0  }
0x51: {  	s29 =	rddreg [dreg:$0x15];
	[sflag:s0] =	ssyncadd.s32 $0xFFFFE000  }
0x52: {  	[spmem:s29] =	stream.linear.scatter [tilespmem:s31], [sflag:$0x7], $0x2000, $0x38;
	[tilespmem:$0x1E380] =	vst v63  }
0x53: {  	_ =	swait.ge [sflag:s0], $0x2000  }
0x54: {  	[sflag:s0] =	ssyncset.done $0x0  }
0x55: {  	s22 =	simm.s32 @!p1 $0x8B00;
	[sflag:s0] =	ssyncadd.s32 $0xFFFFE000  }
0x56: {  	[spmem:s28] =	stream.linear.scatter @!p1 [tilespmem:s22], [sflag:$0x7], $0x800, $0x38;
	[tilespmem:$0x1E380] =	vst v63  }
0x57: {  	s22 =	simm.s32 @!p1 $0x7  }
0x58: {  	_ =	swait.ge @!p1 [sflag:s22], $0x800  }
0x59: {  	[sflag:s22] =	ssyncset.done @!p1 $0x0  }
0x5a: {  	s7 =	rddreg [dreg:$0x10];
	[sflag:s22] =	ssyncadd.s32 @!p1 $0xFFFFF800;
	s22 =	simm.s32 @!p0 $0x8B00  }
0x5b: {  	[spmem:s7] =	stream.linear.scatter @!p0 [tilespmem:s22], [sflag:$0x7], $0x2000, $0x38;
	[tilespmem:$0x1E380] =	vst v63  }
0x5c: {  	s22 =	simm.s32 @!p0 $0x7  }
0x5d: {  	_ =	swait.ge @!p0 [sflag:s22], $0x2000  }
0x5e: {  	[sflag:s22] =	ssyncset.done @!p0 $0x0  }
0x5f: {  	[sflag:s22] =	ssyncadd.s32 @!p0 $0xFFFFE000  }
0x60: {  	[bflag:$0x0] =	sbarrier.arrive $0xFFFF  }
0x61: {  	s22 =	simm.s32 $0x0;
	s17 =	rddreg [dreg:$0x3]  }
0x62: {  	[tilespmem:s22], [sflag:$0x3] =	stream.linear.gather [hbm4b:s17+s22], $0x80, $0x38;
	[tilespmem:$0x1E380] =	vst v63  }
0x63: {  	s25 =	rddreg [dreg:$0x4]  }
0x64: {  	[tilespmem:s8], [sflag:$0x4] =	stream.linear.gather [hbm4b:s25+s22], $0x80, $0x38;
	[tilespmem:$0x1E380] =	vst v63  }
0x65: {  	_ =	swait.ge [sflag:s9], $0x80  }
0x66: {  	[sflag:s9] =	ssyncset.done $0x0  }
0x67: {  	[sflag:s9] =	ssyncadd.s32 $0xFFFFFF80  }
0x68: {  	_ =	swait.ge [sflag:s10], $0x80  }
0x69: {  	[sflag:s10] =	ssyncset.done $0x0  }
0x6a: {  	[sflag:s10] =	ssyncadd.s32 $0xFFFFFF80  }
0x6b: {  	[tilespmem:s11], [sflag:$0x1] =	stream.indirect.gather [hbm4b:s6+s8], $0x80, s22, s8, $0xb8;
	[tilespmem:$0x1E380] =	vst v63  }
0x6c: {  	s26 =	rddreg [dreg:$0x5]  }
0x6d: {  	[tilespmem:s12], [sflag:$0x5] =	stream.linear.gather [hbm4b:s26+s22], $0x80, $0x38;
	[tilespmem:$0x1E380] =	vst v63  }
0x6e: {  	s29 =	rddreg [dreg:$0x6]  }
0x6f: {  	[tilespmem:s13], [sflag:$0x6] =	stream.linear.gather [hbm4b:s29+s22], $0x80, $0x38;
	[tilespmem:$0x1E380] =	vst v63  }
0x70: {  	_ =	swait.ge [sflag:s14], $0x80  }
0x71: {  	[sflag:s14] =	ssyncset.done $0x0  }
0x72: {  	[sflag:s14] =	ssyncadd.s32 $0xFFFFFF80  }
0x73: {  	_ =	swait.ge [sflag:s15], $0x80  }
0x74: {  	[sflag:s15] =	ssyncset.done $0x0  }
0x75: {  	[sflag:s15] =	ssyncadd.s32 $0xFFFFFF80  }
0x76: {  	[tilespmem:s18], [sflag:$0x2] =	stream.indirect.gather [hbm4b:s6+s8], $0x80, s12, s8, $0xb8;
	[tilespmem:$0x1E380] =	vst v63  }
0x77: {  	_ =	swait.ge [sflag:s19], $0x4000  }
0x78: {  	[sflag:s19] =	ssyncset.done $0x0  }
0x79: {  	[sflag:s19] =	ssyncadd.s32 $0xFFFFC000  }
0x7a: {  	[spmem:s1] =	stream.indirect.scatter.add.f32 [tilespmem:s11], [sflag:$0x7], $0x80, s8, s8, $0xb8;
	[tilespmem:$0x1E380] =	vst v63  }
0x7b: {  	_ =	swait.ge [sflag:s0], $0x4000  }
0x7c: {  	s17 =	rddreg [dreg:$0x11]  }
0x7d: {  	[sflag:s0] =	ssyncset.done $0x0;
	s25 =	sshrl.u32 s17, $0x3  }
0x7e: {  	[sflag:s0] =	ssyncadd.s32 $0xFFFFC000;
	s26 =	sadd.s32 s4, s25  }
0x7f: {  	[tilespmem:s3], [sflag:$0x3] =	stream.linear.gather [hbm4b:s26+s3], $0x80, $0x38;
	[tilespmem:$0x1E380] =	vst v63  }
0x80: {  	s22 =	sadd.s32 s5, s25  }
0x81: {  	[tilespmem:s8], [sflag:$0x4] =	stream.linear.gather [hbm4b:s22+s3], $0x80, $0x38;
	[tilespmem:$0x1E380] =	vst v63  }
0x82: {  	_ =	swait.ge [sflag:s9], $0x80  }
0x83: {  	[sflag:s9] =	ssyncset.done $0x0  }
0x84: {  	[sflag:s9] =	ssyncadd.s32 $0xFFFFFF80  }
0x85: {  	_ =	swait.ge [sflag:s10], $0x80  }
0x86: {  	[sflag:s10] =	ssyncset.done $0x0  }
0x87: {  	[sflag:s10] =	ssyncadd.s32 $0xFFFFFF80  }
0x88: {  	[tilespmem:s11], [sflag:$0x1] =	stream.indirect.gather [hbm4b:s6+s8], $0x80, s3, s8, $0xb8;
	[tilespmem:$0x1E380] =	vst v63  }
0x89: {  	_ =	swait.ge [sflag:s20], $0x4000  }
0x8a: {  	[sflag:s20] =	ssyncset.done $0x0  }
0x8b: {  	[sflag:s20] =	ssyncadd.s32 $0xFFFFC000  }
0x8c: {  	[spmem:s1] =	stream.indirect.scatter.add.f32 [tilespmem:s18], [sflag:$0x7], $0x80, s13, s8, $0xb8;
	[tilespmem:$0x1E380] =	vst v63  }
0x8d: {  	_ =	swait.ge [sflag:s0], $0x4000  }
0x8e: {  	s28 =	sadd.s32 $0x0, s23;
	s29 =	sadd.s32 $0x0, s24;
	[sflag:s0] =	ssyncset.done $0x0  }
0x8f: {  	s26 =	sadd.s32 $0x100, s17;
	s22 =	simm.s32 $0x20;
	[sflag:s0] =	ssyncadd.s32 $0xFFFFC000  }
0x90: {  	[tilespmem:s12], [sflag:$0x5] =	stream.linear.gather [hbm4b:s29+s3], $0x80, $0x38;
	[tilespmem:$0x1E380] =	vst v63  }
.LBB2_4:
0x91: {  	[tilespmem:s13], [sflag:$0x6] =	stream.linear.gather [hbm4b:s28+s3], $0x80, $0x38;
	[tilespmem:$0x1E380] =	vst v63  }
0x92: {  	s28 =	smov.u32 s22  }
0x93: {  	p3 =	sne.s32 s22, $0x4A0;
	s22 =	sadd.s32 $0x20, s22;
	_ =	swait.ge [sflag:s14], $0x80  }
0x94: {  	[sflag:s14] =	ssyncset.done $0x0  }
0x95: {  	[sflag:s14] =	ssyncadd.s32 $0xFFFFFF80  }
0x96: {  	_ =	swait.ge [sflag:s15], $0x80  }
0x97: {  	[sflag:s15] =	ssyncset.done $0x0  }
0x98: {  	[sflag:s15] =	ssyncadd.s32 $0xFFFFFF80  }
0x99: {  	[tilespmem:s18], [sflag:$0x2] =	stream.indirect.gather [hbm4b:s6+s8], $0x80, s12, s8, $0xb8;
	[tilespmem:$0x1E380] =	vst v63  }
0x9a: {  	_ =	swait.ge [sflag:s19], $0x4000  }
0x9b: {  	[sflag:s19] =	ssyncset.done $0x0  }
0x9c: {  	[sflag:s19] =	ssyncadd.s32 $0xFFFFC000  }
0x9d: {  	[spmem:s1] =	stream.indirect.scatter.add.f32 [tilespmem:s11], [sflag:$0x7], $0x80, s8, s8, $0xb8;
	[tilespmem:$0x1E380] =	vst v63  }
0x9e: {  	_ =	swait.ge [sflag:s0], $0x4000  }
0x9f: {  	s29 =	sshrl.u32 s26, $0x3;
	[sflag:s0] =	ssyncset.done $0x0  }
0xa0: {  	s7 =	sadd.s32 s4, s29;
	[sflag:s0] =	ssyncadd.s32 $0xFFFFC000  }
0xa1: {  	[tilespmem:s3], [sflag:$0x3] =	stream.linear.gather [hbm4b:s7+s3], $0x80, $0x38;
	[tilespmem:$0x1E380] =	vst v63  }
0xa2: {  	s7 =	sadd.s32 s5, s29  }
0xa3: {  	[tilespmem:s8], [sflag:$0x4] =	stream.linear.gather [hbm4b:s7+s3], $0x80, $0x38;
	[tilespmem:$0x1E380] =	vst v63  }
0xa4: {  	_ =	swait.ge [sflag:s9], $0x80  }
0xa5: {  	[sflag:s9] =	ssyncset.done $0x0  }
0xa6: {  	[sflag:s9] =	ssyncadd.s32 $0xFFFFFF80  }
0xa7: {  	_ =	swait.ge [sflag:s10], $0x80  }
0xa8: {  	[sflag:s10] =	ssyncset.done $0x0  }
0xa9: {  	[sflag:s10] =	ssyncadd.s32 $0xFFFFFF80  }
0xaa: {  	[tilespmem:s11], [sflag:$0x1] =	stream.indirect.gather [hbm4b:s6+s8], $0x80, s3, s8, $0xb8;
	[tilespmem:$0x1E380] =	vst v63  }
0xab: {  	_ =	swait.ge [sflag:s20], $0x4000  }
0xac: {  	[sflag:s20] =	ssyncset.done $0x0  }
0xad: {  	[sflag:s20] =	ssyncadd.s32 $0xFFFFC000  }
0xae: {  	[spmem:s1] =	stream.indirect.scatter.add.f32 [tilespmem:s18], [sflag:$0x7], $0x80, s13, s8, $0xb8;
	[tilespmem:$0x1E380] =	vst v63  }
.Ltmp1:
0xaf: {  	_ =	swait.ge [sflag:s0], $0x4000;
	(pc) =	sbr.rel @p3 .LBB2_4-.Ltmp1, $4  }
0xb0: {  	[sflag:s0] =	ssyncset.done $0x0  }
0xb1: {  	s7 =	sadd.s32 s28, s24;
	[sflag:s0] =	ssyncadd.s32 $0xFFFFC000  }
0xb2: {  	[tilespmem:s12], [sflag:$0x5] =	stream.linear.gather [hbm4b:s7+s3], $0x80, $0x38;
	[tilespmem:$0x1E380] =	vst v63  }
0xb3: {  	s26 =	sadd.s32 $0x100, s26;
	s28 =	sadd.s32 s28, s23  }
0xb4: {  	[tilespmem:s13], [sflag:$0x6] =	stream.linear.gather [hbm4b:s28+s3], $0x80, $0x38;
	[tilespmem:$0x1E380] =	vst v63  }
0xb5: {  	_ =	swait.ge [sflag:s14], $0x80  }
0xb6: {  	[sflag:s14] =	ssyncset.done $0x0  }
0xb7: {  	[sflag:s14] =	ssyncadd.s32 $0xFFFFFF80  }
0xb8: {  	_ =	swait.ge [sflag:s15], $0x80  }
0xb9: {  	[sflag:s15] =	ssyncset.done $0x0  }
0xba: {  	[sflag:s15] =	ssyncadd.s32 $0xFFFFFF80  }
0xbb: {  	[tilespmem:s18], [sflag:$0x2] =	stream.indirect.gather [hbm4b:s6+s8], $0x80, s12, s8, $0xb8;
	[tilespmem:$0x1E380] =	vst v63  }
0xbc: {  	_ =	swait.ge [sflag:s19], $0x4000  }
0xbd: {  	[sflag:s19] =	ssyncset.done $0x0  }
0xbe: {  	[sflag:s19] =	ssyncadd.s32 $0xFFFFC000  }
0xbf: {  	[spmem:s1] =	stream.indirect.scatter.add.f32 [tilespmem:s11], [sflag:$0x7], $0x80, s8, s8, $0xb8;
	[tilespmem:$0x1E380] =	vst v63  }
0xc0: {  	_ =	swait.ge [sflag:s0], $0x4000  }
0xc1: {  	[sflag:s0] =	ssyncset.done $0x0  }
0xc2: {  	[sflag:s0] =	ssyncadd.s32 $0xFFFFC000  }
0xc3: {  	_ =	swait.ge [sflag:s20], $0x4000  }
0xc4: {  	[sflag:s20] =	ssyncset.done $0x0  }
0xc5: {  	[sflag:s20] =	ssyncadd.s32 $0xFFFFC000  }
0xc6: {  	[spmem:s1] =	stream.indirect.scatter.add.f32 [tilespmem:s18], [sflag:$0x7], $0x80, s13, s8, $0xb8;
	[tilespmem:$0x1E380] =	vst v63  }
0xc7: {  	_ =	swait.ge [sflag:s0], $0x4000  }
0xc8: {  	s7 =	simm.s32 $0x0;
	[sflag:s0] =	ssyncset.done $0x0  }
0xc9: {  	s22 =	simm.s32 $0x8200;
	s17 =	rddreg [dreg:$0x7];
	[sflag:s0] =	ssyncadd.s32 $0xFFFFC000  }
0xca: {  	[tilespmem:s22], [sflag:$0x7] =	stream.linear.gather [hbm4b:s17+s7], $0x10, $0x38;
	[tilespmem:$0x1E380] =	vst v63  }
0xcb: {  	_ =	swait.ge [sflag:s0], $0x10  }
0xcc: {  	[sflag:s0] =	ssyncset.done $0x0  }
0xcd: {  	s25 =	simm.s32 $0x8280;
	s26 =	rddreg [dreg:$0x8];
	[sflag:s0] =	ssyncadd.s32 $0xFFFFFFF0  }
0xce: {  	[tilespmem:s25], [sflag:$0x7] =	stream.linear.gather [hbm4b:s26+s7], $0x10, $0x38;
	[tilespmem:$0x1E380] =	vst v63  }
0xcf: {  	_ =	swait.ge [sflag:s0], $0x10  }
0xd0: {  	[sflag:s0] =	ssyncset.done $0x0  }
0xd1: {  	s17 =	simm.s32 $0x10;
	s26 =	simm.s32 $0x8300;
	[sflag:s0] =	ssyncadd.s32 $0xFFFFFFF0  }
0xd2: {  	[tilespmem:s26], [sflag:$0x1] =	stream.indirect.gather [hbm4b:s6+s17], $0x80, s22, s17, $0xb8;
	[tilespmem:$0x1E380] =	vst v63  }
0xd3: {  	_ =	swait.ge [sflag:s19], $0x800  }
0xd4: {  	[sflag:s19] =	ssyncset.done $0x0  }
0xd5: {  	[sflag:s19] =	ssyncadd.s32 $0xFFFFF800  }
0xd6: {  	[spmem:s1] =	stream.indirect.scatter.add.f32 [tilespmem:s26], [sflag:$0x7], $0x80, s25, s17, $0xb8;
	[tilespmem:$0x1E380] =	vst v63  }
0xd7: {  	s26 =	sadd.s32 $0x0, s2;
	_ =	swait.ge [sflag:s0], $0x800  }
0xd8: {  	p3 =	sgt.u32 s26, $0x9B;
	[sflag:s0] =	ssyncset.done $0x0  }
0xd9: {  	s7 =	simm.s32 @!p3 $0x8B00;
	[sflag:s0] =	ssyncadd.s32 $0xFFFFF800  }
0xda: {  	s22 =	simm.s32 @!p3 $0x8;
	p3 =	por p3, p3;
	[bflag:$0x0] =	sbarrier.arrive $0xFFFF  }
0xdb: {  	[tilespmem:s7], [sflag:$0x8] =	stream.linear.gather @!p3 [spmem:s16], $0x2000, $0x38;
	[tilespmem:$0x1E380] =	vst v63  }
0xdc: {  	s28 =	smov.u32 s21;
	s25 =	smov.u32 s16;
	_ =	swait.ge @!p3 [sflag:s22], $0x2000  }
0xdd: {  	s17 =	sadd.s32 $0x10, s2;
	s29 =	simm.s32 @!p3 $0x7;
	[sflag:s22] =	ssyncset.done @!p3 $0x0  }
0xde: {  	s16 =	rddreg [dreg:$0xf];
	[sflag:s22] =	ssyncadd.s32 @!p3 $0xFFFFE000;
	s22 =	simm.s32 @!p3 $0x0  }
0xdf: {  	[hbm4b:s16+s22] =	stream.linear.scatter @!p3 [tilespmem:s7], [sflag:$0x7], $0x2000, $0x38;
	[tilespmem:$0x1E380] =	vst v63  }
0xe0: {  	s26 =	simm.s32 $0x20;
	p4 =	sgt.u32 s17, $0x9B;
	_ =	swait.ge @!p3 [sflag:s29], $0x2000  }
0xe1: {  	s22 =	sadd.s32 $0x4000, s16;
	s16 =	smov.u32 s21;
	[sflag:s29] =	ssyncset.done @!p3 $0x0  }
.LBB2_6:
0xe2: {  	s7 =	simm.s32 @!p4 $0x8B00;
	s17 =	simm.s32 @!p4 $0x8;
	[sflag:s29] =	ssyncadd.s32 @!p3 $0xFFFFE000  }
0xe3: {  	s21 =	smov.u32 s26;
	p3 =	por p4, p4;
	s26 =	sadd.s32 $0x10, s26  }
0xe4: {  	[tilespmem:s7], [sflag:$0x8] =	stream.linear.gather @!p3 [spmem:s28], $0x2000, $0x38;
	[tilespmem:$0x1E380] =	vst v63  }
0xe5: {  	p5 =	sne.s32 s26, $0xA0;
	_ =	swait.ge @!p3 [sflag:s17], $0x2000  }
.Ltmp2:
0xe6: {  	[sflag:s17] =	ssyncset.done @!p3 $0x0;
	(pc) =	sbr.rel @p5 .LBB2_6-.Ltmp2, $4  }
0xe7: {  	s29 =	simm.s32 @!p3 $0x7;
	[sflag:s17] =	ssyncadd.s32 @!p3 $0xFFFFE000;
	s17 =	simm.s32 @!p3 $0x0  }
0xe8: {  	[hbm4b:s22+s17] =	stream.linear.scatter @!p3 [tilespmem:s7], [sflag:$0x7], $0x2000, $0x38;
	[tilespmem:$0x1E380] =	vst v63  }
0xe9: {  	s7 =	sadd.s32 s21, s2;
	s22 =	sadd.s32 $0x4000, s22;
	_ =	swait.ge @!p3 [sflag:s29], $0x2000  }
0xea: {  	s28 =	sadd.s32 $0x20000, s28;
	p4 =	sgt.u32 s7, $0x9B;
	[sflag:s29] =	ssyncset.done @!p3 $0x0  }
0xeb: {  	s7 =	simm.s32 @!p4 $0x8B00  }
0xec: {  	s17 =	simm.s32 @!p4 $0x8;
	[sflag:s29] =	ssyncadd.s32 @!p3 $0xFFFFE000;
	p3 =	por p4, p4  }
0xed: {  	[tilespmem:s7], [sflag:$0x8] =	stream.linear.gather @!p3 [spmem:s28], $0x2000, $0x38;
	[tilespmem:$0x1E380] =	vst v63  }
0xee: {  	_ =	swait.ge @!p3 [sflag:s17], $0x2000  }
0xef: {  	[sflag:s17] =	ssyncset.done @!p3 $0x0  }
0xf0: {  	s21 =	simm.s32 @!p3 $0x7;
	[sflag:s17] =	ssyncadd.s32 @!p3 $0xFFFFE000;
	s17 =	simm.s32 @!p3 $0x0  }
0xf1: {  	[hbm4b:s22+s17] =	stream.linear.scatter @!p3 [tilespmem:s7], [sflag:$0x7], $0x2000, $0x38;
	[tilespmem:$0x1E380] =	vst v63  }
0xf2: {  	_ =	swait.ge @!p3 [sflag:s21], $0x2000  }
0xf3: {  	s7 =	simm.s32 @!p2 $0x8B00;
	[sflag:s21] =	ssyncset.done @!p3 $0x0  }
0xf4: {  	s17 =	simm.s32 @!p2 $0x7;
	s28 =	rddreg [dreg:$0xb];
	[sflag:s21] =	ssyncadd.s32 @!p3 $0xFFFFE000  }
0xf5: {  	[tilespmem:s7], [sflag:$0x7] =	stream.linear.gather @!p2 [spmem:s28], $0x800, $0x38;
	[tilespmem:$0x1E380] =	vst v63  }
0xf6: {  	_ =	swait.ge @!p2 [sflag:s17], $0x800  }
0xf7: {  	[sflag:s17] =	ssyncset.done @!p2 $0x0  }
0xf8: {  	s21 =	simm.s32 @!p2 $0x0;
	s22 =	rddreg [dreg:$0x9];
	[sflag:s17] =	ssyncadd.s32 @!p2 $0xFFFFF800  }
0xf9: {  	[hbm4b:s22+s21] =	stream.linear.scatter @!p2 [tilespmem:s7], [sflag:$0x7], $0x800, $0x38;
	[tilespmem:$0x1E380] =	vst v63  }
0xfa: {  	_ =	swait.ge @!p2 [sflag:s17], $0x800  }
0xfb: {  	s30 =	sadd.s32 $0x1, s30;
	s29 =	rddreg [dreg:$0xa]  }
0xfc: {  	p3 =	sne.s32 s30, s29  }
.Ltmp3:
0xfd: {  	_ = 	snop;
	(pc) =	sbr.rel @p3 .LBB2_1-.Ltmp3, $3  }
0xfe: {  	_ =	sdelay $0x1  }
0xff: {  	[sflag:s17] =	ssyncset.done @!p2 $0x0  }
0x100: {  	s21 =	smov.u32 s16;
	s16 =	smov.u32 s25;
	[sflag:s17] =	ssyncadd.s32 @!p2 $0xFFFFF800  }
0x101: {  	_ =	sfence.sel $0x180000  }
0x102: {  	[bflag:$0x0] =	sbarrier.arrive $0xFFFF  }
0x103: {  	_ =	strace $0x90000047  }
0x104: {  	[bflag:$0x2] =	sbarrier.arrive $0xFFFF  }
0x105: {  	p0 =	sne.s32 s2, $0x0;
	s0 =	rddreg [dreg:$0x2]  }
0x106: {  	s0 =	sadd.s32 @!p0 $0x100000, s0  }
0x107: {  	[sflag:s0] =	ssyncadd.tile.s32 @!p0 $0x1;
	_ =	shalt  }
.Lfunc_end2:
_tile_overlayer_lowered:
.L_overlay_start_2:
0x108: {  	(tag) =	ssettag $0x2  }
0x109: {  	s0 =	rddreg [dreg:$0x0];
	s2 =	stileid.u32  }
0x10a: {  	s1 =	rddreg [dreg:$0x1];
	p0 =	sne.s32 s2, $0x0  }
0x10b: {  	s3 =	rddreg [dreg:$0x2];
	[bflag:$0x3] =	sbarrier.arrive $0xFFFF;
	s2 =	simm.s32 @!p0 $0x1C07  }
0x10c: {  	[timem:s3], [sflag:s2] =	dma.local @!p0 [hbm:s0], s1  }
0x10d: {  	s0 =	simm.s32 @!p0 $0x7  }
0x10e: {  	_ =	swait.ge @!p0 [sflag:s0], s1  }
0x10f: {  	s1 =	ssub.s32 @!p0 $0x0, s1;
	[sflag:s0] =	ssyncset.done @!p0 $0x0  }
0x110: {  	[sflag:s0] =	ssyncadd.s32 @!p0 s1  }
0x111: {  	[bflag:$0x3] =	sbarrier.arrive $0xFFFF  }
0x112: {  	_ =	shalt  }

</sc_bundles>
